<compile_context>
chip_gen: v7x
topology: tpu7x:2x2x1
jax: 0.10.2.dev20260603
libtpu: 0.0.44.dev20260713+nightly
codegen_flags: <defaults>
</compile_context>

<pallas_src>
import functools

import jax
import jax.numpy as jnp
from jax import lax
from jax.experimental import pallas as pl
from jax.experimental.pallas import tpu as pltpu
from jax.experimental.pallas import tpu_sc as plsc

_NUM_Q = 100000
_D = 64
_B, _T = 1024, 200
_N = _B * _T
_NC, _NS = 2, 16
_NW = _NC * _NS
_NT = _N // _NW
_C = _T
_G = _NT // _C
_MAX_IID = 2 * _NUM_Q
_EPS = 1e-5


def _tec_body(aux_hbm, qtab_hbm, itab_hbm,
              x_hbm, qemb_hbm,
              qspan_v, ispan_v, qr0, ir0, xb0, qr1, ir1, xb1, gb_v,
              g0, g1, wq0, wq1, wx0, wx1):
    cid = lax.axis_index("c")
    sid = lax.axis_index("s")
    wid = sid * _NC + cid
    span0 = pl.multiple_of(wid * _NT, _NT)
    pltpu.sync_copy(aux_hbm.at[pl.ds(2 * _N, 2 * _D)], gb_v)
    pltpu.sync_copy(aux_hbm.at[pl.ds(span0, _NT)], qspan_v)
    pltpu.sync_copy(aux_hbm.at[pl.ds(_N + span0, _NT)], ispan_v)

    def idx_row(r, c0):
        s = pl.ds(r * 16, 16)
        q = qspan_v[s]
        rr = ispan_v[s]
        rr = jnp.minimum(jnp.maximum(rr, 0), 1)
        iid = q + q + rr
        iid = jnp.where(q == 0, 0, iid)
        ispan_v[s] = jnp.minimum(iid, _MAX_IID)
        return c0

    lax.fori_loop(0, _NT // 16, idx_row, 0)

    bufs = ((qr0, ir0, xb0, g0, wq0, wx0), (qr1, ir1, xb1, g1, wq1, wx1))

    def issue_gathers(c, qr, ir, sem):
        off = c * _C
        pltpu.async_copy(qtab_hbm.at[qspan_v.at[pl.ds(off, _C)]], qr, sem)
        pltpu.async_copy(itab_hbm.at[ispan_v.at[pl.ds(off, _C)]], ir, sem)

    def drain_gathers(qr, ir, sem):
        pltpu.make_async_copy(qtab_hbm.at[qspan_v.at[pl.ds(0, _C)]], qr,
                              sem).wait()
        pltpu.make_async_copy(itab_hbm.at[ispan_v.at[pl.ds(0, _C)]], ir,
                              sem).wait()

    inv_d = jnp.float32(1.0 / _D)
    lanes = lax.iota(jnp.int32, 16)
    gams = [plsc.bitcast(gb_v[pl.ds(j * 16, 16)], jnp.float32)
            for j in range(_D // 16)]
    bets = [plsc.bitcast(gb_v[pl.ds(_D + j * 16, 16)], jnp.float32)
            for j in range(_D // 16)]

    def hsum(v):
        for k in (8, 4, 2, 1):
            v = v + v.at[lanes ^ k].get(mode="promise_in_bounds")
        return v

    _U = 4

    def make_tok(qr, ir, xb):
        def tok(i, c2):
            for u in range(_U):
                t = i * _U + u
                v = []
                for j in range(_D // 16):
                    s = pl.ds(j * 16, 16)
                    v.append(qr[t, s] + ir[t, s])
                stot = (v[0] + v[1]) + (v[2] + v[3])
                sstot = (v[0] * v[0] + v[1] * v[1]) + (
                    v[2] * v[2] + v[3] * v[3])
                mv = hsum(stot) * inv_d
                vv = hsum(sstot) * inv_d - mv * mv + jnp.float32(_EPS)
                iy = jnp.int32(0x5F3759DF) - lax.shift_right_logical(
                    plsc.bitcast(vv, jnp.int32), 1)
                y = plsc.bitcast(iy, jnp.float32)
                for _ in range(2):
                    y = y * (jnp.float32(1.5) - jnp.float32(0.5) * vv * y * y)
                nb = mv * y
                for j in range(_D // 16):
                    s = pl.ds(j * 16, 16)
                    xb[t, s] = (v[j] * y - nb) * gams[j] + bets[j]
            return c2
        return tok

    def half(b, c):
        qr, ir, xb, gsem, wqsem, wxsem = bufs[b]
        qro, iro, xbo, gsemo, wqsemo, wxsemo = bufs[1 - b]

        @pl.when(c + 1 < _G)
        def _():
            @pl.when(c > 0)
            def _():
                pltpu.make_async_copy(qro, qemb_hbm.at[0], wqsemo).wait()
            issue_gathers(c + 1, qro, iro, gsemo)

        drain_gathers(qr, ir, gsem)
        b0 = wid * _G + c
        pltpu.async_copy(qr, qemb_hbm.at[b0], wqsem)

        @pl.when(c > 1)
        def _():
            pltpu.make_async_copy(xb, x_hbm.at[0], wxsem).wait()

        lax.fori_loop(0, _C // _U, make_tok(qr, ir, xb), 0)
        pltpu.async_copy(xb, x_hbm.at[b0], wxsem)

    issue_gathers(0, qr0, ir0, g0)

    def pair(i, carry):
        half(0, 2 * i)
        half(1, 2 * i + 1)
        return carry

    lax.fori_loop(0, _G // 2, pair, 0)
    pltpu.make_async_copy(qr0, qemb_hbm.at[0], wq0).wait()
    pltpu.make_async_copy(qr1, qemb_hbm.at[0], wq1).wait()
    pltpu.make_async_copy(xb0, x_hbm.at[0], wx0).wait()
    pltpu.make_async_copy(xb1, x_hbm.at[0], wx1).wait()


def kernel(question_ids, responses, question_table, interaction_table,
           ln_gamma, ln_beta):
    qid = question_ids.reshape(_N).astype(jnp.int32)
    resp = responses.reshape(_N).astype(jnp.int32)
    aux = jnp.concatenate([
        qid, resp,
        lax.bitcast_convert_type(ln_gamma, jnp.int32),
        lax.bitcast_convert_type(ln_beta, jnp.int32),
    ])
    mesh = plsc.VectorSubcoreMesh(core_axis_name="c", subcore_axis_name="s")
    run = pl.kernel(
        _tec_body,
        out_type=(
            jax.ShapeDtypeStruct((_B, _T, _D), jnp.float32),
            jax.ShapeDtypeStruct((_B, _T, _D), jnp.float32),
        ),
        mesh=mesh,
        compiler_params=pltpu.CompilerParams(
            needs_layout_passes=False, use_tc_tiling_on_sc=False),
        scratch_types=[
            pltpu.VMEM((_NT,), jnp.int32),
            pltpu.VMEM((_NT,), jnp.int32),
            pltpu.VMEM((_C, _D), jnp.float32),
            pltpu.VMEM((_C, _D), jnp.float32),
            pltpu.VMEM((_C, _D), jnp.float32),
            pltpu.VMEM((_C, _D), jnp.float32),
            pltpu.VMEM((_C, _D), jnp.float32),
            pltpu.VMEM((_C, _D), jnp.float32),
            pltpu.VMEM((2 * _D,), jnp.int32),
            pltpu.SemaphoreType.DMA,
            pltpu.SemaphoreType.DMA,
            pltpu.SemaphoreType.DMA,
            pltpu.SemaphoreType.DMA,
            pltpu.SemaphoreType.DMA,
            pltpu.SemaphoreType.DMA,
        ],
    )
    x, qemb = run(aux, question_table, interaction_table)
    return (x, qemb)

# --- scband reference (transcript-rebuilt; emitter-appended) ---
"""Pipeline reference for scband-interaction-embedding-89240830476825 (READ-ONLY COPY).

The authoritative reference and input builder live on the scoring server;
editing this copy changes nothing except your own understanding.
"""

import jax, jax.numpy as jnp
import numpy as np

NUM_Q = 100000
D = 64
B, T = 1024, 200


def _layer_norm(x, g, b, eps=1e-5):
    mean = jnp.mean(x, axis=-1, keepdims=True)
    var = jnp.mean((x - mean) ** 2, axis=-1, keepdims=True)
    return (x - mean) / jnp.sqrt(var + eps) * g + b


def setup_inputs(seed: int = 0) -> dict:
    key = jax.random.key(seed)
    k1, k2, k3, k4 = jax.random.split(key, 4)
    question_ids = jax.random.randint(k1, (B, T), 0, NUM_Q + 1)
    responses = jax.random.randint(k2, (B, T), 0, 2)
    question_table = jax.random.normal(k3, (NUM_Q + 1, D), dtype=jnp.float32)
    question_table = question_table.at[0].set(0.0)  # padding_idx row zeroed
    interaction_table = jax.random.normal(k4, (2 * NUM_Q + 1, D), dtype=jnp.float32)
    interaction_table = interaction_table.at[0].set(0.0)  # padding_idx row zeroed
    ln_gamma = jnp.ones((D,), dtype=jnp.float32)
    ln_beta = jnp.zeros((D,), dtype=jnp.float32)
    return {
        "question_ids": question_ids,
        "responses": responses,
        "question_table": question_table,
        "interaction_table": interaction_table,
        "ln_gamma": ln_gamma,
        "ln_beta": ln_beta,
    }


def reference(question_ids, responses, question_table, interaction_table, ln_gamma, ln_beta):
    q = question_ids
    r = jnp.clip(responses, 0, 1)
    interaction_ids = q * 2 + r
    interaction_ids = jnp.where(q == 0, jnp.zeros_like(interaction_ids), interaction_ids)
    q_emb = jnp.take(question_table, q, axis=0)
    inter_emb = jnp.take(interaction_table, interaction_ids, axis=0)
    x = q_emb + inter_emb
    x = _layer_norm(x, ln_gamma, ln_beta)
    # dropout is identity in eval mode
    return (x, q_emb)

if __name__ == "__main__":
    import jax
    _d = setup_inputs()
    print(jax.jit(kernel)(*tuple(_d.values())))

</pallas_src>

<mosaic_0001>
#map = affine_map<(d0, d1) -> (0)>
#map1 = affine_map<(d0, d1) -> (0, 0)>
#map2 = affine_map<(d0, d1) -> (0, 0, 0)>
module attributes {stable_mosaic.version = 14 : i64} {
  func.func @_tec_body(%arg0: i32, %arg1: i32, %arg2: memref<409728xi32, #tpu.memory_space<hbm>>, %arg3: memref<100001x64xf32, #tpu.memory_space<hbm>>, %arg4: memref<200001x64xf32, #tpu.memory_space<hbm>>, %arg5: memref<1024x200x64xf32, #tpu.memory_space<hbm>>, %arg6: memref<1024x200x64xf32, #tpu.memory_space<hbm>>, %arg7: memref<6400xi32, #tpu.memory_space<vmem>>, %arg8: memref<6400xi32, #tpu.memory_space<vmem>>, %arg9: memref<200x64xf32, #tpu.memory_space<vmem>>, %arg10: memref<200x64xf32, #tpu.memory_space<vmem>>, %arg11: memref<200x64xf32, #tpu.memory_space<vmem>>, %arg12: memref<200x64xf32, #tpu.memory_space<vmem>>, %arg13: memref<200x64xf32, #tpu.memory_space<vmem>>, %arg14: memref<200x64xf32, #tpu.memory_space<vmem>>, %arg15: memref<128xi32, #tpu.memory_space<vmem>>, %arg16: memref<!tpu.dma_semaphore, #tpu.memory_space<semaphore_mem>>, %arg17: memref<!tpu.dma_semaphore, #tpu.memory_space<semaphore_mem>>, %arg18: memref<!tpu.dma_semaphore, #tpu.memory_space<semaphore_mem>>, %arg19: memref<!tpu.dma_semaphore, #tpu.memory_space<semaphore_mem>>, %arg20: memref<!tpu.dma_semaphore, #tpu.memory_space<semaphore_mem>>, %arg21: memref<!tpu.dma_semaphore, #tpu.memory_space<semaphore_mem>>) attributes {dimension_semantics = [#tpu.dimension_semantics<core_parallel>, #tpu.dimension_semantics<subcore_parallel>], iteration_bounds = array<i64: 2, 16>, scalar_prefetch = 0 : i64, scratch_operands = 15 : i64, tpu.core_type = #tpu.core_type<sc_vector_subcore>, window_params = [{transform_indices = #map}, {transform_indices = #map1}, {transform_indices = #map1}, {transform_indices = #map2}, {transform_indices = #map2}]} {
    %mul3A = arith.constant 2 : i32
    %mul3A_0 = arith.muli %arg1, %mul3A : i32
    %add3A = arith.addi %mul3A_0, %arg0 : i32
    %mul3A_1 = arith.constant 6400 : i32
    %mul3A_2 = arith.muli %add3A, %mul3A_1 : i32
    %multiple_of3A = tpu.assume_multiple %mul3A_2, 6400 : i32
    "tpu.region"() ({
      %run_scoped3A = tpu.sem_alloc : memref<!tpu.dma_semaphore, #tpu.memory_space<semaphore_mem>>
      %dma_start3A_83 = arith.constant 409600 : i32
      %dma_start3A_84 = tpu.memref_slice %arg2[%dma_start3A_83] : memref<409728xi32, #tpu.memory_space<hbm>> -> memref<128xi32, #tpu.memory_space<hbm>>
      %dma_start3A_85 = arith.constant 409600 : i32
      %dma_start3A_86 = tpu.memref_slice %arg2[%dma_start3A_85] : memref<409728xi32, #tpu.memory_space<hbm>> -> memref<128xi32, #tpu.memory_space<hbm>>
      tpu.enqueue_dma source(%dma_start3A_86 : memref<128xi32, #tpu.memory_space<hbm>>) target(%arg15 : memref<128xi32, #tpu.memory_space<vmem>>) target_semaphore(%run_scoped3A : memref<!tpu.dma_semaphore, #tpu.memory_space<semaphore_mem>>)
      %dma_wait3A_87 = arith.constant 409600 : i32
      %dma_wait3A_88 = tpu.memref_slice %arg2[%dma_wait3A_87] : memref<409728xi32, #tpu.memory_space<hbm>> -> memref<128xi32, #tpu.memory_space<hbm>>
      %dma_wait3A_89 = arith.constant 409600 : i32
      %dma_wait3A_90 = tpu.memref_slice %arg2[%dma_wait3A_89] : memref<409728xi32, #tpu.memory_space<hbm>> -> memref<128xi32, #tpu.memory_space<hbm>>
      tpu.wait_dma2 semaphore(%run_scoped3A : memref<!tpu.dma_semaphore, #tpu.memory_space<semaphore_mem>>) src(%dma_wait3A_90 : memref<128xi32, #tpu.memory_space<hbm>>) dst(%arg15 : memref<128xi32, #tpu.memory_space<vmem>>)
      tpu.yield
    }) : () -> ()
    "tpu.region"() ({
      %run_scoped3A = tpu.sem_alloc : memref<!tpu.dma_semaphore, #tpu.memory_space<semaphore_mem>>
      %dma_start3A_83 = tpu.memref_slice %arg2[%multiple_of3A] : memref<409728xi32, #tpu.memory_space<hbm>> -> memref<6400xi32, #tpu.memory_space<hbm>>
      %dma_start3A_84 = tpu.memref_slice %arg2[%multiple_of3A] : memref<409728xi32, #tpu.memory_space<hbm>> -> memref<6400xi32, #tpu.memory_space<hbm>>
      tpu.enqueue_dma source(%dma_start3A_84 : memref<6400xi32, #tpu.memory_space<hbm>>) target(%arg7 : memref<6400xi32, #tpu.memory_space<vmem>>) target_semaphore(%run_scoped3A : memref<!tpu.dma_semaphore, #tpu.memory_space<semaphore_mem>>)
      %dma_wait3A_85 = tpu.memref_slice %arg2[%multiple_of3A] : memref<409728xi32, #tpu.memory_space<hbm>> -> memref<6400xi32, #tpu.memory_space<hbm>>
      %dma_wait3A_86 = tpu.memref_slice %arg2[%multiple_of3A] : memref<409728xi32, #tpu.memory_space<hbm>> -> memref<6400xi32, #tpu.memory_space<hbm>>
      tpu.wait_dma2 semaphore(%run_scoped3A : memref<!tpu.dma_semaphore, #tpu.memory_space<semaphore_mem>>) src(%dma_wait3A_86 : memref<6400xi32, #tpu.memory_space<hbm>>) dst(%arg7 : memref<6400xi32, #tpu.memory_space<vmem>>)
      tpu.yield
    }) : () -> ()
    %add3A_3 = arith.constant 204800 : i32
    %add3A_4 = arith.addi %add3A_3, %multiple_of3A : i32
    "tpu.region"() ({
      %run_scoped3A = tpu.sem_alloc : memref<!tpu.dma_semaphore, #tpu.memory_space<semaphore_mem>>
      %dma_start3A_83 = tpu.memref_slice %arg2[%add3A_4] : memref<409728xi32, #tpu.memory_space<hbm>> -> memref<6400xi32, #tpu.memory_space<hbm>>
      %dma_start3A_84 = tpu.memref_slice %arg2[%add3A_4] : memref<409728xi32, #tpu.memory_space<hbm>> -> memref<6400xi32, #tpu.memory_space<hbm>>
      tpu.enqueue_dma source(%dma_start3A_84 : memref<6400xi32, #tpu.memory_space<hbm>>) target(%arg8 : memref<6400xi32, #tpu.memory_space<vmem>>) target_semaphore(%run_scoped3A : memref<!tpu.dma_semaphore, #tpu.memory_space<semaphore_mem>>)
      %dma_wait3A_85 = tpu.memref_slice %arg2[%add3A_4] : memref<409728xi32, #tpu.memory_space<hbm>> -> memref<6400xi32, #tpu.memory_space<hbm>>
      %dma_wait3A_86 = tpu.memref_slice %arg2[%add3A_4] : memref<409728xi32, #tpu.memory_space<hbm>> -> memref<6400xi32, #tpu.memory_space<hbm>>
      tpu.wait_dma2 semaphore(%run_scoped3A : memref<!tpu.dma_semaphore, #tpu.memory_space<semaphore_mem>>) src(%dma_wait3A_86 : memref<6400xi32, #tpu.memory_space<hbm>>) dst(%arg8 : memref<6400xi32, #tpu.memory_space<vmem>>)
      tpu.yield
    }) : () -> ()
    %scan3A = arith.constant 0 : i32
    %scan3A_5 = arith.constant 0 : i32
    %scan3A_6 = arith.constant 400 : i32
    %scan3A_7 = arith.addi %scan3A_5, %scan3A_6 : i32
    %scan3A_8 = arith.constant 1 : i32
    scf.for %scan3A_83 = %scan3A_5 to %scan3A_7 step %scan3A_8  : i32 {
      %mul3A_84 = arith.constant 16 : i32
      %mul3A_85 = arith.muli %scan3A_83, %mul3A_84 : i32
      %get3A_86 = arith.index_cast %mul3A_85 : i32 to index
      %get3A_87 = tpu.vector_load %arg7[%get3A_86] {strides = array<i32>} : memref<6400xi32, #tpu.memory_space<vmem>>, vector<16xi32>,
      %get3A_88 = arith.index_cast %mul3A_85 : i32 to index
      %get3A_89 = tpu.vector_load %arg8[%get3A_88] {strides = array<i32>} : memref<6400xi32, #tpu.memory_space<vmem>>, vector<16xi32>,
      %max3A = arith.constant 0 : i32
      %max3A_90 = vector.broadcast %max3A : i32 to vector<16xi32>
      %max3A_91 = arith.maxsi %get3A_89, %max3A_90 : vector<16xi32>
      %min3A = arith.constant 1 : i32
      %min3A_92 = vector.broadcast %min3A : i32 to vector<16xi32>
      %min3A_93 = arith.minsi %max3A_91, %min3A_92 : vector<16xi32>
      %add3A_94 = arith.addi %get3A_87, %get3A_87 : vector<16xi32>
      %add3A_95 = arith.addi %add3A_94, %min3A_93 : vector<16xi32>
      %eq3A = arith.constant 0 : i32
      %eq3A_96 = vector.broadcast %eq3A : i32 to vector<16xi32>
      %eq3A_97 = arith.cmpi eq, %get3A_87, %eq3A_96 : vector<16xi32>
      %jit3A = arith.constant 0 : i32
      %broadcast_in_dim3A = vector.broadcast %jit3A : i32 to vector<16xi32>
      %select_n3A = arith.select %eq3A_97, %broadcast_in_dim3A, %add3A_95 : vector<16xi1>, vector<16xi32>
      %min3A_98 = arith.constant 200000 : i32
      %min3A_99 = vector.broadcast %min3A_98 : i32 to vector<16xi32>
      %min3A_100 = arith.minsi %select_n3A, %min3A_99 : vector<16xi32>
      %swap3A = arith.index_cast %mul3A_85 : i32 to index
      %swap3A_101 = tpu.vector_load %arg8[%swap3A] {strides = array<i32>} : memref<6400xi32, #tpu.memory_space<vmem>>, vector<16xi32>,
      tpu.vector_store %arg8[%swap3A], %min3A_100 {strides = array<i32>} : memref<6400xi32, #tpu.memory_space<vmem>>, vector<16xi32>,
    }
    %scan3A_9 = arith.constant 400 : i32
    %iota3A = tpu.iota {dimensions = array<i32: 0>} : vector<16xi32>
    %get3A = arith.constant 0 : index
    %get3A_10 = tpu.vector_load %arg15[%get3A] {strides = array<i32>} : memref<128xi32, #tpu.memory_space<vmem>>, vector<16xi32>,
    %bitcast3A = vector.bitcast %get3A_10 : vector<16xi32> to vector<16xf32>
    %get3A_11 = arith.constant 16 : index
    %get3A_12 = tpu.vector_load %arg15[%get3A_11] {strides = array<i32>} : memref<128xi32, #tpu.memory_space<vmem>>, vector<16xi32>,
    %bitcast3A_13 = vector.bitcast %get3A_12 : vector<16xi32> to vector<16xf32>
    %get3A_14 = arith.constant 32 : index
    %get3A_15 = tpu.vector_load %arg15[%get3A_14] {strides = array<i32>} : memref<128xi32, #tpu.memory_space<vmem>>, vector<16xi32>,
    %bitcast3A_16 = vector.bitcast %get3A_15 : vector<16xi32> to vector<16xf32>
    %get3A_17 = arith.constant 48 : index
    %get3A_18 = tpu.vector_load %arg15[%get3A_17] {strides = array<i32>} : memref<128xi32, #tpu.memory_space<vmem>>, vector<16xi32>,
    %bitcast3A_19 = vector.bitcast %get3A_18 : vector<16xi32> to vector<16xf32>
    %get3A_20 = arith.constant 64 : index
    %get3A_21 = tpu.vector_load %arg15[%get3A_20] {strides = array<i32>} : memref<128xi32, #tpu.memory_space<vmem>>, vector<16xi32>,
    %bitcast3A_22 = vector.bitcast %get3A_21 : vector<16xi32> to vector<16xf32>
    %get3A_23 = arith.constant 80 : index
    %get3A_24 = tpu.vector_load %arg15[%get3A_23] {strides = array<i32>} : memref<128xi32, #tpu.memory_space<vmem>>, vector<16xi32>,
    %bitcast3A_25 = vector.bitcast %get3A_24 : vector<16xi32> to vector<16xf32>
    %get3A_26 = arith.constant 96 : index
    %get3A_27 = tpu.vector_load %arg15[%get3A_26] {strides = array<i32>} : memref<128xi32, #tpu.memory_space<vmem>>, vector<16xi32>,
    %bitcast3A_28 = vector.bitcast %get3A_27 : vector<16xi32> to vector<16xf32>
    %get3A_29 = arith.constant 112 : index
    %get3A_30 = tpu.vector_load %arg15[%get3A_29] {strides = array<i32>} : memref<128xi32, #tpu.memory_space<vmem>>, vector<16xi32>,
    %bitcast3A_31 = vector.bitcast %get3A_30 : vector<16xi32> to vector<16xf32>
    %dma_start3A = arith.constant 0 : i32
    %dma_start3A_32 = tpu.memref_slice %arg7[%dma_start3A] : memref<6400xi32, #tpu.memory_space<vmem>> -> memref<200xi32, #tpu.memory_space<vmem>>
    %dma_start3A_33 = arith.constant 0 : i32
    %dma_start3A_34 = arith.constant 0 : i32
    %dma_start3A_35 = tpu.memref_slice %arg3[%dma_start3A_33, %dma_start3A_34] : memref<100001x64xf32, #tpu.memory_space<hbm>> -> memref<100001x64xf32, #tpu.memory_space<hbm>>
    tpu.enqueue_indirect_dma source(%dma_start3A_35 : memref<100001x64xf32, #tpu.memory_space<hbm>>) target(%arg9 : memref<200x64xf32, #tpu.memory_space<vmem>>) offsets(%dma_start3A_32 : memref<200xi32, #tpu.memory_space<vmem>>) semaphore(%arg16 : memref<!tpu.dma_semaphore, #tpu.memory_space<semaphore_mem>>)
    %dma_start3A_36 = arith.constant 0 : i32
    %dma_start3A_37 = tpu.memref_slice %arg8[%dma_start3A_36] : memref<6400xi32, #tpu.memory_space<vmem>> -> memref<200xi32, #tpu.memory_space<vmem>>
    %dma_start3A_38 = arith.constant 0 : i32
    %dma_start3A_39 = arith.constant 0 : i32
    %dma_start3A_40 = tpu.memref_slice %arg4[%dma_start3A_38, %dma_start3A_39] : memref<200001x64xf32, #tpu.memory_space<hbm>> -> memref<200001x64xf32, #tpu.memory_space<hbm>>
    tpu.enqueue_indirect_dma source(%dma_start3A_40 : memref<200001x64xf32, #tpu.memory_space<hbm>>) target(%arg10 : memref<200x64xf32, #tpu.memory_space<vmem>>) offsets(%dma_start3A_37 : memref<200xi32, #tpu.memory_space<vmem>>) semaphore(%arg16 : memref<!tpu.dma_semaphore, #tpu.memory_space<semaphore_mem>>)
    %scan3A_41 = arith.constant 0 : i32
    %scan3A_42 = arith.constant 1.562500e-02 : f32
    %scan3A_43 = arith.constant 0 : i32
    %scan3A_44 = arith.constant 16 : i32
    %scan3A_45 = arith.addi %scan3A_43, %scan3A_44 : i32
    %scan3A_46 = arith.constant 1 : i32
    scf.for %scan3A_83 = %scan3A_43 to %scan3A_45 step %scan3A_46  : i32 {
      %mul3A_84 = arith.constant 2 : i32
      %mul3A_85 = arith.muli %mul3A_84, %scan3A_83 : i32
      %add3A_86 = arith.constant 1 : i32
      %add3A_87 = arith.addi %mul3A_85, %add3A_86 : i32
      %lt3A = arith.constant 32 : i32
      %lt3A_88 = arith.cmpi slt, %add3A_87, %lt3A : i32
      %convert_element_type3A = arith.extui %lt3A_88 : i1 to i32
      %cond3A = arith.constant 0 : i32
      %cond3A_89 = arith.cmpi ne, %convert_element_type3A, %cond3A : i32
      scf.if %cond3A_89 {
        %gt3A_180 = arith.constant 0 : i32
        %gt3A_181 = arith.cmpi sgt, %mul3A_85, %gt3A_180 : i32
        %convert_element_type3A_182 = arith.extui %gt3A_181 : i1 to i32
        %cond3A_183 = arith.constant 0 : i32
        %cond3A_184 = arith.cmpi ne, %convert_element_type3A_182, %cond3A_183 : i32
        scf.if %cond3A_184 {
          %dma_wait3A_197 = arith.constant 0 : i32
          %dma_wait3A_198 = arith.constant 0 : i32
          %dma_wait3A_199 = arith.constant 0 : i32
          %dma_wait3A_200 = tpu.memref_slice %arg6[%dma_wait3A_197, %dma_wait3A_198, %dma_wait3A_199] : memref<1024x200x64xf32, #tpu.memory_space<hbm>> -> memref<1x200x64xf32, #tpu.memory_space<hbm>>
          %dma_wait3A_201 = tpu.memref_squeeze %dma_wait3A_200 : memref<1x200x64xf32, #tpu.memory_space<hbm>> -> memref<200x64xf32, #tpu.memory_space<hbm>>
          %dma_wait3A_202 = arith.constant 0 : i32
          %dma_wait3A_203 = arith.constant 0 : i32
          %dma_wait3A_204 = tpu.memref_slice %arg6[%dma_wait3A_197, %dma_wait3A_202, %dma_wait3A_203] : memref<1024x200x64xf32, #tpu.memory_space<hbm>> -> memref<1x200x64xf32, #tpu.memory_space<hbm>>
          %dma_wait3A_205 = tpu.memref_squeeze %dma_wait3A_204 : memref<1x200x64xf32, #tpu.memory_space<hbm>> -> memref<200x64xf32, #tpu.memory_space<hbm>>
          tpu.wait_dma2 semaphore(%arg19 : memref<!tpu.dma_semaphore, #tpu.memory_space<semaphore_mem>>) src(%arg12 : memref<200x64xf32, #tpu.memory_space<vmem>>) dst(%dma_wait3A_205 : memref<200x64xf32, #tpu.memory_space<hbm>>)
        } else {
        }
        %add3A_185 = arith.constant 1 : i32
        %add3A_186 = arith.addi %mul3A_85, %add3A_185 : i32
        %mul3A_187 = arith.constant 200 : i32
        %mul3A_188 = arith.muli %add3A_186, %mul3A_187 : i32
        %dma_start3A_189 = tpu.memref_slice %arg7[%mul3A_188] : memref<6400xi32, #tpu.memory_space<vmem>> -> memref<200xi32, #tpu.memory_space<vmem>>
        %dma_start3A_190 = arith.constant 0 : i32
        %dma_start3A_191 = arith.constant 0 : i32
        %dma_start3A_192 = tpu.memref_slice %arg3[%dma_start3A_190, %dma_start3A_191] : memref<100001x64xf32, #tpu.memory_space<hbm>> -> memref<100001x64xf32, #tpu.memory_space<hbm>>
        tpu.enqueue_indirect_dma source(%dma_start3A_192 : memref<100001x64xf32, #tpu.memory_space<hbm>>) target(%arg12 : memref<200x64xf32, #tpu.memory_space<vmem>>) offsets(%dma_start3A_189 : memref<200xi32, #tpu.memory_space<vmem>>) semaphore(%arg17 : memref<!tpu.dma_semaphore, #tpu.memory_space<semaphore_mem>>)
        %dma_start3A_193 = tpu.memref_slice %arg8[%mul3A_188] : memref<6400xi32, #tpu.memory_space<vmem>> -> memref<200xi32, #tpu.memory_space<vmem>>
        %dma_start3A_194 = arith.constant 0 : i32
        %dma_start3A_195 = arith.constant 0 : i32
        %dma_start3A_196 = tpu.memref_slice %arg4[%dma_start3A_194, %dma_start3A_195] : memref<200001x64xf32, #tpu.memory_space<hbm>> -> memref<200001x64xf32, #tpu.memory_space<hbm>>
        tpu.enqueue_indirect_dma source(%dma_start3A_196 : memref<200001x64xf32, #tpu.memory_space<hbm>>) target(%arg13 : memref<200x64xf32, #tpu.memory_space<vmem>>) offsets(%dma_start3A_193 : memref<200xi32, #tpu.memory_space<vmem>>) semaphore(%arg17 : memref<!tpu.dma_semaphore, #tpu.memory_space<semaphore_mem>>)
      } else {
      }
      %dma_wait3A_90 = arith.constant 0 : i32
      %dma_wait3A_91 = tpu.memref_slice %arg7[%dma_wait3A_90] : memref<6400xi32, #tpu.memory_space<vmem>> -> memref<200xi32, #tpu.memory_space<vmem>>
      %dma_wait3A_92 = arith.constant 0 : i32
      %dma_wait3A_93 = arith.constant 0 : i32
      %dma_wait3A_94 = tpu.memref_slice %arg3[%dma_wait3A_92, %dma_wait3A_93] : memref<100001x64xf32, #tpu.memory_space<hbm>> -> memref<100001x64xf32, #tpu.memory_space<hbm>>
      tpu.wait_indirect_dma semaphore(%arg16 : memref<!tpu.dma_semaphore, #tpu.memory_space<semaphore_mem>>) src(%dma_wait3A_94 : memref<100001x64xf32, #tpu.memory_space<hbm>>) dst(%arg9 : memref<200x64xf32, #tpu.memory_space<vmem>>)
      %dma_wait3A_95 = arith.constant 0 : i32
      %dma_wait3A_96 = tpu.memref_slice %arg8[%dma_wait3A_95] : memref<6400xi32, #tpu.memory_space<vmem>> -> memref<200xi32, #tpu.memory_space<vmem>>
      %dma_wait3A_97 = arith.constant 0 : i32
      %dma_wait3A_98 = arith.constant 0 : i32
      %dma_wait3A_99 = tpu.memref_slice %arg4[%dma_wait3A_97, %dma_wait3A_98] : memref<200001x64xf32, #tpu.memory_space<hbm>> -> memref<200001x64xf32, #tpu.memory_space<hbm>>
      tpu.wait_indirect_dma semaphore(%arg16 : memref<!tpu.dma_semaphore, #tpu.memory_space<semaphore_mem>>) src(%dma_wait3A_99 : memref<200001x64xf32, #tpu.memory_space<hbm>>) dst(%arg10 : memref<200x64xf32, #tpu.memory_space<vmem>>)
      %mul3A_100 = arith.constant 32 : i32
      %mul3A_101 = arith.muli %add3A, %mul3A_100 : i32
      %add3A_102 = arith.addi %mul3A_101, %mul3A_85 : i32
      %dma_start3A_103 = arith.constant 0 : i32
      %dma_start3A_104 = arith.constant 0 : i32
      %dma_start3A_105 = tpu.memref_slice %arg6[%add3A_102, %dma_start3A_103, %dma_start3A_104] : memref<1024x200x64xf32, #tpu.memory_space<hbm>> -> memref<1x200x64xf32, #tpu.memory_space<hbm>>
      %dma_start3A_106 = tpu.memref_squeeze %dma_start3A_105 : memref<1x200x64xf32, #tpu.memory_space<hbm>> -> memref<200x64xf32, #tpu.memory_space<hbm>>
      %dma_start3A_107 = arith.constant 0 : i32
      %dma_start3A_108 = arith.constant 0 : i32
      %dma_start3A_109 = tpu.memref_slice %arg6[%add3A_102, %dma_start3A_107, %dma_start3A_108] : memref<1024x200x64xf32, #tpu.memory_space<hbm>> -> memref<1x200x64xf32, #tpu.memory_space<hbm>>
      %dma_start3A_110 = tpu.memref_squeeze %dma_start3A_109 : memref<1x200x64xf32, #tpu.memory_space<hbm>> -> memref<200x64xf32, #tpu.memory_space<hbm>>
      tpu.enqueue_dma source(%arg9 : memref<200x64xf32, #tpu.memory_space<vmem>>) target(%dma_start3A_110 : memref<200x64xf32, #tpu.memory_space<hbm>>) target_semaphore(%arg18 : memref<!tpu.dma_semaphore, #tpu.memory_space<semaphore_mem>>)
      %gt3A = arith.constant 1 : i32
      %gt3A_111 = arith.cmpi sgt, %mul3A_85, %gt3A : i32
      %convert_element_type3A_112 = arith.extui %gt3A_111 : i1 to i32
      %cond3A_113 = arith.constant 0 : i32
      %cond3A_114 = arith.cmpi ne, %convert_element_type3A_112, %cond3A_113 : i32
      scf.if %cond3A_114 {
        %dma_wait3A_180 = arith.constant 0 : i32
        %dma_wait3A_181 = arith.constant 0 : i32
        %dma_wait3A_182 = arith.constant 0 : i32
        %dma_wait3A_183 = tpu.memref_slice %arg5[%dma_wait3A_180, %dma_wait3A_181, %dma_wait3A_182] : memref<1024x200x64xf32, #tpu.memory_space<hbm>> -> memref<1x200x64xf32, #tpu.memory_space<hbm>>
        %dma_wait3A_184 = tpu.memref_squeeze %dma_wait3A_183 : memref<1x200x64xf32, #tpu.memory_space<hbm>> -> memref<200x64xf32, #tpu.memory_space<hbm>>
        %dma_wait3A_185 = arith.constant 0 : i32
        %dma_wait3A_186 = arith.constant 0 : i32
        %dma_wait3A_187 = tpu.memref_slice %arg5[%dma_wait3A_180, %dma_wait3A_185, %dma_wait3A_186] : memref<1024x200x64xf32, #tpu.memory_space<hbm>> -> memref<1x200x64xf32, #tpu.memory_space<hbm>>
        %dma_wait3A_188 = tpu.memref_squeeze %dma_wait3A_187 : memref<1x200x64xf32, #tpu.memory_space<hbm>> -> memref<200x64xf32, #tpu.memory_space<hbm>>
        tpu.wait_dma2 semaphore(%arg20 : memref<!tpu.dma_semaphore, #tpu.memory_space<semaphore_mem>>) src(%arg11 : memref<200x64xf32, #tpu.memory_space<vmem>>) dst(%dma_wait3A_188 : memref<200x64xf32, #tpu.memory_space<hbm>>)
      } else {
      }
      %scan3A_115 = arith.constant 0 : i32
      %scan3A_116 = arith.constant 0 : i32
      %scan3A_117 = arith.constant 50 : i32
      %scan3A_118 = arith.addi %scan3A_116, %scan3A_117 : i32
      %scan3A_119 = arith.constant 1 : i32
      scf.for %scan3A_180 = %scan3A_116 to %scan3A_118 step %scan3A_119  : i32 {
        %mul3A_181 = arith.constant 4 : i32
        %mul3A_182 = arith.muli %scan3A_180, %mul3A_181 : i32
        %add3A_183 = arith.constant 0 : i32
        %add3A_184 = arith.addi %mul3A_182, %add3A_183 : i32
        %get3A_185 = arith.index_cast %add3A_184 : i32 to index
        %get3A_186 = arith.constant 0 : index
        %get3A_187 = tpu.vector_load %arg9[%get3A_185, %get3A_186] {strides = array<i32>} : memref<200x64xf32, #tpu.memory_space<vmem>>, vector<16xf32>,
        %get3A_188 = arith.index_cast %add3A_184 : i32 to index
        %get3A_189 = arith.constant 0 : index
        %get3A_190 = tpu.vector_load %arg10[%get3A_188, %get3A_189] {strides = array<i32>} : memref<200x64xf32, #tpu.memory_space<vmem>>, vector<16xf32>,
        %add3A_191 = arith.addf %get3A_187, %get3A_190 : vector<16xf32>
        %get3A_192 = arith.index_cast %add3A_184 : i32 to index
        %get3A_193 = arith.constant 16 : index
        %get3A_194 = tpu.vector_load %arg9[%get3A_192, %get3A_193] {strides = array<i32>} : memref<200x64xf32, #tpu.memory_space<vmem>>, vector<16xf32>,
        %get3A_195 = arith.index_cast %add3A_184 : i32 to index
        %get3A_196 = arith.constant 16 : index
        %get3A_197 = tpu.vector_load %arg10[%get3A_195, %get3A_196] {strides = array<i32>} : memref<200x64xf32, #tpu.memory_space<vmem>>, vector<16xf32>,
        %add3A_198 = arith.addf %get3A_194, %get3A_197 : vector<16xf32>
        %get3A_199 = arith.index_cast %add3A_184 : i32 to index
        %get3A_200 = arith.constant 32 : index
        %get3A_201 = tpu.vector_load %arg9[%get3A_199, %get3A_200] {strides = array<i32>} : memref<200x64xf32, #tpu.memory_space<vmem>>, vector<16xf32>,
        %get3A_202 = arith.index_cast %add3A_184 : i32 to index
        %get3A_203 = arith.constant 32 : index
        %get3A_204 = tpu.vector_load %arg10[%get3A_202, %get3A_203] {strides = array<i32>} : memref<200x64xf32, #tpu.memory_space<vmem>>, vector<16xf32>,
        %add3A_205 = arith.addf %get3A_201, %get3A_204 : vector<16xf32>
        %get3A_206 = arith.index_cast %add3A_184 : i32 to index
        %get3A_207 = arith.constant 48 : index
        %get3A_208 = tpu.vector_load %arg9[%get3A_206, %get3A_207] {strides = array<i32>} : memref<200x64xf32, #tpu.memory_space<vmem>>, vector<16xf32>,
        %get3A_209 = arith.index_cast %add3A_184 : i32 to index
        %get3A_210 = arith.constant 48 : index
        %get3A_211 = tpu.vector_load %arg10[%get3A_209, %get3A_210] {strides = array<i32>} : memref<200x64xf32, #tpu.memory_space<vmem>>, vector<16xf32>,
        %add3A_212 = arith.addf %get3A_208, %get3A_211 : vector<16xf32>
        %add3A_213 = arith.addf %add3A_191, %add3A_198 : vector<16xf32>
        %add3A_214 = arith.addf %add3A_205, %add3A_212 : vector<16xf32>
        %add3A_215 = arith.addf %add3A_213, %add3A_214 : vector<16xf32>
        %mul3A_216 = arith.mulf %add3A_191, %add3A_191 : vector<16xf32>
        %mul3A_217 = arith.mulf %add3A_198, %add3A_198 : vector<16xf32>
        %add3A_218 = arith.addf %mul3A_216, %mul3A_217 : vector<16xf32>
        %mul3A_219 = arith.mulf %add3A_205, %add3A_205 : vector<16xf32>
        %mul3A_220 = arith.mulf %add3A_212, %add3A_212 : vector<16xf32>
        %add3A_221 = arith.addf %mul3A_219, %mul3A_220 : vector<16xf32>
        %add3A_222 = arith.addf %add3A_218, %add3A_221 : vector<16xf32>
        %xor3A = arith.constant 8 : i32
        %xor3A_223 = vector.broadcast %xor3A : i32 to vector<16xi32>
        %xor3A_224 = arith.xori %iota3A, %xor3A_223 : vector<16xi32>
        %lt3A_225 = arith.constant 0 : i32
        %lt3A_226 = vector.broadcast %lt3A_225 : i32 to vector<16xi32>
        %lt3A_227 = arith.cmpi slt, %xor3A_224, %lt3A_226 : vector<16xi32>
        %add3A_228 = arith.constant 16 : i32
        %add3A_229 = vector.broadcast %add3A_228 : i32 to vector<16xi32>
        %add3A_230 = arith.addi %xor3A_224, %add3A_229 : vector<16xi32>
        %select_n3A = arith.select %lt3A_227, %add3A_230, %xor3A_224 : vector<16xi1>, vector<16xi32>
        %broadcast_in_dim3A = vector.shape_cast %select_n3A : vector<16xi32> to vector<16x1xi32>
        %gather3A = vector.shape_cast %broadcast_in_dim3A : vector<16x1xi32> to vector<16xi32>
        %gather3A_231 = tpu.dynamic_gather %add3A_215[%gather3A] in [0] : vector<16xf32>, vector<16xi32> -> vector<16xf32>
        %add3A_232 = arith.addf %add3A_215, %gather3A_231 : vector<16xf32>
        %xor3A_233 = arith.constant 4 : i32
        %xor3A_234 = vector.broadcast %xor3A_233 : i32 to vector<16xi32>
        %xor3A_235 = arith.xori %iota3A, %xor3A_234 : vector<16xi32>
        %lt3A_236 = arith.constant 0 : i32
        %lt3A_237 = vector.broadcast %lt3A_236 : i32 to vector<16xi32>
        %lt3A_238 = arith.cmpi slt, %xor3A_235, %lt3A_237 : vector<16xi32>
        %add3A_239 = arith.constant 16 : i32
        %add3A_240 = vector.broadcast %add3A_239 : i32 to vector<16xi32>
        %add3A_241 = arith.addi %xor3A_235, %add3A_240 : vector<16xi32>
        %select_n3A_242 = arith.select %lt3A_238, %add3A_241, %xor3A_235 : vector<16xi1>, vector<16xi32>
        %broadcast_in_dim3A_243 = vector.shape_cast %select_n3A_242 : vector<16xi32> to vector<16x1xi32>
        %gather3A_244 = vector.shape_cast %broadcast_in_dim3A_243 : vector<16x1xi32> to vector<16xi32>
        %gather3A_245 = tpu.dynamic_gather %add3A_232[%gather3A_244] in [0] : vector<16xf32>, vector<16xi32> -> vector<16xf32>
        %add3A_246 = arith.addf %add3A_232, %gather3A_245 : vector<16xf32>
        %xor3A_247 = arith.constant 2 : i32
        %xor3A_248 = vector.broadcast %xor3A_247 : i32 to vector<16xi32>
        %xor3A_249 = arith.xori %iota3A, %xor3A_248 : vector<16xi32>
        %lt3A_250 = arith.constant 0 : i32
        %lt3A_251 = vector.broadcast %lt3A_250 : i32 to vector<16xi32>
        %lt3A_252 = arith.cmpi slt, %xor3A_249, %lt3A_251 : vector<16xi32>
        %add3A_253 = arith.constant 16 : i32
        %add3A_254 = vector.broadcast %add3A_253 : i32 to vector<16xi32>
        %add3A_255 = arith.addi %xor3A_249, %add3A_254 : vector<16xi32>
        %select_n3A_256 = arith.select %lt3A_252, %add3A_255, %xor3A_249 : vector<16xi1>, vector<16xi32>
        %broadcast_in_dim3A_257 = vector.shape_cast %select_n3A_256 : vector<16xi32> to vector<16x1xi32>
        %gather3A_258 = vector.shape_cast %broadcast_in_dim3A_257 : vector<16x1xi32> to vector<16xi32>
        %gather3A_259 = tpu.dynamic_gather %add3A_246[%gather3A_258] in [0] : vector<16xf32>, vector<16xi32> -> vector<16xf32>
        %add3A_260 = arith.addf %add3A_246, %gather3A_259 : vector<16xf32>
        %xor3A_261 = arith.constant 1 : i32
        %xor3A_262 = vector.broadcast %xor3A_261 : i32 to vector<16xi32>
        %xor3A_263 = arith.xori %iota3A, %xor3A_262 : vector<16xi32>
        %lt3A_264 = arith.constant 0 : i32
        %lt3A_265 = vector.broadcast %lt3A_264 : i32 to vector<16xi32>
        %lt3A_266 = arith.cmpi slt, %xor3A_263, %lt3A_265 : vector<16xi32>
        %add3A_267 = arith.constant 16 : i32
        %add3A_268 = vector.broadcast %add3A_267 : i32 to vector<16xi32>
        %add3A_269 = arith.addi %xor3A_263, %add3A_268 : vector<16xi32>
        %select_n3A_270 = arith.select %lt3A_266, %add3A_269, %xor3A_263 : vector<16xi1>, vector<16xi32>
        %broadcast_in_dim3A_271 = vector.shape_cast %select_n3A_270 : vector<16xi32> to vector<16x1xi32>
        %gather3A_272 = vector.shape_cast %broadcast_in_dim3A_271 : vector<16x1xi32> to vector<16xi32>
        %gather3A_273 = tpu.dynamic_gather %add3A_260[%gather3A_272] in [0] : vector<16xf32>, vector<16xi32> -> vector<16xf32>
        %add3A_274 = arith.addf %add3A_260, %gather3A_273 : vector<16xf32>
        %mul3A_275 = vector.broadcast %scan3A_42 : f32 to vector<16xf32>
        %mul3A_276 = arith.mulf %add3A_274, %mul3A_275 : vector<16xf32>
        %xor3A_277 = arith.constant 8 : i32
        %xor3A_278 = vector.broadcast %xor3A_277 : i32 to vector<16xi32>
        %xor3A_279 = arith.xori %iota3A, %xor3A_278 : vector<16xi32>
        %lt3A_280 = arith.constant 0 : i32
        %lt3A_281 = vector.broadcast %lt3A_280 : i32 to vector<16xi32>
        %lt3A_282 = arith.cmpi slt, %xor3A_279, %lt3A_281 : vector<16xi32>
        %add3A_283 = arith.constant 16 : i32
        %add3A_284 = vector.broadcast %add3A_283 : i32 to vector<16xi32>
        %add3A_285 = arith.addi %xor3A_279, %add3A_284 : vector<16xi32>
        %select_n3A_286 = arith.select %lt3A_282, %add3A_285, %xor3A_279 : vector<16xi1>, vector<16xi32>
        %broadcast_in_dim3A_287 = vector.shape_cast %select_n3A_286 : vector<16xi32> to vector<16x1xi32>
        %gather3A_288 = vector.shape_cast %broadcast_in_dim3A_287 : vector<16x1xi32> to vector<16xi32>
        %gather3A_289 = tpu.dynamic_gather %add3A_222[%gather3A_288] in [0] : vector<16xf32>, vector<16xi32> -> vector<16xf32>
        %add3A_290 = arith.addf %add3A_222, %gather3A_289 : vector<16xf32>
        %xor3A_291 = arith.constant 4 : i32
        %xor3A_292 = vector.broadcast %xor3A_291 : i32 to vector<16xi32>
        %xor3A_293 = arith.xori %iota3A, %xor3A_292 : vector<16xi32>
        %lt3A_294 = arith.constant 0 : i32
        %lt3A_295 = vector.broadcast %lt3A_294 : i32 to vector<16xi32>
        %lt3A_296 = arith.cmpi slt, %xor3A_293, %lt3A_295 : vector<16xi32>
        %add3A_297 = arith.constant 16 : i32
        %add3A_298 = vector.broadcast %add3A_297 : i32 to vector<16xi32>
        %add3A_299 = arith.addi %xor3A_293, %add3A_298 : vector<16xi32>
        %select_n3A_300 = arith.select %lt3A_296, %add3A_299, %xor3A_293 : vector<16xi1>, vector<16xi32>
        %broadcast_in_dim3A_301 = vector.shape_cast %select_n3A_300 : vector<16xi32> to vector<16x1xi32>
        %gather3A_302 = vector.shape_cast %broadcast_in_dim3A_301 : vector<16x1xi32> to vector<16xi32>
        %gather3A_303 = tpu.dynamic_gather %add3A_290[%gather3A_302] in [0] : vector<16xf32>, vector<16xi32> -> vector<16xf32>
        %add3A_304 = arith.addf %add3A_290, %gather3A_303 : vector<16xf32>
        %xor3A_305 = arith.constant 2 : i32
        %xor3A_306 = vector.broadcast %xor3A_305 : i32 to vector<16xi32>
        %xor3A_307 = arith.xori %iota3A, %xor3A_306 : vector<16xi32>
        %lt3A_308 = arith.constant 0 : i32
        %lt3A_309 = vector.broadcast %lt3A_308 : i32 to vector<16xi32>
        %lt3A_310 = arith.cmpi slt, %xor3A_307, %lt3A_309 : vector<16xi32>
        %add3A_311 = arith.constant 16 : i32
        %add3A_312 = vector.broadcast %add3A_311 : i32 to vector<16xi32>
        %add3A_313 = arith.addi %xor3A_307, %add3A_312 : vector<16xi32>
        %select_n3A_314 = arith.select %lt3A_310, %add3A_313, %xor3A_307 : vector<16xi1>, vector<16xi32>
        %broadcast_in_dim3A_315 = vector.shape_cast %select_n3A_314 : vector<16xi32> to vector<16x1xi32>
        %gather3A_316 = vector.shape_cast %broadcast_in_dim3A_315 : vector<16x1xi32> to vector<16xi32>
        %gather3A_317 = tpu.dynamic_gather %add3A_304[%gather3A_316] in [0] : vector<16xf32>, vector<16xi32> -> vector<16xf32>
        %add3A_318 = arith.addf %add3A_304, %gather3A_317 : vector<16xf32>
        %xor3A_319 = arith.constant 1 : i32
        %xor3A_320 = vector.broadcast %xor3A_319 : i32 to vector<16xi32>
        %xor3A_321 = arith.xori %iota3A, %xor3A_320 : vector<16xi32>
        %lt3A_322 = arith.constant 0 : i32
        %lt3A_323 = vector.broadcast %lt3A_322 : i32 to vector<16xi32>
        %lt3A_324 = arith.cmpi slt, %xor3A_321, %lt3A_323 : vector<16xi32>
        %add3A_325 = arith.constant 16 : i32
        %add3A_326 = vector.broadcast %add3A_325 : i32 to vector<16xi32>
        %add3A_327 = arith.addi %xor3A_321, %add3A_326 : vector<16xi32>
        %select_n3A_328 = arith.select %lt3A_324, %add3A_327, %xor3A_321 : vector<16xi1>, vector<16xi32>
        %broadcast_in_dim3A_329 = vector.shape_cast %select_n3A_328 : vector<16xi32> to vector<16x1xi32>
        %gather3A_330 = vector.shape_cast %broadcast_in_dim3A_329 : vector<16x1xi32> to vector<16xi32>
        %gather3A_331 = tpu.dynamic_gather %add3A_318[%gather3A_330] in [0] : vector<16xf32>, vector<16xi32> -> vector<16xf32>
        %add3A_332 = arith.addf %add3A_318, %gather3A_331 : vector<16xf32>
        %mul3A_333 = vector.broadcast %scan3A_42 : f32 to vector<16xf32>
        %mul3A_334 = arith.mulf %add3A_332, %mul3A_333 : vector<16xf32>
        %mul3A_335 = arith.mulf %mul3A_276, %mul3A_276 : vector<16xf32>
        %sub3A = arith.subf %mul3A_334, %mul3A_335 : vector<16xf32>
        %add3A_336 = arith.constant 9.99999974E-6 : f32
        %add3A_337 = vector.broadcast %add3A_336 : f32 to vector<16xf32>
        %add3A_338 = arith.addf %sub3A, %add3A_337 : vector<16xf32>
        %bitcast3A_339 = vector.bitcast %add3A_338 : vector<16xf32> to vector<16xi32>
        %shift_right_logical3A = arith.constant 1 : i32
        %shift_right_logical3A_340 = vector.broadcast %shift_right_logical3A : i32 to vector<16xi32>
        %shift_right_logical3A_341 = arith.shrui %bitcast3A_339, %shift_right_logical3A_340 : vector<16xi32>
        %sub3A_342 = arith.constant 1597463007 : i32
        %sub3A_343 = vector.broadcast %sub3A_342 : i32 to vector<16xi32>
        %sub3A_344 = arith.subi %sub3A_343, %shift_right_logical3A_341 : vector<16xi32>
        %bitcast3A_345 = vector.bitcast %sub3A_344 : vector<16xi32> to vector<16xf32>
        %mul3A_346 = arith.constant 5.000000e-01 : f32
        %mul3A_347 = vector.broadcast %mul3A_346 : f32 to vector<16xf32>
        %mul3A_348 = arith.mulf %mul3A_347, %add3A_338 : vector<16xf32>
        %mul3A_349 = arith.mulf %mul3A_348, %bitcast3A_345 : vector<16xf32>
        %mul3A_350 = arith.mulf %mul3A_349, %bitcast3A_345 : vector<16xf32>
        %sub3A_351 = arith.constant 1.500000e+00 : f32
        %sub3A_352 = vector.broadcast %sub3A_351 : f32 to vector<16xf32>
        %sub3A_353 = arith.subf %sub3A_352, %mul3A_350 : vector<16xf32>
        %mul3A_354 = arith.mulf %bitcast3A_345, %sub3A_353 : vector<16xf32>
        %mul3A_355 = arith.constant 5.000000e-01 : f32
        %mul3A_356 = vector.broadcast %mul3A_355 : f32 to vector<16xf32>
        %mul3A_357 = arith.mulf %mul3A_356, %add3A_338 : vector<16xf32>
        %mul3A_358 = arith.mulf %mul3A_357, %mul3A_354 : vector<16xf32>
        %mul3A_359 = arith.mulf %mul3A_358, %mul3A_354 : vector<16xf32>
        %sub3A_360 = arith.constant 1.500000e+00 : f32
        %sub3A_361 = vector.broadcast %sub3A_360 : f32 to vector<16xf32>
        %sub3A_362 = arith.subf %sub3A_361, %mul3A_359 : vector<16xf32>
        %mul3A_363 = arith.mulf %mul3A_354, %sub3A_362 : vector<16xf32>
        %mul3A_364 = arith.mulf %mul3A_276, %mul3A_363 : vector<16xf32>
        %mul3A_365 = arith.mulf %add3A_191, %mul3A_363 : vector<16xf32>
        %sub3A_366 = arith.subf %mul3A_365, %mul3A_364 : vector<16xf32>
        %mul3A_367 = arith.mulf %sub3A_366, %bitcast3A : vector<16xf32>
        %add3A_368 = arith.addf %mul3A_367, %bitcast3A_22 : vector<16xf32>
        %swap3A = arith.index_cast %add3A_184 : i32 to index
        %swap3A_369 = arith.constant 0 : index
        %swap3A_370 = tpu.vector_load %arg11[%swap3A, %swap3A_369] {strides = array<i32>} : memref<200x64xf32, #tpu.memory_space<vmem>>, vector<16xf32>,
        tpu.vector_store %arg11[%swap3A, %swap3A_369], %add3A_368 {strides = array<i32>} : memref<200x64xf32, #tpu.memory_space<vmem>>, vector<16xf32>,
        %mul3A_371 = arith.mulf %add3A_198, %mul3A_363 : vector<16xf32>
        %sub3A_372 = arith.subf %mul3A_371, %mul3A_364 : vector<16xf32>
        %mul3A_373 = arith.mulf %sub3A_372, %bitcast3A_13 : vector<16xf32>
        %add3A_374 = arith.addf %mul3A_373, %bitcast3A_25 : vector<16xf32>
        %swap3A_375 = arith.index_cast %add3A_184 : i32 to index
        %swap3A_376 = arith.constant 16 : index
        %swap3A_377 = tpu.vector_load %arg11[%swap3A_375, %swap3A_376] {strides = array<i32>} : memref<200x64xf32, #tpu.memory_space<vmem>>, vector<16xf32>,
        tpu.vector_store %arg11[%swap3A_375, %swap3A_376], %add3A_374 {strides = array<i32>} : memref<200x64xf32, #tpu.memory_space<vmem>>, vector<16xf32>,
        %mul3A_378 = arith.mulf %add3A_205, %mul3A_363 : vector<16xf32>
        %sub3A_379 = arith.subf %mul3A_378, %mul3A_364 : vector<16xf32>
        %mul3A_380 = arith.mulf %sub3A_379, %bitcast3A_16 : vector<16xf32>
        %add3A_381 = arith.addf %mul3A_380, %bitcast3A_28 : vector<16xf32>
        %swap3A_382 = arith.index_cast %add3A_184 : i32 to index
        %swap3A_383 = arith.constant 32 : index
        %swap3A_384 = tpu.vector_load %arg11[%swap3A_382, %swap3A_383] {strides = array<i32>} : memref<200x64xf32, #tpu.memory_space<vmem>>, vector<16xf32>,
        tpu.vector_store %arg11[%swap3A_382, %swap3A_383], %add3A_381 {strides = array<i32>} : memref<200x64xf32, #tpu.memory_space<vmem>>, vector<16xf32>,
        %mul3A_385 = arith.mulf %add3A_212, %mul3A_363 : vector<16xf32>
        %sub3A_386 = arith.subf %mul3A_385, %mul3A_364 : vector<16xf32>
        %mul3A_387 = arith.mulf %sub3A_386, %bitcast3A_19 : vector<16xf32>
        %add3A_388 = arith.addf %mul3A_387, %bitcast3A_31 : vector<16xf32>
        %swap3A_389 = arith.index_cast %add3A_184 : i32 to index
        %swap3A_390 = arith.constant 48 : index
        %swap3A_391 = tpu.vector_load %arg11[%swap3A_389, %swap3A_390] {strides = array<i32>} : memref<200x64xf32, #tpu.memory_space<vmem>>, vector<16xf32>,
        tpu.vector_store %arg11[%swap3A_389, %swap3A_390], %add3A_388 {strides = array<i32>} : memref<200x64xf32, #tpu.memory_space<vmem>>, vector<16xf32>,
        %mul3A_392 = arith.constant 4 : i32
        %mul3A_393 = arith.muli %scan3A_180, %mul3A_392 : i32
        %add3A_394 = arith.constant 1 : i32
        %add3A_395 = arith.addi %mul3A_393, %add3A_394 : i32
        %get3A_396 = arith.index_cast %add3A_395 : i32 to index
        %get3A_397 = arith.constant 0 : index
        %get3A_398 = tpu.vector_load %arg9[%get3A_396, %get3A_397] {strides = array<i32>} : memref<200x64xf32, #tpu.memory_space<vmem>>, vector<16xf32>,
        %get3A_399 = arith.index_cast %add3A_395 : i32 to index
        %get3A_400 = arith.constant 0 : index
        %get3A_401 = tpu.vector_load %arg10[%get3A_399, %get3A_400] {strides = array<i32>} : memref<200x64xf32, #tpu.memory_space<vmem>>, vector<16xf32>,
        %add3A_402 = arith.addf %get3A_398, %get3A_401 : vector<16xf32>
        %get3A_403 = arith.index_cast %add3A_395 : i32 to index
        %get3A_404 = arith.constant 16 : index
        %get3A_405 = tpu.vector_load %arg9[%get3A_403, %get3A_404] {strides = array<i32>} : memref<200x64xf32, #tpu.memory_space<vmem>>, vector<16xf32>,
        %get3A_406 = arith.index_cast %add3A_395 : i32 to index
        %get3A_407 = arith.constant 16 : index
        %get3A_408 = tpu.vector_load %arg10[%get3A_406, %get3A_407] {strides = array<i32>} : memref<200x64xf32, #tpu.memory_space<vmem>>, vector<16xf32>,
        %add3A_409 = arith.addf %get3A_405, %get3A_408 : vector<16xf32>
        %get3A_410 = arith.index_cast %add3A_395 : i32 to index
        %get3A_411 = arith.constant 32 : index
        %get3A_412 = tpu.vector_load %arg9[%get3A_410, %get3A_411] {strides = array<i32>} : memref<200x64xf32, #tpu.memory_space<vmem>>, vector<16xf32>,
        %get3A_413 = arith.index_cast %add3A_395 : i32 to index
        %get3A_414 = arith.constant 32 : index
        %get3A_415 = tpu.vector_load %arg10[%get3A_413, %get3A_414] {strides = array<i32>} : memref<200x64xf32, #tpu.memory_space<vmem>>, vector<16xf32>,
        %add3A_416 = arith.addf %get3A_412, %get3A_415 : vector<16xf32>
        %get3A_417 = arith.index_cast %add3A_395 : i32 to index
        %get3A_418 = arith.constant 48 : index
        %get3A_419 = tpu.vector_load %arg9[%get3A_417, %get3A_418] {strides = array<i32>} : memref<200x64xf32, #tpu.memory_space<vmem>>, vector<16xf32>,
        %get3A_420 = arith.index_cast %add3A_395 : i32 to index
        %get3A_421 = arith.constant 48 : index
        %get3A_422 = tpu.vector_load %arg10[%get3A_420, %get3A_421] {strides = array<i32>} : memref<200x64xf32, #tpu.memory_space<vmem>>, vector<16xf32>,
        %add3A_423 = arith.addf %get3A_419, %get3A_422 : vector<16xf32>
        %add3A_424 = arith.addf %add3A_402, %add3A_409 : vector<16xf32>
        %add3A_425 = arith.addf %add3A_416, %add3A_423 : vector<16xf32>
        %add3A_426 = arith.addf %add3A_424, %add3A_425 : vector<16xf32>
        %mul3A_427 = arith.mulf %add3A_402, %add3A_402 : vector<16xf32>
        %mul3A_428 = arith.mulf %add3A_409, %add3A_409 : vector<16xf32>
        %add3A_429 = arith.addf %mul3A_427, %mul3A_428 : vector<16xf32>
        %mul3A_430 = arith.mulf %add3A_416, %add3A_416 : vector<16xf32>
        %mul3A_431 = arith.mulf %add3A_423, %add3A_423 : vector<16xf32>
        %add3A_432 = arith.addf %mul3A_430, %mul3A_431 : vector<16xf32>
        %add3A_433 = arith.addf %add3A_429, %add3A_432 : vector<16xf32>
        %xor3A_434 = arith.constant 8 : i32
        %xor3A_435 = vector.broadcast %xor3A_434 : i32 to vector<16xi32>
        %xor3A_436 = arith.xori %iota3A, %xor3A_435 : vector<16xi32>
        %lt3A_437 = arith.constant 0 : i32
        %lt3A_438 = vector.broadcast %lt3A_437 : i32 to vector<16xi32>
        %lt3A_439 = arith.cmpi slt, %xor3A_436, %lt3A_438 : vector<16xi32>
        %add3A_440 = arith.constant 16 : i32
        %add3A_441 = vector.broadcast %add3A_440 : i32 to vector<16xi32>
        %add3A_442 = arith.addi %xor3A_436, %add3A_441 : vector<16xi32>
        %select_n3A_443 = arith.select %lt3A_439, %add3A_442, %xor3A_436 : vector<16xi1>, vector<16xi32>
        %broadcast_in_dim3A_444 = vector.shape_cast %select_n3A_443 : vector<16xi32> to vector<16x1xi32>
        %gather3A_445 = vector.shape_cast %broadcast_in_dim3A_444 : vector<16x1xi32> to vector<16xi32>
        %gather3A_446 = tpu.dynamic_gather %add3A_426[%gather3A_445] in [0] : vector<16xf32>, vector<16xi32> -> vector<16xf32>
        %add3A_447 = arith.addf %add3A_426, %gather3A_446 : vector<16xf32>
        %xor3A_448 = arith.constant 4 : i32
        %xor3A_449 = vector.broadcast %xor3A_448 : i32 to vector<16xi32>
        %xor3A_450 = arith.xori %iota3A, %xor3A_449 : vector<16xi32>
        %lt3A_451 = arith.constant 0 : i32
        %lt3A_452 = vector.broadcast %lt3A_451 : i32 to vector<16xi32>
        %lt3A_453 = arith.cmpi slt, %xor3A_450, %lt3A_452 : vector<16xi32>
        %add3A_454 = arith.constant 16 : i32
        %add3A_455 = vector.broadcast %add3A_454 : i32 to vector<16xi32>
        %add3A_456 = arith.addi %xor3A_450, %add3A_455 : vector<16xi32>
        %select_n3A_457 = arith.select %lt3A_453, %add3A_456, %xor3A_450 : vector<16xi1>, vector<16xi32>
        %broadcast_in_dim3A_458 = vector.shape_cast %select_n3A_457 : vector<16xi32> to vector<16x1xi32>
        %gather3A_459 = vector.shape_cast %broadcast_in_dim3A_458 : vector<16x1xi32> to vector<16xi32>
        %gather3A_460 = tpu.dynamic_gather %add3A_447[%gather3A_459] in [0] : vector<16xf32>, vector<16xi32> -> vector<16xf32>
        %add3A_461 = arith.addf %add3A_447, %gather3A_460 : vector<16xf32>
        %xor3A_462 = arith.constant 2 : i32
        %xor3A_463 = vector.broadcast %xor3A_462 : i32 to vector<16xi32>
        %xor3A_464 = arith.xori %iota3A, %xor3A_463 : vector<16xi32>
        %lt3A_465 = arith.constant 0 : i32
        %lt3A_466 = vector.broadcast %lt3A_465 : i32 to vector<16xi32>
        %lt3A_467 = arith.cmpi slt, %xor3A_464, %lt3A_466 : vector<16xi32>
        %add3A_468 = arith.constant 16 : i32
        %add3A_469 = vector.broadcast %add3A_468 : i32 to vector<16xi32>
        %add3A_470 = arith.addi %xor3A_464, %add3A_469 : vector<16xi32>
        %select_n3A_471 = arith.select %lt3A_467, %add3A_470, %xor3A_464 : vector<16xi1>, vector<16xi32>
        %broadcast_in_dim3A_472 = vector.shape_cast %select_n3A_471 : vector<16xi32> to vector<16x1xi32>
        %gather3A_473 = vector.shape_cast %broadcast_in_dim3A_472 : vector<16x1xi32> to vector<16xi32>
        %gather3A_474 = tpu.dynamic_gather %add3A_461[%gather3A_473] in [0] : vector<16xf32>, vector<16xi32> -> vector<16xf32>
        %add3A_475 = arith.addf %add3A_461, %gather3A_474 : vector<16xf32>
        %xor3A_476 = arith.constant 1 : i32
        %xor3A_477 = vector.broadcast %xor3A_476 : i32 to vector<16xi32>
        %xor3A_478 = arith.xori %iota3A, %xor3A_477 : vector<16xi32>
        %lt3A_479 = arith.constant 0 : i32
        %lt3A_480 = vector.broadcast %lt3A_479 : i32 to vector<16xi32>
        %lt3A_481 = arith.cmpi slt, %xor3A_478, %lt3A_480 : vector<16xi32>
        %add3A_482 = arith.constant 16 : i32
        %add3A_483 = vector.broadcast %add3A_482 : i32 to vector<16xi32>
        %add3A_484 = arith.addi %xor3A_478, %add3A_483 : vector<16xi32>
        %select_n3A_485 = arith.select %lt3A_481, %add3A_484, %xor3A_478 : vector<16xi1>, vector<16xi32>
        %broadcast_in_dim3A_486 = vector.shape_cast %select_n3A_485 : vector<16xi32> to vector<16x1xi32>
        %gather3A_487 = vector.shape_cast %broadcast_in_dim3A_486 : vector<16x1xi32> to vector<16xi32>
        %gather3A_488 = tpu.dynamic_gather %add3A_475[%gather3A_487] in [0] : vector<16xf32>, vector<16xi32> -> vector<16xf32>
        %add3A_489 = arith.addf %add3A_475, %gather3A_488 : vector<16xf32>
        %mul3A_490 = vector.broadcast %scan3A_42 : f32 to vector<16xf32>
        %mul3A_491 = arith.mulf %add3A_489, %mul3A_490 : vector<16xf32>
        %xor3A_492 = arith.constant 8 : i32
        %xor3A_493 = vector.broadcast %xor3A_492 : i32 to vector<16xi32>
        %xor3A_494 = arith.xori %iota3A, %xor3A_493 : vector<16xi32>
        %lt3A_495 = arith.constant 0 : i32
        %lt3A_496 = vector.broadcast %lt3A_495 : i32 to vector<16xi32>
        %lt3A_497 = arith.cmpi slt, %xor3A_494, %lt3A_496 : vector<16xi32>
        %add3A_498 = arith.constant 16 : i32
        %add3A_499 = vector.broadcast %add3A_498 : i32 to vector<16xi32>
        %add3A_500 = arith.addi %xor3A_494, %add3A_499 : vector<16xi32>
        %select_n3A_501 = arith.select %lt3A_497, %add3A_500, %xor3A_494 : vector<16xi1>, vector<16xi32>
        %broadcast_in_dim3A_502 = vector.shape_cast %select_n3A_501 : vector<16xi32> to vector<16x1xi32>
        %gather3A_503 = vector.shape_cast %broadcast_in_dim3A_502 : vector<16x1xi32> to vector<16xi32>
        %gather3A_504 = tpu.dynamic_gather %add3A_433[%gather3A_503] in [0] : vector<16xf32>, vector<16xi32> -> vector<16xf32>
        %add3A_505 = arith.addf %add3A_433, %gather3A_504 : vector<16xf32>
        %xor3A_506 = arith.constant 4 : i32
        %xor3A_507 = vector.broadcast %xor3A_506 : i32 to vector<16xi32>
        %xor3A_508 = arith.xori %iota3A, %xor3A_507 : vector<16xi32>
        %lt3A_509 = arith.constant 0 : i32
        %lt3A_510 = vector.broadcast %lt3A_509 : i32 to vector<16xi32>
        %lt3A_511 = arith.cmpi slt, %xor3A_508, %lt3A_510 : vector<16xi32>
        %add3A_512 = arith.constant 16 : i32
        %add3A_513 = vector.broadcast %add3A_512 : i32 to vector<16xi32>
        %add3A_514 = arith.addi %xor3A_508, %add3A_513 : vector<16xi32>
        %select_n3A_515 = arith.select %lt3A_511, %add3A_514, %xor3A_508 : vector<16xi1>, vector<16xi32>
        %broadcast_in_dim3A_516 = vector.shape_cast %select_n3A_515 : vector<16xi32> to vector<16x1xi32>
        %gather3A_517 = vector.shape_cast %broadcast_in_dim3A_516 : vector<16x1xi32> to vector<16xi32>
        %gather3A_518 = tpu.dynamic_gather %add3A_505[%gather3A_517] in [0] : vector<16xf32>, vector<16xi32> -> vector<16xf32>
        %add3A_519 = arith.addf %add3A_505, %gather3A_518 : vector<16xf32>
        %xor3A_520 = arith.constant 2 : i32
        %xor3A_521 = vector.broadcast %xor3A_520 : i32 to vector<16xi32>
        %xor3A_522 = arith.xori %iota3A, %xor3A_521 : vector<16xi32>
        %lt3A_523 = arith.constant 0 : i32
        %lt3A_524 = vector.broadcast %lt3A_523 : i32 to vector<16xi32>
        %lt3A_525 = arith.cmpi slt, %xor3A_522, %lt3A_524 : vector<16xi32>
        %add3A_526 = arith.constant 16 : i32
        %add3A_527 = vector.broadcast %add3A_526 : i32 to vector<16xi32>
        %add3A_528 = arith.addi %xor3A_522, %add3A_527 : vector<16xi32>
        %select_n3A_529 = arith.select %lt3A_525, %add3A_528, %xor3A_522 : vector<16xi1>, vector<16xi32>
        %broadcast_in_dim3A_530 = vector.shape_cast %select_n3A_529 : vector<16xi32> to vector<16x1xi32>
        %gather3A_531 = vector.shape_cast %broadcast_in_dim3A_530 : vector<16x1xi32> to vector<16xi32>
        %gather3A_532 = tpu.dynamic_gather %add3A_519[%gather3A_531] in [0] : vector<16xf32>, vector<16xi32> -> vector<16xf32>
        %add3A_533 = arith.addf %add3A_519, %gather3A_532 : vector<16xf32>
        %xor3A_534 = arith.constant 1 : i32
        %xor3A_535 = vector.broadcast %xor3A_534 : i32 to vector<16xi32>
        %xor3A_536 = arith.xori %iota3A, %xor3A_535 : vector<16xi32>
        %lt3A_537 = arith.constant 0 : i32
        %lt3A_538 = vector.broadcast %lt3A_537 : i32 to vector<16xi32>
        %lt3A_539 = arith.cmpi slt, %xor3A_536, %lt3A_538 : vector<16xi32>
        %add3A_540 = arith.constant 16 : i32
        %add3A_541 = vector.broadcast %add3A_540 : i32 to vector<16xi32>
        %add3A_542 = arith.addi %xor3A_536, %add3A_541 : vector<16xi32>
        %select_n3A_543 = arith.select %lt3A_539, %add3A_542, %xor3A_536 : vector<16xi1>, vector<16xi32>
        %broadcast_in_dim3A_544 = vector.shape_cast %select_n3A_543 : vector<16xi32> to vector<16x1xi32>
        %gather3A_545 = vector.shape_cast %broadcast_in_dim3A_544 : vector<16x1xi32> to vector<16xi32>
        %gather3A_546 = tpu.dynamic_gather %add3A_533[%gather3A_545] in [0] : vector<16xf32>, vector<16xi32> -> vector<16xf32>
        %add3A_547 = arith.addf %add3A_533, %gather3A_546 : vector<16xf32>
        %mul3A_548 = vector.broadcast %scan3A_42 : f32 to vector<16xf32>
        %mul3A_549 = arith.mulf %add3A_547, %mul3A_548 : vector<16xf32>
        %mul3A_550 = arith.mulf %mul3A_491, %mul3A_491 : vector<16xf32>
        %sub3A_551 = arith.subf %mul3A_549, %mul3A_550 : vector<16xf32>
        %add3A_552 = arith.constant 9.99999974E-6 : f32
        %add3A_553 = vector.broadcast %add3A_552 : f32 to vector<16xf32>
        %add3A_554 = arith.addf %sub3A_551, %add3A_553 : vector<16xf32>
        %bitcast3A_555 = vector.bitcast %add3A_554 : vector<16xf32> to vector<16xi32>
        %shift_right_logical3A_556 = arith.constant 1 : i32
        %shift_right_logical3A_557 = vector.broadcast %shift_right_logical3A_556 : i32 to vector<16xi32>
        %shift_right_logical3A_558 = arith.shrui %bitcast3A_555, %shift_right_logical3A_557 : vector<16xi32>
        %sub3A_559 = arith.constant 1597463007 : i32
        %sub3A_560 = vector.broadcast %sub3A_559 : i32 to vector<16xi32>
        %sub3A_561 = arith.subi %sub3A_560, %shift_right_logical3A_558 : vector<16xi32>
        %bitcast3A_562 = vector.bitcast %sub3A_561 : vector<16xi32> to vector<16xf32>
        %mul3A_563 = arith.constant 5.000000e-01 : f32
        %mul3A_564 = vector.broadcast %mul3A_563 : f32 to vector<16xf32>
        %mul3A_565 = arith.mulf %mul3A_564, %add3A_554 : vector<16xf32>
        %mul3A_566 = arith.mulf %mul3A_565, %bitcast3A_562 : vector<16xf32>
        %mul3A_567 = arith.mulf %mul3A_566, %bitcast3A_562 : vector<16xf32>
        %sub3A_568 = arith.constant 1.500000e+00 : f32
        %sub3A_569 = vector.broadcast %sub3A_568 : f32 to vector<16xf32>
        %sub3A_570 = arith.subf %sub3A_569, %mul3A_567 : vector<16xf32>
        %mul3A_571 = arith.mulf %bitcast3A_562, %sub3A_570 : vector<16xf32>
        %mul3A_572 = arith.constant 5.000000e-01 : f32
        %mul3A_573 = vector.broadcast %mul3A_572 : f32 to vector<16xf32>
        %mul3A_574 = arith.mulf %mul3A_573, %add3A_554 : vector<16xf32>
        %mul3A_575 = arith.mulf %mul3A_574, %mul3A_571 : vector<16xf32>
        %mul3A_576 = arith.mulf %mul3A_575, %mul3A_571 : vector<16xf32>
        %sub3A_577 = arith.constant 1.500000e+00 : f32
        %sub3A_578 = vector.broadcast %sub3A_577 : f32 to vector<16xf32>
        %sub3A_579 = arith.subf %sub3A_578, %mul3A_576 : vector<16xf32>
        %mul3A_580 = arith.mulf %mul3A_571, %sub3A_579 : vector<16xf32>
        %mul3A_581 = arith.mulf %mul3A_491, %mul3A_580 : vector<16xf32>
        %mul3A_582 = arith.mulf %add3A_402, %mul3A_580 : vector<16xf32>
        %sub3A_583 = arith.subf %mul3A_582, %mul3A_581 : vector<16xf32>
        %mul3A_584 = arith.mulf %sub3A_583, %bitcast3A : vector<16xf32>
        %add3A_585 = arith.addf %mul3A_584, %bitcast3A_22 : vector<16xf32>
        %swap3A_586 = arith.index_cast %add3A_395 : i32 to index
        %swap3A_587 = arith.constant 0 : index
        %swap3A_588 = tpu.vector_load %arg11[%swap3A_586, %swap3A_587] {strides = array<i32>} : memref<200x64xf32, #tpu.memory_space<vmem>>, vector<16xf32>,
        tpu.vector_store %arg11[%swap3A_586, %swap3A_587], %add3A_585 {strides = array<i32>} : memref<200x64xf32, #tpu.memory_space<vmem>>, vector<16xf32>,
        %mul3A_589 = arith.mulf %add3A_409, %mul3A_580 : vector<16xf32>
        %sub3A_590 = arith.subf %mul3A_589, %mul3A_581 : vector<16xf32>
        %mul3A_591 = arith.mulf %sub3A_590, %bitcast3A_13 : vector<16xf32>
        %add3A_592 = arith.addf %mul3A_591, %bitcast3A_25 : vector<16xf32>
        %swap3A_593 = arith.index_cast %add3A_395 : i32 to index
        %swap3A_594 = arith.constant 16 : index
        %swap3A_595 = tpu.vector_load %arg11[%swap3A_593, %swap3A_594] {strides = array<i32>} : memref<200x64xf32, #tpu.memory_space<vmem>>, vector<16xf32>,
        tpu.vector_store %arg11[%swap3A_593, %swap3A_594], %add3A_592 {strides = array<i32>} : memref<200x64xf32, #tpu.memory_space<vmem>>, vector<16xf32>,
        %mul3A_596 = arith.mulf %add3A_416, %mul3A_580 : vector<16xf32>
        %sub3A_597 = arith.subf %mul3A_596, %mul3A_581 : vector<16xf32>
        %mul3A_598 = arith.mulf %sub3A_597, %bitcast3A_16 : vector<16xf32>
        %add3A_599 = arith.addf %mul3A_598, %bitcast3A_28 : vector<16xf32>
        %swap3A_600 = arith.index_cast %add3A_395 : i32 to index
        %swap3A_601 = arith.constant 32 : index
        %swap3A_602 = tpu.vector_load %arg11[%swap3A_600, %swap3A_601] {strides = array<i32>} : memref<200x64xf32, #tpu.memory_space<vmem>>, vector<16xf32>,
        tpu.vector_store %arg11[%swap3A_600, %swap3A_601], %add3A_599 {strides = array<i32>} : memref<200x64xf32, #tpu.memory_space<vmem>>, vector<16xf32>,
        %mul3A_603 = arith.mulf %add3A_423, %mul3A_580 : vector<16xf32>
        %sub3A_604 = arith.subf %mul3A_603, %mul3A_581 : vector<16xf32>
        %mul3A_605 = arith.mulf %sub3A_604, %bitcast3A_19 : vector<16xf32>
        %add3A_606 = arith.addf %mul3A_605, %bitcast3A_31 : vector<16xf32>
        %swap3A_607 = arith.index_cast %add3A_395 : i32 to index
        %swap3A_608 = arith.constant 48 : index
        %swap3A_609 = tpu.vector_load %arg11[%swap3A_607, %swap3A_608] {strides = array<i32>} : memref<200x64xf32, #tpu.memory_space<vmem>>, vector<16xf32>,
        tpu.vector_store %arg11[%swap3A_607, %swap3A_608], %add3A_606 {strides = array<i32>} : memref<200x64xf32, #tpu.memory_space<vmem>>, vector<16xf32>,
        %mul3A_610 = arith.constant 4 : i32
        %mul3A_611 = arith.muli %scan3A_180, %mul3A_610 : i32
        %add3A_612 = arith.constant 2 : i32
        %add3A_613 = arith.addi %mul3A_611, %add3A_612 : i32
        %get3A_614 = arith.index_cast %add3A_613 : i32 to index
        %get3A_615 = arith.constant 0 : index
        %get3A_616 = tpu.vector_load %arg9[%get3A_614, %get3A_615] {strides = array<i32>} : memref<200x64xf32, #tpu.memory_space<vmem>>, vector<16xf32>,
        %get3A_617 = arith.index_cast %add3A_613 : i32 to index
        %get3A_618 = arith.constant 0 : index
        %get3A_619 = tpu.vector_load %arg10[%get3A_617, %get3A_618] {strides = array<i32>} : memref<200x64xf32, #tpu.memory_space<vmem>>, vector<16xf32>,
        %add3A_620 = arith.addf %get3A_616, %get3A_619 : vector<16xf32>
        %get3A_621 = arith.index_cast %add3A_613 : i32 to index
        %get3A_622 = arith.constant 16 : index
        %get3A_623 = tpu.vector_load %arg9[%get3A_621, %get3A_622] {strides = array<i32>} : memref<200x64xf32, #tpu.memory_space<vmem>>, vector<16xf32>,
        %get3A_624 = arith.index_cast %add3A_613 : i32 to index
        %get3A_625 = arith.constant 16 : index
        %get3A_626 = tpu.vector_load %arg10[%get3A_624, %get3A_625] {strides = array<i32>} : memref<200x64xf32, #tpu.memory_space<vmem>>, vector<16xf32>,
        %add3A_627 = arith.addf %get3A_623, %get3A_626 : vector<16xf32>
        %get3A_628 = arith.index_cast %add3A_613 : i32 to index
        %get3A_629 = arith.constant 32 : index
        %get3A_630 = tpu.vector_load %arg9[%get3A_628, %get3A_629] {strides = array<i32>} : memref<200x64xf32, #tpu.memory_space<vmem>>, vector<16xf32>,
        %get3A_631 = arith.index_cast %add3A_613 : i32 to index
        %get3A_632 = arith.constant 32 : index
        %get3A_633 = tpu.vector_load %arg10[%get3A_631, %get3A_632] {strides = array<i32>} : memref<200x64xf32, #tpu.memory_space<vmem>>, vector<16xf32>,
        %add3A_634 = arith.addf %get3A_630, %get3A_633 : vector<16xf32>
        %get3A_635 = arith.index_cast %add3A_613 : i32 to index
        %get3A_636 = arith.constant 48 : index
        %get3A_637 = tpu.vector_load %arg9[%get3A_635, %get3A_636] {strides = array<i32>} : memref<200x64xf32, #tpu.memory_space<vmem>>, vector<16xf32>,
        %get3A_638 = arith.index_cast %add3A_613 : i32 to index
        %get3A_639 = arith.constant 48 : index
        %get3A_640 = tpu.vector_load %arg10[%get3A_638, %get3A_639] {strides = array<i32>} : memref<200x64xf32, #tpu.memory_space<vmem>>, vector<16xf32>,
        %add3A_641 = arith.addf %get3A_637, %get3A_640 : vector<16xf32>
        %add3A_642 = arith.addf %add3A_620, %add3A_627 : vector<16xf32>
        %add3A_643 = arith.addf %add3A_634, %add3A_641 : vector<16xf32>
        %add3A_644 = arith.addf %add3A_642, %add3A_643 : vector<16xf32>
        %mul3A_645 = arith.mulf %add3A_620, %add3A_620 : vector<16xf32>
        %mul3A_646 = arith.mulf %add3A_627, %add3A_627 : vector<16xf32>
        %add3A_647 = arith.addf %mul3A_645, %mul3A_646 : vector<16xf32>
        %mul3A_648 = arith.mulf %add3A_634, %add3A_634 : vector<16xf32>
        %mul3A_649 = arith.mulf %add3A_641, %add3A_641 : vector<16xf32>
        %add3A_650 = arith.addf %mul3A_648, %mul3A_649 : vector<16xf32>
        %add3A_651 = arith.addf %add3A_647, %add3A_650 : vector<16xf32>
        %xor3A_652 = arith.constant 8 : i32
        %xor3A_653 = vector.broadcast %xor3A_652 : i32 to vector<16xi32>
        %xor3A_654 = arith.xori %iota3A, %xor3A_653 : vector<16xi32>
        %lt3A_655 = arith.constant 0 : i32
        %lt3A_656 = vector.broadcast %lt3A_655 : i32 to vector<16xi32>
        %lt3A_657 = arith.cmpi slt, %xor3A_654, %lt3A_656 : vector<16xi32>
        %add3A_658 = arith.constant 16 : i32
        %add3A_659 = vector.broadcast %add3A_658 : i32 to vector<16xi32>
        %add3A_660 = arith.addi %xor3A_654, %add3A_659 : vector<16xi32>
        %select_n3A_661 = arith.select %lt3A_657, %add3A_660, %xor3A_654 : vector<16xi1>, vector<16xi32>
        %broadcast_in_dim3A_662 = vector.shape_cast %select_n3A_661 : vector<16xi32> to vector<16x1xi32>
        %gather3A_663 = vector.shape_cast %broadcast_in_dim3A_662 : vector<16x1xi32> to vector<16xi32>
        %gather3A_664 = tpu.dynamic_gather %add3A_644[%gather3A_663] in [0] : vector<16xf32>, vector<16xi32> -> vector<16xf32>
        %add3A_665 = arith.addf %add3A_644, %gather3A_664 : vector<16xf32>
        %xor3A_666 = arith.constant 4 : i32
        %xor3A_667 = vector.broadcast %xor3A_666 : i32 to vector<16xi32>
        %xor3A_668 = arith.xori %iota3A, %xor3A_667 : vector<16xi32>
        %lt3A_669 = arith.constant 0 : i32
        %lt3A_670 = vector.broadcast %lt3A_669 : i32 to vector<16xi32>
        %lt3A_671 = arith.cmpi slt, %xor3A_668, %lt3A_670 : vector<16xi32>
        %add3A_672 = arith.constant 16 : i32
        %add3A_673 = vector.broadcast %add3A_672 : i32 to vector<16xi32>
        %add3A_674 = arith.addi %xor3A_668, %add3A_673 : vector<16xi32>
        %select_n3A_675 = arith.select %lt3A_671, %add3A_674, %xor3A_668 : vector<16xi1>, vector<16xi32>
        %broadcast_in_dim3A_676 = vector.shape_cast %select_n3A_675 : vector<16xi32> to vector<16x1xi32>
        %gather3A_677 = vector.shape_cast %broadcast_in_dim3A_676 : vector<16x1xi32> to vector<16xi32>
        %gather3A_678 = tpu.dynamic_gather %add3A_665[%gather3A_677] in [0] : vector<16xf32>, vector<16xi32> -> vector<16xf32>
        %add3A_679 = arith.addf %add3A_665, %gather3A_678 : vector<16xf32>
        %xor3A_680 = arith.constant 2 : i32
        %xor3A_681 = vector.broadcast %xor3A_680 : i32 to vector<16xi32>
        %xor3A_682 = arith.xori %iota3A, %xor3A_681 : vector<16xi32>
        %lt3A_683 = arith.constant 0 : i32
        %lt3A_684 = vector.broadcast %lt3A_683 : i32 to vector<16xi32>
        %lt3A_685 = arith.cmpi slt, %xor3A_682, %lt3A_684 : vector<16xi32>
        %add3A_686 = arith.constant 16 : i32
        %add3A_687 = vector.broadcast %add3A_686 : i32 to vector<16xi32>
        %add3A_688 = arith.addi %xor3A_682, %add3A_687 : vector<16xi32>
        %select_n3A_689 = arith.select %lt3A_685, %add3A_688, %xor3A_682 : vector<16xi1>, vector<16xi32>
        %broadcast_in_dim3A_690 = vector.shape_cast %select_n3A_689 : vector<16xi32> to vector<16x1xi32>
        %gather3A_691 = vector.shape_cast %broadcast_in_dim3A_690 : vector<16x1xi32> to vector<16xi32>
        %gather3A_692 = tpu.dynamic_gather %add3A_679[%gather3A_691] in [0] : vector<16xf32>, vector<16xi32> -> vector<16xf32>
        %add3A_693 = arith.addf %add3A_679, %gather3A_692 : vector<16xf32>
        %xor3A_694 = arith.constant 1 : i32
        %xor3A_695 = vector.broadcast %xor3A_694 : i32 to vector<16xi32>
        %xor3A_696 = arith.xori %iota3A, %xor3A_695 : vector<16xi32>
        %lt3A_697 = arith.constant 0 : i32
        %lt3A_698 = vector.broadcast %lt3A_697 : i32 to vector<16xi32>
        %lt3A_699 = arith.cmpi slt, %xor3A_696, %lt3A_698 : vector<16xi32>
        %add3A_700 = arith.constant 16 : i32
        %add3A_701 = vector.broadcast %add3A_700 : i32 to vector<16xi32>
        %add3A_702 = arith.addi %xor3A_696, %add3A_701 : vector<16xi32>
        %select_n3A_703 = arith.select %lt3A_699, %add3A_702, %xor3A_696 : vector<16xi1>, vector<16xi32>
        %broadcast_in_dim3A_704 = vector.shape_cast %select_n3A_703 : vector<16xi32> to vector<16x1xi32>
        %gather3A_705 = vector.shape_cast %broadcast_in_dim3A_704 : vector<16x1xi32> to vector<16xi32>
        %gather3A_706 = tpu.dynamic_gather %add3A_693[%gather3A_705] in [0] : vector<16xf32>, vector<16xi32> -> vector<16xf32>
        %add3A_707 = arith.addf %add3A_693, %gather3A_706 : vector<16xf32>
        %mul3A_708 = vector.broadcast %scan3A_42 : f32 to vector<16xf32>
        %mul3A_709 = arith.mulf %add3A_707, %mul3A_708 : vector<16xf32>
        %xor3A_710 = arith.constant 8 : i32
        %xor3A_711 = vector.broadcast %xor3A_710 : i32 to vector<16xi32>
        %xor3A_712 = arith.xori %iota3A, %xor3A_711 : vector<16xi32>
        %lt3A_713 = arith.constant 0 : i32
        %lt3A_714 = vector.broadcast %lt3A_713 : i32 to vector<16xi32>
        %lt3A_715 = arith.cmpi slt, %xor3A_712, %lt3A_714 : vector<16xi32>
        %add3A_716 = arith.constant 16 : i32
        %add3A_717 = vector.broadcast %add3A_716 : i32 to vector<16xi32>
        %add3A_718 = arith.addi %xor3A_712, %add3A_717 : vector<16xi32>
        %select_n3A_719 = arith.select %lt3A_715, %add3A_718, %xor3A_712 : vector<16xi1>, vector<16xi32>
        %broadcast_in_dim3A_720 = vector.shape_cast %select_n3A_719 : vector<16xi32> to vector<16x1xi32>
        %gather3A_721 = vector.shape_cast %broadcast_in_dim3A_720 : vector<16x1xi32> to vector<16xi32>
        %gather3A_722 = tpu.dynamic_gather %add3A_651[%gather3A_721] in [0] : vector<16xf32>, vector<16xi32> -> vector<16xf32>
        %add3A_723 = arith.addf %add3A_651, %gather3A_722 : vector<16xf32>
        %xor3A_724 = arith.constant 4 : i32
        %xor3A_725 = vector.broadcast %xor3A_724 : i32 to vector<16xi32>
        %xor3A_726 = arith.xori %iota3A, %xor3A_725 : vector<16xi32>
        %lt3A_727 = arith.constant 0 : i32
        %lt3A_728 = vector.broadcast %lt3A_727 : i32 to vector<16xi32>
        %lt3A_729 = arith.cmpi slt, %xor3A_726, %lt3A_728 : vector<16xi32>
        %add3A_730 = arith.constant 16 : i32
        %add3A_731 = vector.broadcast %add3A_730 : i32 to vector<16xi32>
        %add3A_732 = arith.addi %xor3A_726, %add3A_731 : vector<16xi32>
        %select_n3A_733 = arith.select %lt3A_729, %add3A_732, %xor3A_726 : vector<16xi1>, vector<16xi32>
        %broadcast_in_dim3A_734 = vector.shape_cast %select_n3A_733 : vector<16xi32> to vector<16x1xi32>
        %gather3A_735 = vector.shape_cast %broadcast_in_dim3A_734 : vector<16x1xi32> to vector<16xi32>
        %gather3A_736 = tpu.dynamic_gather %add3A_723[%gather3A_735] in [0] : vector<16xf32>, vector<16xi32> -> vector<16xf32>
        %add3A_737 = arith.addf %add3A_723, %gather3A_736 : vector<16xf32>
        %xor3A_738 = arith.constant 2 : i32
        %xor3A_739 = vector.broadcast %xor3A_738 : i32 to vector<16xi32>
        %xor3A_740 = arith.xori %iota3A, %xor3A_739 : vector<16xi32>
        %lt3A_741 = arith.constant 0 : i32
        %lt3A_742 = vector.broadcast %lt3A_741 : i32 to vector<16xi32>
        %lt3A_743 = arith.cmpi slt, %xor3A_740, %lt3A_742 : vector<16xi32>
        %add3A_744 = arith.constant 16 : i32
        %add3A_745 = vector.broadcast %add3A_744 : i32 to vector<16xi32>
        %add3A_746 = arith.addi %xor3A_740, %add3A_745 : vector<16xi32>
        %select_n3A_747 = arith.select %lt3A_743, %add3A_746, %xor3A_740 : vector<16xi1>, vector<16xi32>
        %broadcast_in_dim3A_748 = vector.shape_cast %select_n3A_747 : vector<16xi32> to vector<16x1xi32>
        %gather3A_749 = vector.shape_cast %broadcast_in_dim3A_748 : vector<16x1xi32> to vector<16xi32>
        %gather3A_750 = tpu.dynamic_gather %add3A_737[%gather3A_749] in [0] : vector<16xf32>, vector<16xi32> -> vector<16xf32>
        %add3A_751 = arith.addf %add3A_737, %gather3A_750 : vector<16xf32>
        %xor3A_752 = arith.constant 1 : i32
        %xor3A_753 = vector.broadcast %xor3A_752 : i32 to vector<16xi32>
        %xor3A_754 = arith.xori %iota3A, %xor3A_753 : vector<16xi32>
        %lt3A_755 = arith.constant 0 : i32
        %lt3A_756 = vector.broadcast %lt3A_755 : i32 to vector<16xi32>
        %lt3A_757 = arith.cmpi slt, %xor3A_754, %lt3A_756 : vector<16xi32>
        %add3A_758 = arith.constant 16 : i32
        %add3A_759 = vector.broadcast %add3A_758 : i32 to vector<16xi32>
        %add3A_760 = arith.addi %xor3A_754, %add3A_759 : vector<16xi32>
        %select_n3A_761 = arith.select %lt3A_757, %add3A_760, %xor3A_754 : vector<16xi1>, vector<16xi32>
        %broadcast_in_dim3A_762 = vector.shape_cast %select_n3A_761 : vector<16xi32> to vector<16x1xi32>
        %gather3A_763 = vector.shape_cast %broadcast_in_dim3A_762 : vector<16x1xi32> to vector<16xi32>
        %gather3A_764 = tpu.dynamic_gather %add3A_751[%gather3A_763] in [0] : vector<16xf32>, vector<16xi32> -> vector<16xf32>
        %add3A_765 = arith.addf %add3A_751, %gather3A_764 : vector<16xf32>
        %mul3A_766 = vector.broadcast %scan3A_42 : f32 to vector<16xf32>
        %mul3A_767 = arith.mulf %add3A_765, %mul3A_766 : vector<16xf32>
        %mul3A_768 = arith.mulf %mul3A_709, %mul3A_709 : vector<16xf32>
        %sub3A_769 = arith.subf %mul3A_767, %mul3A_768 : vector<16xf32>
        %add3A_770 = arith.constant 9.99999974E-6 : f32
        %add3A_771 = vector.broadcast %add3A_770 : f32 to vector<16xf32>
        %add3A_772 = arith.addf %sub3A_769, %add3A_771 : vector<16xf32>
        %bitcast3A_773 = vector.bitcast %add3A_772 : vector<16xf32> to vector<16xi32>
        %shift_right_logical3A_774 = arith.constant 1 : i32
        %shift_right_logical3A_775 = vector.broadcast %shift_right_logical3A_774 : i32 to vector<16xi32>
        %shift_right_logical3A_776 = arith.shrui %bitcast3A_773, %shift_right_logical3A_775 : vector<16xi32>
        %sub3A_777 = arith.constant 1597463007 : i32
        %sub3A_778 = vector.broadcast %sub3A_777 : i32 to vector<16xi32>
        %sub3A_779 = arith.subi %sub3A_778, %shift_right_logical3A_776 : vector<16xi32>
        %bitcast3A_780 = vector.bitcast %sub3A_779 : vector<16xi32> to vector<16xf32>
        %mul3A_781 = arith.constant 5.000000e-01 : f32
        %mul3A_782 = vector.broadcast %mul3A_781 : f32 to vector<16xf32>
        %mul3A_783 = arith.mulf %mul3A_782, %add3A_772 : vector<16xf32>
        %mul3A_784 = arith.mulf %mul3A_783, %bitcast3A_780 : vector<16xf32>
        %mul3A_785 = arith.mulf %mul3A_784, %bitcast3A_780 : vector<16xf32>
        %sub3A_786 = arith.constant 1.500000e+00 : f32
        %sub3A_787 = vector.broadcast %sub3A_786 : f32 to vector<16xf32>
        %sub3A_788 = arith.subf %sub3A_787, %mul3A_785 : vector<16xf32>
        %mul3A_789 = arith.mulf %bitcast3A_780, %sub3A_788 : vector<16xf32>
        %mul3A_790 = arith.constant 5.000000e-01 : f32
        %mul3A_791 = vector.broadcast %mul3A_790 : f32 to vector<16xf32>
        %mul3A_792 = arith.mulf %mul3A_791, %add3A_772 : vector<16xf32>
        %mul3A_793 = arith.mulf %mul3A_792, %mul3A_789 : vector<16xf32>
        %mul3A_794 = arith.mulf %mul3A_793, %mul3A_789 : vector<16xf32>
        %sub3A_795 = arith.constant 1.500000e+00 : f32
        %sub3A_796 = vector.broadcast %sub3A_795 : f32 to vector<16xf32>
        %sub3A_797 = arith.subf %sub3A_796, %mul3A_794 : vector<16xf32>
        %mul3A_798 = arith.mulf %mul3A_789, %sub3A_797 : vector<16xf32>
        %mul3A_799 = arith.mulf %mul3A_709, %mul3A_798 : vector<16xf32>
        %mul3A_800 = arith.mulf %add3A_620, %mul3A_798 : vector<16xf32>
        %sub3A_801 = arith.subf %mul3A_800, %mul3A_799 : vector<16xf32>
        %mul3A_802 = arith.mulf %sub3A_801, %bitcast3A : vector<16xf32>
        %add3A_803 = arith.addf %mul3A_802, %bitcast3A_22 : vector<16xf32>
        %swap3A_804 = arith.index_cast %add3A_613 : i32 to index
        %swap3A_805 = arith.constant 0 : index
        %swap3A_806 = tpu.vector_load %arg11[%swap3A_804, %swap3A_805] {strides = array<i32>} : memref<200x64xf32, #tpu.memory_space<vmem>>, vector<16xf32>,
        tpu.vector_store %arg11[%swap3A_804, %swap3A_805], %add3A_803 {strides = array<i32>} : memref<200x64xf32, #tpu.memory_space<vmem>>, vector<16xf32>,
        %mul3A_807 = arith.mulf %add3A_627, %mul3A_798 : vector<16xf32>
        %sub3A_808 = arith.subf %mul3A_807, %mul3A_799 : vector<16xf32>
        %mul3A_809 = arith.mulf %sub3A_808, %bitcast3A_13 : vector<16xf32>
        %add3A_810 = arith.addf %mul3A_809, %bitcast3A_25 : vector<16xf32>
        %swap3A_811 = arith.index_cast %add3A_613 : i32 to index
        %swap3A_812 = arith.constant 16 : index
        %swap3A_813 = tpu.vector_load %arg11[%swap3A_811, %swap3A_812] {strides = array<i32>} : memref<200x64xf32, #tpu.memory_space<vmem>>, vector<16xf32>,
        tpu.vector_store %arg11[%swap3A_811, %swap3A_812], %add3A_810 {strides = array<i32>} : memref<200x64xf32, #tpu.memory_space<vmem>>, vector<16xf32>,
        %mul3A_814 = arith.mulf %add3A_634, %mul3A_798 : vector<16xf32>
        %sub3A_815 = arith.subf %mul3A_814, %mul3A_799 : vector<16xf32>
        %mul3A_816 = arith.mulf %sub3A_815, %bitcast3A_16 : vector<16xf32>
        %add3A_817 = arith.addf %mul3A_816, %bitcast3A_28 : vector<16xf32>
        %swap3A_818 = arith.index_cast %add3A_613 : i32 to index
        %swap3A_819 = arith.constant 32 : index
        %swap3A_820 = tpu.vector_load %arg11[%swap3A_818, %swap3A_819] {strides = array<i32>} : memref<200x64xf32, #tpu.memory_space<vmem>>, vector<16xf32>,
        tpu.vector_store %arg11[%swap3A_818, %swap3A_819], %add3A_817 {strides = array<i32>} : memref<200x64xf32, #tpu.memory_space<vmem>>, vector<16xf32>,
        %mul3A_821 = arith.mulf %add3A_641, %mul3A_798 : vector<16xf32>
        %sub3A_822 = arith.subf %mul3A_821, %mul3A_799 : vector<16xf32>
        %mul3A_823 = arith.mulf %sub3A_822, %bitcast3A_19 : vector<16xf32>
        %add3A_824 = arith.addf %mul3A_823, %bitcast3A_31 : vector<16xf32>
        %swap3A_825 = arith.index_cast %add3A_613 : i32 to index
        %swap3A_826 = arith.constant 48 : index
        %swap3A_827 = tpu.vector_load %arg11[%swap3A_825, %swap3A_826] {strides = array<i32>} : memref<200x64xf32, #tpu.memory_space<vmem>>, vector<16xf32>,
        tpu.vector_store %arg11[%swap3A_825, %swap3A_826], %add3A_824 {strides = array<i32>} : memref<200x64xf32, #tpu.memory_space<vmem>>, vector<16xf32>,
        %mul3A_828 = arith.constant 4 : i32
        %mul3A_829 = arith.muli %scan3A_180, %mul3A_828 : i32
        %add3A_830 = arith.constant 3 : i32
        %add3A_831 = arith.addi %mul3A_829, %add3A_830 : i32
        %get3A_832 = arith.index_cast %add3A_831 : i32 to index
        %get3A_833 = arith.constant 0 : index
        %get3A_834 = tpu.vector_load %arg9[%get3A_832, %get3A_833] {strides = array<i32>} : memref<200x64xf32, #tpu.memory_space<vmem>>, vector<16xf32>,
        %get3A_835 = arith.index_cast %add3A_831 : i32 to index
        %get3A_836 = arith.constant 0 : index
        %get3A_837 = tpu.vector_load %arg10[%get3A_835, %get3A_836] {strides = array<i32>} : memref<200x64xf32, #tpu.memory_space<vmem>>, vector<16xf32>,
        %add3A_838 = arith.addf %get3A_834, %get3A_837 : vector<16xf32>
        %get3A_839 = arith.index_cast %add3A_831 : i32 to index
        %get3A_840 = arith.constant 16 : index
        %get3A_841 = tpu.vector_load %arg9[%get3A_839, %get3A_840] {strides = array<i32>} : memref<200x64xf32, #tpu.memory_space<vmem>>, vector<16xf32>,
        %get3A_842 = arith.index_cast %add3A_831 : i32 to index
        %get3A_843 = arith.constant 16 : index
        %get3A_844 = tpu.vector_load %arg10[%get3A_842, %get3A_843] {strides = array<i32>} : memref<200x64xf32, #tpu.memory_space<vmem>>, vector<16xf32>,
        %add3A_845 = arith.addf %get3A_841, %get3A_844 : vector<16xf32>
        %get3A_846 = arith.index_cast %add3A_831 : i32 to index
        %get3A_847 = arith.constant 32 : index
        %get3A_848 = tpu.vector_load %arg9[%get3A_846, %get3A_847] {strides = array<i32>} : memref<200x64xf32, #tpu.memory_space<vmem>>, vector<16xf32>,
        %get3A_849 = arith.index_cast %add3A_831 : i32 to index
        %get3A_850 = arith.constant 32 : index
        %get3A_851 = tpu.vector_load %arg10[%get3A_849, %get3A_850] {strides = array<i32>} : memref<200x64xf32, #tpu.memory_space<vmem>>, vector<16xf32>,
        %add3A_852 = arith.addf %get3A_848, %get3A_851 : vector<16xf32>
        %get3A_853 = arith.index_cast %add3A_831 : i32 to index
        %get3A_854 = arith.constant 48 : index
        %get3A_855 = tpu.vector_load %arg9[%get3A_853, %get3A_854] {strides = array<i32>} : memref<200x64xf32, #tpu.memory_space<vmem>>, vector<16xf32>,
        %get3A_856 = arith.index_cast %add3A_831 : i32 to index
        %get3A_857 = arith.constant 48 : index
        %get3A_858 = tpu.vector_load %arg10[%get3A_856, %get3A_857] {strides = array<i32>} : memref<200x64xf32, #tpu.memory_space<vmem>>, vector<16xf32>,
        %add3A_859 = arith.addf %get3A_855, %get3A_858 : vector<16xf32>
        %add3A_860 = arith.addf %add3A_838, %add3A_845 : vector<16xf32>
        %add3A_861 = arith.addf %add3A_852, %add3A_859 : vector<16xf32>
        %add3A_862 = arith.addf %add3A_860, %add3A_861 : vector<16xf32>
        %mul3A_863 = arith.mulf %add3A_838, %add3A_838 : vector<16xf32>
        %mul3A_864 = arith.mulf %add3A_845, %add3A_845 : vector<16xf32>
        %add3A_865 = arith.addf %mul3A_863, %mul3A_864 : vector<16xf32>
        %mul3A_866 = arith.mulf %add3A_852, %add3A_852 : vector<16xf32>
        %mul3A_867 = arith.mulf %add3A_859, %add3A_859 : vector<16xf32>
        %add3A_868 = arith.addf %mul3A_866, %mul3A_867 : vector<16xf32>
        %add3A_869 = arith.addf %add3A_865, %add3A_868 : vector<16xf32>
        %xor3A_870 = arith.constant 8 : i32
        %xor3A_871 = vector.broadcast %xor3A_870 : i32 to vector<16xi32>
        %xor3A_872 = arith.xori %iota3A, %xor3A_871 : vector<16xi32>
        %lt3A_873 = arith.constant 0 : i32
        %lt3A_874 = vector.broadcast %lt3A_873 : i32 to vector<16xi32>
        %lt3A_875 = arith.cmpi slt, %xor3A_872, %lt3A_874 : vector<16xi32>
        %add3A_876 = arith.constant 16 : i32
        %add3A_877 = vector.broadcast %add3A_876 : i32 to vector<16xi32>
        %add3A_878 = arith.addi %xor3A_872, %add3A_877 : vector<16xi32>
        %select_n3A_879 = arith.select %lt3A_875, %add3A_878, %xor3A_872 : vector<16xi1>, vector<16xi32>
        %broadcast_in_dim3A_880 = vector.shape_cast %select_n3A_879 : vector<16xi32> to vector<16x1xi32>
        %gather3A_881 = vector.shape_cast %broadcast_in_dim3A_880 : vector<16x1xi32> to vector<16xi32>
        %gather3A_882 = tpu.dynamic_gather %add3A_862[%gather3A_881] in [0] : vector<16xf32>, vector<16xi32> -> vector<16xf32>
        %add3A_883 = arith.addf %add3A_862, %gather3A_882 : vector<16xf32>
        %xor3A_884 = arith.constant 4 : i32
        %xor3A_885 = vector.broadcast %xor3A_884 : i32 to vector<16xi32>
        %xor3A_886 = arith.xori %iota3A, %xor3A_885 : vector<16xi32>
        %lt3A_887 = arith.constant 0 : i32
        %lt3A_888 = vector.broadcast %lt3A_887 : i32 to vector<16xi32>
        %lt3A_889 = arith.cmpi slt, %xor3A_886, %lt3A_888 : vector<16xi32>
        %add3A_890 = arith.constant 16 : i32
        %add3A_891 = vector.broadcast %add3A_890 : i32 to vector<16xi32>
        %add3A_892 = arith.addi %xor3A_886, %add3A_891 : vector<16xi32>
        %select_n3A_893 = arith.select %lt3A_889, %add3A_892, %xor3A_886 : vector<16xi1>, vector<16xi32>
        %broadcast_in_dim3A_894 = vector.shape_cast %select_n3A_893 : vector<16xi32> to vector<16x1xi32>
        %gather3A_895 = vector.shape_cast %broadcast_in_dim3A_894 : vector<16x1xi32> to vector<16xi32>
        %gather3A_896 = tpu.dynamic_gather %add3A_883[%gather3A_895] in [0] : vector<16xf32>, vector<16xi32> -> vector<16xf32>
        %add3A_897 = arith.addf %add3A_883, %gather3A_896 : vector<16xf32>
        %xor3A_898 = arith.constant 2 : i32
        %xor3A_899 = vector.broadcast %xor3A_898 : i32 to vector<16xi32>
        %xor3A_900 = arith.xori %iota3A, %xor3A_899 : vector<16xi32>
        %lt3A_901 = arith.constant 0 : i32
        %lt3A_902 = vector.broadcast %lt3A_901 : i32 to vector<16xi32>
        %lt3A_903 = arith.cmpi slt, %xor3A_900, %lt3A_902 : vector<16xi32>
        %add3A_904 = arith.constant 16 : i32
        %add3A_905 = vector.broadcast %add3A_904 : i32 to vector<16xi32>
        %add3A_906 = arith.addi %xor3A_900, %add3A_905 : vector<16xi32>
        %select_n3A_907 = arith.select %lt3A_903, %add3A_906, %xor3A_900 : vector<16xi1>, vector<16xi32>
        %broadcast_in_dim3A_908 = vector.shape_cast %select_n3A_907 : vector<16xi32> to vector<16x1xi32>
        %gather3A_909 = vector.shape_cast %broadcast_in_dim3A_908 : vector<16x1xi32> to vector<16xi32>
        %gather3A_910 = tpu.dynamic_gather %add3A_897[%gather3A_909] in [0] : vector<16xf32>, vector<16xi32> -> vector<16xf32>
        %add3A_911 = arith.addf %add3A_897, %gather3A_910 : vector<16xf32>
        %xor3A_912 = arith.constant 1 : i32
        %xor3A_913 = vector.broadcast %xor3A_912 : i32 to vector<16xi32>
        %xor3A_914 = arith.xori %iota3A, %xor3A_913 : vector<16xi32>
        %lt3A_915 = arith.constant 0 : i32
        %lt3A_916 = vector.broadcast %lt3A_915 : i32 to vector<16xi32>
        %lt3A_917 = arith.cmpi slt, %xor3A_914, %lt3A_916 : vector<16xi32>
        %add3A_918 = arith.constant 16 : i32
        %add3A_919 = vector.broadcast %add3A_918 : i32 to vector<16xi32>
        %add3A_920 = arith.addi %xor3A_914, %add3A_919 : vector<16xi32>
        %select_n3A_921 = arith.select %lt3A_917, %add3A_920, %xor3A_914 : vector<16xi1>, vector<16xi32>
        %broadcast_in_dim3A_922 = vector.shape_cast %select_n3A_921 : vector<16xi32> to vector<16x1xi32>
        %gather3A_923 = vector.shape_cast %broadcast_in_dim3A_922 : vector<16x1xi32> to vector<16xi32>
        %gather3A_924 = tpu.dynamic_gather %add3A_911[%gather3A_923] in [0] : vector<16xf32>, vector<16xi32> -> vector<16xf32>
        %add3A_925 = arith.addf %add3A_911, %gather3A_924 : vector<16xf32>
        %mul3A_926 = vector.broadcast %scan3A_42 : f32 to vector<16xf32>
        %mul3A_927 = arith.mulf %add3A_925, %mul3A_926 : vector<16xf32>
        %xor3A_928 = arith.constant 8 : i32
        %xor3A_929 = vector.broadcast %xor3A_928 : i32 to vector<16xi32>
        %xor3A_930 = arith.xori %iota3A, %xor3A_929 : vector<16xi32>
        %lt3A_931 = arith.constant 0 : i32
        %lt3A_932 = vector.broadcast %lt3A_931 : i32 to vector<16xi32>
        %lt3A_933 = arith.cmpi slt, %xor3A_930, %lt3A_932 : vector<16xi32>
        %add3A_934 = arith.constant 16 : i32
        %add3A_935 = vector.broadcast %add3A_934 : i32 to vector<16xi32>
        %add3A_936 = arith.addi %xor3A_930, %add3A_935 : vector<16xi32>
        %select_n3A_937 = arith.select %lt3A_933, %add3A_936, %xor3A_930 : vector<16xi1>, vector<16xi32>
        %broadcast_in_dim3A_938 = vector.shape_cast %select_n3A_937 : vector<16xi32> to vector<16x1xi32>
        %gather3A_939 = vector.shape_cast %broadcast_in_dim3A_938 : vector<16x1xi32> to vector<16xi32>
        %gather3A_940 = tpu.dynamic_gather %add3A_869[%gather3A_939] in [0] : vector<16xf32>, vector<16xi32> -> vector<16xf32>
        %add3A_941 = arith.addf %add3A_869, %gather3A_940 : vector<16xf32>
        %xor3A_942 = arith.constant 4 : i32
        %xor3A_943 = vector.broadcast %xor3A_942 : i32 to vector<16xi32>
        %xor3A_944 = arith.xori %iota3A, %xor3A_943 : vector<16xi32>
        %lt3A_945 = arith.constant 0 : i32
        %lt3A_946 = vector.broadcast %lt3A_945 : i32 to vector<16xi32>
        %lt3A_947 = arith.cmpi slt, %xor3A_944, %lt3A_946 : vector<16xi32>
        %add3A_948 = arith.constant 16 : i32
        %add3A_949 = vector.broadcast %add3A_948 : i32 to vector<16xi32>
        %add3A_950 = arith.addi %xor3A_944, %add3A_949 : vector<16xi32>
        %select_n3A_951 = arith.select %lt3A_947, %add3A_950, %xor3A_944 : vector<16xi1>, vector<16xi32>
        %broadcast_in_dim3A_952 = vector.shape_cast %select_n3A_951 : vector<16xi32> to vector<16x1xi32>
        %gather3A_953 = vector.shape_cast %broadcast_in_dim3A_952 : vector<16x1xi32> to vector<16xi32>
        %gather3A_954 = tpu.dynamic_gather %add3A_941[%gather3A_953] in [0] : vector<16xf32>, vector<16xi32> -> vector<16xf32>
        %add3A_955 = arith.addf %add3A_941, %gather3A_954 : vector<16xf32>
        %xor3A_956 = arith.constant 2 : i32
        %xor3A_957 = vector.broadcast %xor3A_956 : i32 to vector<16xi32>
        %xor3A_958 = arith.xori %iota3A, %xor3A_957 : vector<16xi32>
        %lt3A_959 = arith.constant 0 : i32
        %lt3A_960 = vector.broadcast %lt3A_959 : i32 to vector<16xi32>
        %lt3A_961 = arith.cmpi slt, %xor3A_958, %lt3A_960 : vector<16xi32>
        %add3A_962 = arith.constant 16 : i32
        %add3A_963 = vector.broadcast %add3A_962 : i32 to vector<16xi32>
        %add3A_964 = arith.addi %xor3A_958, %add3A_963 : vector<16xi32>
        %select_n3A_965 = arith.select %lt3A_961, %add3A_964, %xor3A_958 : vector<16xi1>, vector<16xi32>
        %broadcast_in_dim3A_966 = vector.shape_cast %select_n3A_965 : vector<16xi32> to vector<16x1xi32>
        %gather3A_967 = vector.shape_cast %broadcast_in_dim3A_966 : vector<16x1xi32> to vector<16xi32>
        %gather3A_968 = tpu.dynamic_gather %add3A_955[%gather3A_967] in [0] : vector<16xf32>, vector<16xi32> -> vector<16xf32>
        %add3A_969 = arith.addf %add3A_955, %gather3A_968 : vector<16xf32>
        %xor3A_970 = arith.constant 1 : i32
        %xor3A_971 = vector.broadcast %xor3A_970 : i32 to vector<16xi32>
        %xor3A_972 = arith.xori %iota3A, %xor3A_971 : vector<16xi32>
        %lt3A_973 = arith.constant 0 : i32
        %lt3A_974 = vector.broadcast %lt3A_973 : i32 to vector<16xi32>
        %lt3A_975 = arith.cmpi slt, %xor3A_972, %lt3A_974 : vector<16xi32>
        %add3A_976 = arith.constant 16 : i32
        %add3A_977 = vector.broadcast %add3A_976 : i32 to vector<16xi32>
        %add3A_978 = arith.addi %xor3A_972, %add3A_977 : vector<16xi32>
        %select_n3A_979 = arith.select %lt3A_975, %add3A_978, %xor3A_972 : vector<16xi1>, vector<16xi32>
        %broadcast_in_dim3A_980 = vector.shape_cast %select_n3A_979 : vector<16xi32> to vector<16x1xi32>
        %gather3A_981 = vector.shape_cast %broadcast_in_dim3A_980 : vector<16x1xi32> to vector<16xi32>
        %gather3A_982 = tpu.dynamic_gather %add3A_969[%gather3A_981] in [0] : vector<16xf32>, vector<16xi32> -> vector<16xf32>
        %add3A_983 = arith.addf %add3A_969, %gather3A_982 : vector<16xf32>
        %mul3A_984 = vector.broadcast %scan3A_42 : f32 to vector<16xf32>
        %mul3A_985 = arith.mulf %add3A_983, %mul3A_984 : vector<16xf32>
        %mul3A_986 = arith.mulf %mul3A_927, %mul3A_927 : vector<16xf32>
        %sub3A_987 = arith.subf %mul3A_985, %mul3A_986 : vector<16xf32>
        %add3A_988 = arith.constant 9.99999974E-6 : f32
        %add3A_989 = vector.broadcast %add3A_988 : f32 to vector<16xf32>
        %add3A_990 = arith.addf %sub3A_987, %add3A_989 : vector<16xf32>
        %bitcast3A_991 = vector.bitcast %add3A_990 : vector<16xf32> to vector<16xi32>
        %shift_right_logical3A_992 = arith.constant 1 : i32
        %shift_right_logical3A_993 = vector.broadcast %shift_right_logical3A_992 : i32 to vector<16xi32>
        %shift_right_logical3A_994 = arith.shrui %bitcast3A_991, %shift_right_logical3A_993 : vector<16xi32>
        %sub3A_995 = arith.constant 1597463007 : i32
        %sub3A_996 = vector.broadcast %sub3A_995 : i32 to vector<16xi32>
        %sub3A_997 = arith.subi %sub3A_996, %shift_right_logical3A_994 : vector<16xi32>
        %bitcast3A_998 = vector.bitcast %sub3A_997 : vector<16xi32> to vector<16xf32>
        %mul3A_999 = arith.constant 5.000000e-01 : f32
        %mul3A_1000 = vector.broadcast %mul3A_999 : f32 to vector<16xf32>
        %mul3A_1001 = arith.mulf %mul3A_1000, %add3A_990 : vector<16xf32>
        %mul3A_1002 = arith.mulf %mul3A_1001, %bitcast3A_998 : vector<16xf32>
        %mul3A_1003 = arith.mulf %mul3A_1002, %bitcast3A_998 : vector<16xf32>
        %sub3A_1004 = arith.constant 1.500000e+00 : f32
        %sub3A_1005 = vector.broadcast %sub3A_1004 : f32 to vector<16xf32>
        %sub3A_1006 = arith.subf %sub3A_1005, %mul3A_1003 : vector<16xf32>
        %mul3A_1007 = arith.mulf %bitcast3A_998, %sub3A_1006 : vector<16xf32>
        %mul3A_1008 = arith.constant 5.000000e-01 : f32
        %mul3A_1009 = vector.broadcast %mul3A_1008 : f32 to vector<16xf32>
        %mul3A_1010 = arith.mulf %mul3A_1009, %add3A_990 : vector<16xf32>
        %mul3A_1011 = arith.mulf %mul3A_1010, %mul3A_1007 : vector<16xf32>
        %mul3A_1012 = arith.mulf %mul3A_1011, %mul3A_1007 : vector<16xf32>
        %sub3A_1013 = arith.constant 1.500000e+00 : f32
        %sub3A_1014 = vector.broadcast %sub3A_1013 : f32 to vector<16xf32>
        %sub3A_1015 = arith.subf %sub3A_1014, %mul3A_1012 : vector<16xf32>
        %mul3A_1016 = arith.mulf %mul3A_1007, %sub3A_1015 : vector<16xf32>
        %mul3A_1017 = arith.mulf %mul3A_927, %mul3A_1016 : vector<16xf32>
        %mul3A_1018 = arith.mulf %add3A_838, %mul3A_1016 : vector<16xf32>
        %sub3A_1019 = arith.subf %mul3A_1018, %mul3A_1017 : vector<16xf32>
        %mul3A_1020 = arith.mulf %sub3A_1019, %bitcast3A : vector<16xf32>
        %add3A_1021 = arith.addf %mul3A_1020, %bitcast3A_22 : vector<16xf32>
        %swap3A_1022 = arith.index_cast %add3A_831 : i32 to index
        %swap3A_1023 = arith.constant 0 : index
        %swap3A_1024 = tpu.vector_load %arg11[%swap3A_1022, %swap3A_1023] {strides = array<i32>} : memref<200x64xf32, #tpu.memory_space<vmem>>, vector<16xf32>,
        tpu.vector_store %arg11[%swap3A_1022, %swap3A_1023], %add3A_1021 {strides = array<i32>} : memref<200x64xf32, #tpu.memory_space<vmem>>, vector<16xf32>,
        %mul3A_1025 = arith.mulf %add3A_845, %mul3A_1016 : vector<16xf32>
        %sub3A_1026 = arith.subf %mul3A_1025, %mul3A_1017 : vector<16xf32>
        %mul3A_1027 = arith.mulf %sub3A_1026, %bitcast3A_13 : vector<16xf32>
        %add3A_1028 = arith.addf %mul3A_1027, %bitcast3A_25 : vector<16xf32>
        %swap3A_1029 = arith.index_cast %add3A_831 : i32 to index
        %swap3A_1030 = arith.constant 16 : index
        %swap3A_1031 = tpu.vector_load %arg11[%swap3A_1029, %swap3A_1030] {strides = array<i32>} : memref<200x64xf32, #tpu.memory_space<vmem>>, vector<16xf32>,
        tpu.vector_store %arg11[%swap3A_1029, %swap3A_1030], %add3A_1028 {strides = array<i32>} : memref<200x64xf32, #tpu.memory_space<vmem>>, vector<16xf32>,
        %mul3A_1032 = arith.mulf %add3A_852, %mul3A_1016 : vector<16xf32>
        %sub3A_1033 = arith.subf %mul3A_1032, %mul3A_1017 : vector<16xf32>
        %mul3A_1034 = arith.mulf %sub3A_1033, %bitcast3A_16 : vector<16xf32>
        %add3A_1035 = arith.addf %mul3A_1034, %bitcast3A_28 : vector<16xf32>
        %swap3A_1036 = arith.index_cast %add3A_831 : i32 to index
        %swap3A_1037 = arith.constant 32 : index
        %swap3A_1038 = tpu.vector_load %arg11[%swap3A_1036, %swap3A_1037] {strides = array<i32>} : memref<200x64xf32, #tpu.memory_space<vmem>>, vector<16xf32>,
        tpu.vector_store %arg11[%swap3A_1036, %swap3A_1037], %add3A_1035 {strides = array<i32>} : memref<200x64xf32, #tpu.memory_space<vmem>>, vector<16xf32>,
        %mul3A_1039 = arith.mulf %add3A_859, %mul3A_1016 : vector<16xf32>
        %sub3A_1040 = arith.subf %mul3A_1039, %mul3A_1017 : vector<16xf32>
        %mul3A_1041 = arith.mulf %sub3A_1040, %bitcast3A_19 : vector<16xf32>
        %add3A_1042 = arith.addf %mul3A_1041, %bitcast3A_31 : vector<16xf32>
        %swap3A_1043 = arith.index_cast %add3A_831 : i32 to index
        %swap3A_1044 = arith.constant 48 : index
        %swap3A_1045 = tpu.vector_load %arg11[%swap3A_1043, %swap3A_1044] {strides = array<i32>} : memref<200x64xf32, #tpu.memory_space<vmem>>, vector<16xf32>,
        tpu.vector_store %arg11[%swap3A_1043, %swap3A_1044], %add3A_1042 {strides = array<i32>} : memref<200x64xf32, #tpu.memory_space<vmem>>, vector<16xf32>,
      }
      %scan3A_120 = arith.constant 50 : i32
      %dma_start3A_121 = arith.constant 0 : i32
      %dma_start3A_122 = arith.constant 0 : i32
      %dma_start3A_123 = tpu.memref_slice %arg5[%add3A_102, %dma_start3A_121, %dma_start3A_122] : memref<1024x200x64xf32, #tpu.memory_space<hbm>> -> memref<1x200x64xf32, #tpu.memory_space<hbm>>
      %dma_start3A_124 = tpu.memref_squeeze %dma_start3A_123 : memref<1x200x64xf32, #tpu.memory_space<hbm>> -> memref<200x64xf32, #tpu.memory_space<hbm>>
      %dma_start3A_125 = arith.constant 0 : i32
      %dma_start3A_126 = arith.constant 0 : i32
      %dma_start3A_127 = tpu.memref_slice %arg5[%add3A_102, %dma_start3A_125, %dma_start3A_126] : memref<1024x200x64xf32, #tpu.memory_space<hbm>> -> memref<1x200x64xf32, #tpu.memory_space<hbm>>
      %dma_start3A_128 = tpu.memref_squeeze %dma_start3A_127 : memref<1x200x64xf32, #tpu.memory_space<hbm>> -> memref<200x64xf32, #tpu.memory_space<hbm>>
      tpu.enqueue_dma source(%arg11 : memref<200x64xf32, #tpu.memory_space<vmem>>) target(%dma_start3A_128 : memref<200x64xf32, #tpu.memory_space<hbm>>) target_semaphore(%arg20 : memref<!tpu.dma_semaphore, #tpu.memory_space<semaphore_mem>>)
      %mul3A_129 = arith.constant 2 : i32
      %mul3A_130 = arith.muli %mul3A_129, %scan3A_83 : i32
      %add3A_131 = arith.constant 1 : i32
      %add3A_132 = arith.addi %mul3A_130, %add3A_131 : i32
      %add3A_133 = arith.constant 1 : i32
      %add3A_134 = arith.addi %add3A_132, %add3A_133 : i32
      %lt3A_135 = arith.constant 32 : i32
      %lt3A_136 = arith.cmpi slt, %add3A_134, %lt3A_135 : i32
      %convert_element_type3A_137 = arith.extui %lt3A_136 : i1 to i32
      %cond3A_138 = arith.constant 0 : i32
      %cond3A_139 = arith.cmpi ne, %convert_element_type3A_137, %cond3A_138 : i32
      scf.if %cond3A_139 {
        %gt3A_180 = arith.constant 0 : i32
        %gt3A_181 = arith.cmpi sgt, %add3A_132, %gt3A_180 : i32
        %convert_element_type3A_182 = arith.extui %gt3A_181 : i1 to i32
        %cond3A_183 = arith.constant 0 : i32
        %cond3A_184 = arith.cmpi ne, %convert_element_type3A_182, %cond3A_183 : i32
        scf.if %cond3A_184 {
          %dma_wait3A_197 = arith.constant 0 : i32
          %dma_wait3A_198 = arith.constant 0 : i32
          %dma_wait3A_199 = arith.constant 0 : i32
          %dma_wait3A_200 = tpu.memref_slice %arg6[%dma_wait3A_197, %dma_wait3A_198, %dma_wait3A_199] : memref<1024x200x64xf32, #tpu.memory_space<hbm>> -> memref<1x200x64xf32, #tpu.memory_space<hbm>>
          %dma_wait3A_201 = tpu.memref_squeeze %dma_wait3A_200 : memref<1x200x64xf32, #tpu.memory_space<hbm>> -> memref<200x64xf32, #tpu.memory_space<hbm>>
          %dma_wait3A_202 = arith.constant 0 : i32
          %dma_wait3A_203 = arith.constant 0 : i32
          %dma_wait3A_204 = tpu.memref_slice %arg6[%dma_wait3A_197, %dma_wait3A_202, %dma_wait3A_203] : memref<1024x200x64xf32, #tpu.memory_space<hbm>> -> memref<1x200x64xf32, #tpu.memory_space<hbm>>
          %dma_wait3A_205 = tpu.memref_squeeze %dma_wait3A_204 : memref<1x200x64xf32, #tpu.memory_space<hbm>> -> memref<200x64xf32, #tpu.memory_space<hbm>>
          tpu.wait_dma2 semaphore(%arg18 : memref<!tpu.dma_semaphore, #tpu.memory_space<semaphore_mem>>) src(%arg9 : memref<200x64xf32, #tpu.memory_space<vmem>>) dst(%dma_wait3A_205 : memref<200x64xf32, #tpu.memory_space<hbm>>)
        } else {
        }
        %add3A_185 = arith.constant 1 : i32
        %add3A_186 = arith.addi %add3A_132, %add3A_185 : i32
        %mul3A_187 = arith.constant 200 : i32
        %mul3A_188 = arith.muli %add3A_186, %mul3A_187 : i32
        %dma_start3A_189 = tpu.memref_slice %arg7[%mul3A_188] : memref<6400xi32, #tpu.memory_space<vmem>> -> memref<200xi32, #tpu.memory_space<vmem>>
        %dma_start3A_190 = arith.constant 0 : i32
        %dma_start3A_191 = arith.constant 0 : i32
        %dma_start3A_192 = tpu.memref_slice %arg3[%dma_start3A_190, %dma_start3A_191] : memref<100001x64xf32, #tpu.memory_space<hbm>> -> memref<100001x64xf32, #tpu.memory_space<hbm>>
        tpu.enqueue_indirect_dma source(%dma_start3A_192 : memref<100001x64xf32, #tpu.memory_space<hbm>>) target(%arg9 : memref<200x64xf32, #tpu.memory_space<vmem>>) offsets(%dma_start3A_189 : memref<200xi32, #tpu.memory_space<vmem>>) semaphore(%arg16 : memref<!tpu.dma_semaphore, #tpu.memory_space<semaphore_mem>>)
        %dma_start3A_193 = tpu.memref_slice %arg8[%mul3A_188] : memref<6400xi32, #tpu.memory_space<vmem>> -> memref<200xi32, #tpu.memory_space<vmem>>
        %dma_start3A_194 = arith.constant 0 : i32
        %dma_start3A_195 = arith.constant 0 : i32
        %dma_start3A_196 = tpu.memref_slice %arg4[%dma_start3A_194, %dma_start3A_195] : memref<200001x64xf32, #tpu.memory_space<hbm>> -> memref<200001x64xf32, #tpu.memory_space<hbm>>
        tpu.enqueue_indirect_dma source(%dma_start3A_196 : memref<200001x64xf32, #tpu.memory_space<hbm>>) target(%arg10 : memref<200x64xf32, #tpu.memory_space<vmem>>) offsets(%dma_start3A_193 : memref<200xi32, #tpu.memory_space<vmem>>) semaphore(%arg16 : memref<!tpu.dma_semaphore, #tpu.memory_space<semaphore_mem>>)
      } else {
      }
      %dma_wait3A_140 = arith.constant 0 : i32
      %dma_wait3A_141 = tpu.memref_slice %arg7[%dma_wait3A_140] : memref<6400xi32, #tpu.memory_space<vmem>> -> memref<200xi32, #tpu.memory_space<vmem>>
      %dma_wait3A_142 = arith.constant 0 : i32
      %dma_wait3A_143 = arith.constant 0 : i32
      %dma_wait3A_144 = tpu.memref_slice %arg3[%dma_wait3A_142, %dma_wait3A_143] : memref<100001x64xf32, #tpu.memory_space<hbm>> -> memref<100001x64xf32, #tpu.memory_space<hbm>>
      tpu.wait_indirect_dma semaphore(%arg17 : memref<!tpu.dma_semaphore, #tpu.memory_space<semaphore_mem>>) src(%dma_wait3A_144 : memref<100001x64xf32, #tpu.memory_space<hbm>>) dst(%arg12 : memref<200x64xf32, #tpu.memory_space<vmem>>)
      %dma_wait3A_145 = arith.constant 0 : i32
      %dma_wait3A_146 = tpu.memref_slice %arg8[%dma_wait3A_145] : memref<6400xi32, #tpu.memory_space<vmem>> -> memref<200xi32, #tpu.memory_space<vmem>>
      %dma_wait3A_147 = arith.constant 0 : i32
      %dma_wait3A_148 = arith.constant 0 : i32
      %dma_wait3A_149 = tpu.memref_slice %arg4[%dma_wait3A_147, %dma_wait3A_148] : memref<200001x64xf32, #tpu.memory_space<hbm>> -> memref<200001x64xf32, #tpu.memory_space<hbm>>
      tpu.wait_indirect_dma semaphore(%arg17 : memref<!tpu.dma_semaphore, #tpu.memory_space<semaphore_mem>>) src(%dma_wait3A_149 : memref<200001x64xf32, #tpu.memory_space<hbm>>) dst(%arg13 : memref<200x64xf32, #tpu.memory_space<vmem>>)
      %mul3A_150 = arith.constant 32 : i32
      %mul3A_151 = arith.muli %add3A, %mul3A_150 : i32
      %add3A_152 = arith.addi %mul3A_151, %add3A_132 : i32
      %dma_start3A_153 = arith.constant 0 : i32
      %dma_start3A_154 = arith.constant 0 : i32
      %dma_start3A_155 = tpu.memref_slice %arg6[%add3A_152, %dma_start3A_153, %dma_start3A_154] : memref<1024x200x64xf32, #tpu.memory_space<hbm>> -> memref<1x200x64xf32, #tpu.memory_space<hbm>>
      %dma_start3A_156 = tpu.memref_squeeze %dma_start3A_155 : memref<1x200x64xf32, #tpu.memory_space<hbm>> -> memref<200x64xf32, #tpu.memory_space<hbm>>
      %dma_start3A_157 = arith.constant 0 : i32
      %dma_start3A_158 = arith.constant 0 : i32
      %dma_start3A_159 = tpu.memref_slice %arg6[%add3A_152, %dma_start3A_157, %dma_start3A_158] : memref<1024x200x64xf32, #tpu.memory_space<hbm>> -> memref<1x200x64xf32, #tpu.memory_space<hbm>>
      %dma_start3A_160 = tpu.memref_squeeze %dma_start3A_159 : memref<1x200x64xf32, #tpu.memory_space<hbm>> -> memref<200x64xf32, #tpu.memory_space<hbm>>
      tpu.enqueue_dma source(%arg12 : memref<200x64xf32, #tpu.memory_space<vmem>>) target(%dma_start3A_160 : memref<200x64xf32, #tpu.memory_space<hbm>>) target_semaphore(%arg19 : memref<!tpu.dma_semaphore, #tpu.memory_space<semaphore_mem>>)
      %gt3A_161 = arith.constant 1 : i32
      %gt3A_162 = arith.cmpi sgt, %add3A_132, %gt3A_161 : i32
      %convert_element_type3A_163 = arith.extui %gt3A_162 : i1 to i32
      %cond3A_164 = arith.constant 0 : i32
      %cond3A_165 = arith.cmpi ne, %convert_element_type3A_163, %cond3A_164 : i32
      scf.if %cond3A_165 {
        %dma_wait3A_180 = arith.constant 0 : i32
        %dma_wait3A_181 = arith.constant 0 : i32
        %dma_wait3A_182 = arith.constant 0 : i32
        %dma_wait3A_183 = tpu.memref_slice %arg5[%dma_wait3A_180, %dma_wait3A_181, %dma_wait3A_182] : memref<1024x200x64xf32, #tpu.memory_space<hbm>> -> memref<1x200x64xf32, #tpu.memory_space<hbm>>
        %dma_wait3A_184 = tpu.memref_squeeze %dma_wait3A_183 : memref<1x200x64xf32, #tpu.memory_space<hbm>> -> memref<200x64xf32, #tpu.memory_space<hbm>>
        %dma_wait3A_185 = arith.constant 0 : i32
        %dma_wait3A_186 = arith.constant 0 : i32
        %dma_wait3A_187 = tpu.memref_slice %arg5[%dma_wait3A_180, %dma_wait3A_185, %dma_wait3A_186] : memref<1024x200x64xf32, #tpu.memory_space<hbm>> -> memref<1x200x64xf32, #tpu.memory_space<hbm>>
        %dma_wait3A_188 = tpu.memref_squeeze %dma_wait3A_187 : memref<1x200x64xf32, #tpu.memory_space<hbm>> -> memref<200x64xf32, #tpu.memory_space<hbm>>
        tpu.wait_dma2 semaphore(%arg21 : memref<!tpu.dma_semaphore, #tpu.memory_space<semaphore_mem>>) src(%arg14 : memref<200x64xf32, #tpu.memory_space<vmem>>) dst(%dma_wait3A_188 : memref<200x64xf32, #tpu.memory_space<hbm>>)
      } else {
      }
      %scan3A_166 = arith.constant 0 : i32
      %scan3A_167 = arith.constant 0 : i32
      %scan3A_168 = arith.constant 50 : i32
      %scan3A_169 = arith.addi %scan3A_167, %scan3A_168 : i32
      %scan3A_170 = arith.constant 1 : i32
      scf.for %scan3A_180 = %scan3A_167 to %scan3A_169 step %scan3A_170  : i32 {
        %mul3A_181 = arith.constant 4 : i32
        %mul3A_182 = arith.muli %scan3A_180, %mul3A_181 : i32
        %add3A_183 = arith.constant 0 : i32
        %add3A_184 = arith.addi %mul3A_182, %add3A_183 : i32
        %get3A_185 = arith.index_cast %add3A_184 : i32 to index
        %get3A_186 = arith.constant 0 : index
        %get3A_187 = tpu.vector_load %arg12[%get3A_185, %get3A_186] {strides = array<i32>} : memref<200x64xf32, #tpu.memory_space<vmem>>, vector<16xf32>,
        %get3A_188 = arith.index_cast %add3A_184 : i32 to index
        %get3A_189 = arith.constant 0 : index
        %get3A_190 = tpu.vector_load %arg13[%get3A_188, %get3A_189] {strides = array<i32>} : memref<200x64xf32, #tpu.memory_space<vmem>>, vector<16xf32>,
        %add3A_191 = arith.addf %get3A_187, %get3A_190 : vector<16xf32>
        %get3A_192 = arith.index_cast %add3A_184 : i32 to index
        %get3A_193 = arith.constant 16 : index
        %get3A_194 = tpu.vector_load %arg12[%get3A_192, %get3A_193] {strides = array<i32>} : memref<200x64xf32, #tpu.memory_space<vmem>>, vector<16xf32>,
        %get3A_195 = arith.index_cast %add3A_184 : i32 to index
        %get3A_196 = arith.constant 16 : index
        %get3A_197 = tpu.vector_load %arg13[%get3A_195, %get3A_196] {strides = array<i32>} : memref<200x64xf32, #tpu.memory_space<vmem>>, vector<16xf32>,
        %add3A_198 = arith.addf %get3A_194, %get3A_197 : vector<16xf32>
        %get3A_199 = arith.index_cast %add3A_184 : i32 to index
        %get3A_200 = arith.constant 32 : index
        %get3A_201 = tpu.vector_load %arg12[%get3A_199, %get3A_200] {strides = array<i32>} : memref<200x64xf32, #tpu.memory_space<vmem>>, vector<16xf32>,
        %get3A_202 = arith.index_cast %add3A_184 : i32 to index
        %get3A_203 = arith.constant 32 : index
        %get3A_204 = tpu.vector_load %arg13[%get3A_202, %get3A_203] {strides = array<i32>} : memref<200x64xf32, #tpu.memory_space<vmem>>, vector<16xf32>,
        %add3A_205 = arith.addf %get3A_201, %get3A_204 : vector<16xf32>
        %get3A_206 = arith.index_cast %add3A_184 : i32 to index
        %get3A_207 = arith.constant 48 : index
        %get3A_208 = tpu.vector_load %arg12[%get3A_206, %get3A_207] {strides = array<i32>} : memref<200x64xf32, #tpu.memory_space<vmem>>, vector<16xf32>,
        %get3A_209 = arith.index_cast %add3A_184 : i32 to index
        %get3A_210 = arith.constant 48 : index
        %get3A_211 = tpu.vector_load %arg13[%get3A_209, %get3A_210] {strides = array<i32>} : memref<200x64xf32, #tpu.memory_space<vmem>>, vector<16xf32>,
        %add3A_212 = arith.addf %get3A_208, %get3A_211 : vector<16xf32>
        %add3A_213 = arith.addf %add3A_191, %add3A_198 : vector<16xf32>
        %add3A_214 = arith.addf %add3A_205, %add3A_212 : vector<16xf32>
        %add3A_215 = arith.addf %add3A_213, %add3A_214 : vector<16xf32>
        %mul3A_216 = arith.mulf %add3A_191, %add3A_191 : vector<16xf32>
        %mul3A_217 = arith.mulf %add3A_198, %add3A_198 : vector<16xf32>
        %add3A_218 = arith.addf %mul3A_216, %mul3A_217 : vector<16xf32>
        %mul3A_219 = arith.mulf %add3A_205, %add3A_205 : vector<16xf32>
        %mul3A_220 = arith.mulf %add3A_212, %add3A_212 : vector<16xf32>
        %add3A_221 = arith.addf %mul3A_219, %mul3A_220 : vector<16xf32>
        %add3A_222 = arith.addf %add3A_218, %add3A_221 : vector<16xf32>
        %xor3A = arith.constant 8 : i32
        %xor3A_223 = vector.broadcast %xor3A : i32 to vector<16xi32>
        %xor3A_224 = arith.xori %iota3A, %xor3A_223 : vector<16xi32>
        %lt3A_225 = arith.constant 0 : i32
        %lt3A_226 = vector.broadcast %lt3A_225 : i32 to vector<16xi32>
        %lt3A_227 = arith.cmpi slt, %xor3A_224, %lt3A_226 : vector<16xi32>
        %add3A_228 = arith.constant 16 : i32
        %add3A_229 = vector.broadcast %add3A_228 : i32 to vector<16xi32>
        %add3A_230 = arith.addi %xor3A_224, %add3A_229 : vector<16xi32>
        %select_n3A = arith.select %lt3A_227, %add3A_230, %xor3A_224 : vector<16xi1>, vector<16xi32>
        %broadcast_in_dim3A = vector.shape_cast %select_n3A : vector<16xi32> to vector<16x1xi32>
        %gather3A = vector.shape_cast %broadcast_in_dim3A : vector<16x1xi32> to vector<16xi32>
        %gather3A_231 = tpu.dynamic_gather %add3A_215[%gather3A] in [0] : vector<16xf32>, vector<16xi32> -> vector<16xf32>
        %add3A_232 = arith.addf %add3A_215, %gather3A_231 : vector<16xf32>
        %xor3A_233 = arith.constant 4 : i32
        %xor3A_234 = vector.broadcast %xor3A_233 : i32 to vector<16xi32>
        %xor3A_235 = arith.xori %iota3A, %xor3A_234 : vector<16xi32>
        %lt3A_236 = arith.constant 0 : i32
        %lt3A_237 = vector.broadcast %lt3A_236 : i32 to vector<16xi32>
        %lt3A_238 = arith.cmpi slt, %xor3A_235, %lt3A_237 : vector<16xi32>
        %add3A_239 = arith.constant 16 : i32
        %add3A_240 = vector.broadcast %add3A_239 : i32 to vector<16xi32>
        %add3A_241 = arith.addi %xor3A_235, %add3A_240 : vector<16xi32>
        %select_n3A_242 = arith.select %lt3A_238, %add3A_241, %xor3A_235 : vector<16xi1>, vector<16xi32>
        %broadcast_in_dim3A_243 = vector.shape_cast %select_n3A_242 : vector<16xi32> to vector<16x1xi32>
        %gather3A_244 = vector.shape_cast %broadcast_in_dim3A_243 : vector<16x1xi32> to vector<16xi32>
        %gather3A_245 = tpu.dynamic_gather %add3A_232[%gather3A_244] in [0] : vector<16xf32>, vector<16xi32> -> vector<16xf32>
        %add3A_246 = arith.addf %add3A_232, %gather3A_245 : vector<16xf32>
        %xor3A_247 = arith.constant 2 : i32
        %xor3A_248 = vector.broadcast %xor3A_247 : i32 to vector<16xi32>
        %xor3A_249 = arith.xori %iota3A, %xor3A_248 : vector<16xi32>
        %lt3A_250 = arith.constant 0 : i32
        %lt3A_251 = vector.broadcast %lt3A_250 : i32 to vector<16xi32>
        %lt3A_252 = arith.cmpi slt, %xor3A_249, %lt3A_251 : vector<16xi32>
        %add3A_253 = arith.constant 16 : i32
        %add3A_254 = vector.broadcast %add3A_253 : i32 to vector<16xi32>
        %add3A_255 = arith.addi %xor3A_249, %add3A_254 : vector<16xi32>
        %select_n3A_256 = arith.select %lt3A_252, %add3A_255, %xor3A_249 : vector<16xi1>, vector<16xi32>
        %broadcast_in_dim3A_257 = vector.shape_cast %select_n3A_256 : vector<16xi32> to vector<16x1xi32>
        %gather3A_258 = vector.shape_cast %broadcast_in_dim3A_257 : vector<16x1xi32> to vector<16xi32>
        %gather3A_259 = tpu.dynamic_gather %add3A_246[%gather3A_258] in [0] : vector<16xf32>, vector<16xi32> -> vector<16xf32>
        %add3A_260 = arith.addf %add3A_246, %gather3A_259 : vector<16xf32>
        %xor3A_261 = arith.constant 1 : i32
        %xor3A_262 = vector.broadcast %xor3A_261 : i32 to vector<16xi32>
        %xor3A_263 = arith.xori %iota3A, %xor3A_262 : vector<16xi32>
        %lt3A_264 = arith.constant 0 : i32
        %lt3A_265 = vector.broadcast %lt3A_264 : i32 to vector<16xi32>
        %lt3A_266 = arith.cmpi slt, %xor3A_263, %lt3A_265 : vector<16xi32>
        %add3A_267 = arith.constant 16 : i32
        %add3A_268 = vector.broadcast %add3A_267 : i32 to vector<16xi32>
        %add3A_269 = arith.addi %xor3A_263, %add3A_268 : vector<16xi32>
        %select_n3A_270 = arith.select %lt3A_266, %add3A_269, %xor3A_263 : vector<16xi1>, vector<16xi32>
        %broadcast_in_dim3A_271 = vector.shape_cast %select_n3A_270 : vector<16xi32> to vector<16x1xi32>
        %gather3A_272 = vector.shape_cast %broadcast_in_dim3A_271 : vector<16x1xi32> to vector<16xi32>
        %gather3A_273 = tpu.dynamic_gather %add3A_260[%gather3A_272] in [0] : vector<16xf32>, vector<16xi32> -> vector<16xf32>
        %add3A_274 = arith.addf %add3A_260, %gather3A_273 : vector<16xf32>
        %mul3A_275 = vector.broadcast %scan3A_42 : f32 to vector<16xf32>
        %mul3A_276 = arith.mulf %add3A_274, %mul3A_275 : vector<16xf32>
        %xor3A_277 = arith.constant 8 : i32
        %xor3A_278 = vector.broadcast %xor3A_277 : i32 to vector<16xi32>
        %xor3A_279 = arith.xori %iota3A, %xor3A_278 : vector<16xi32>
        %lt3A_280 = arith.constant 0 : i32
        %lt3A_281 = vector.broadcast %lt3A_280 : i32 to vector<16xi32>
        %lt3A_282 = arith.cmpi slt, %xor3A_279, %lt3A_281 : vector<16xi32>
        %add3A_283 = arith.constant 16 : i32
        %add3A_284 = vector.broadcast %add3A_283 : i32 to vector<16xi32>
        %add3A_285 = arith.addi %xor3A_279, %add3A_284 : vector<16xi32>
        %select_n3A_286 = arith.select %lt3A_282, %add3A_285, %xor3A_279 : vector<16xi1>, vector<16xi32>
        %broadcast_in_dim3A_287 = vector.shape_cast %select_n3A_286 : vector<16xi32> to vector<16x1xi32>
        %gather3A_288 = vector.shape_cast %broadcast_in_dim3A_287 : vector<16x1xi32> to vector<16xi32>
        %gather3A_289 = tpu.dynamic_gather %add3A_222[%gather3A_288] in [0] : vector<16xf32>, vector<16xi32> -> vector<16xf32>
        %add3A_290 = arith.addf %add3A_222, %gather3A_289 : vector<16xf32>
        %xor3A_291 = arith.constant 4 : i32
        %xor3A_292 = vector.broadcast %xor3A_291 : i32 to vector<16xi32>
        %xor3A_293 = arith.xori %iota3A, %xor3A_292 : vector<16xi32>
        %lt3A_294 = arith.constant 0 : i32
        %lt3A_295 = vector.broadcast %lt3A_294 : i32 to vector<16xi32>
        %lt3A_296 = arith.cmpi slt, %xor3A_293, %lt3A_295 : vector<16xi32>
        %add3A_297 = arith.constant 16 : i32
        %add3A_298 = vector.broadcast %add3A_297 : i32 to vector<16xi32>
        %add3A_299 = arith.addi %xor3A_293, %add3A_298 : vector<16xi32>
        %select_n3A_300 = arith.select %lt3A_296, %add3A_299, %xor3A_293 : vector<16xi1>, vector<16xi32>
        %broadcast_in_dim3A_301 = vector.shape_cast %select_n3A_300 : vector<16xi32> to vector<16x1xi32>
        %gather3A_302 = vector.shape_cast %broadcast_in_dim3A_301 : vector<16x1xi32> to vector<16xi32>
        %gather3A_303 = tpu.dynamic_gather %add3A_290[%gather3A_302] in [0] : vector<16xf32>, vector<16xi32> -> vector<16xf32>
        %add3A_304 = arith.addf %add3A_290, %gather3A_303 : vector<16xf32>
        %xor3A_305 = arith.constant 2 : i32
        %xor3A_306 = vector.broadcast %xor3A_305 : i32 to vector<16xi32>
        %xor3A_307 = arith.xori %iota3A, %xor3A_306 : vector<16xi32>
        %lt3A_308 = arith.constant 0 : i32
        %lt3A_309 = vector.broadcast %lt3A_308 : i32 to vector<16xi32>
        %lt3A_310 = arith.cmpi slt, %xor3A_307, %lt3A_309 : vector<16xi32>
        %add3A_311 = arith.constant 16 : i32
        %add3A_312 = vector.broadcast %add3A_311 : i32 to vector<16xi32>
        %add3A_313 = arith.addi %xor3A_307, %add3A_312 : vector<16xi32>
        %select_n3A_314 = arith.select %lt3A_310, %add3A_313, %xor3A_307 : vector<16xi1>, vector<16xi32>
        %broadcast_in_dim3A_315 = vector.shape_cast %select_n3A_314 : vector<16xi32> to vector<16x1xi32>
        %gather3A_316 = vector.shape_cast %broadcast_in_dim3A_315 : vector<16x1xi32> to vector<16xi32>
        %gather3A_317 = tpu.dynamic_gather %add3A_304[%gather3A_316] in [0] : vector<16xf32>, vector<16xi32> -> vector<16xf32>
        %add3A_318 = arith.addf %add3A_304, %gather3A_317 : vector<16xf32>
        %xor3A_319 = arith.constant 1 : i32
        %xor3A_320 = vector.broadcast %xor3A_319 : i32 to vector<16xi32>
        %xor3A_321 = arith.xori %iota3A, %xor3A_320 : vector<16xi32>
        %lt3A_322 = arith.constant 0 : i32
        %lt3A_323 = vector.broadcast %lt3A_322 : i32 to vector<16xi32>
        %lt3A_324 = arith.cmpi slt, %xor3A_321, %lt3A_323 : vector<16xi32>
        %add3A_325 = arith.constant 16 : i32
        %add3A_326 = vector.broadcast %add3A_325 : i32 to vector<16xi32>
        %add3A_327 = arith.addi %xor3A_321, %add3A_326 : vector<16xi32>
        %select_n3A_328 = arith.select %lt3A_324, %add3A_327, %xor3A_321 : vector<16xi1>, vector<16xi32>
        %broadcast_in_dim3A_329 = vector.shape_cast %select_n3A_328 : vector<16xi32> to vector<16x1xi32>
        %gather3A_330 = vector.shape_cast %broadcast_in_dim3A_329 : vector<16x1xi32> to vector<16xi32>
        %gather3A_331 = tpu.dynamic_gather %add3A_318[%gather3A_330] in [0] : vector<16xf32>, vector<16xi32> -> vector<16xf32>
        %add3A_332 = arith.addf %add3A_318, %gather3A_331 : vector<16xf32>
        %mul3A_333 = vector.broadcast %scan3A_42 : f32 to vector<16xf32>
        %mul3A_334 = arith.mulf %add3A_332, %mul3A_333 : vector<16xf32>
        %mul3A_335 = arith.mulf %mul3A_276, %mul3A_276 : vector<16xf32>
        %sub3A = arith.subf %mul3A_334, %mul3A_335 : vector<16xf32>
        %add3A_336 = arith.constant 9.99999974E-6 : f32
        %add3A_337 = vector.broadcast %add3A_336 : f32 to vector<16xf32>
        %add3A_338 = arith.addf %sub3A, %add3A_337 : vector<16xf32>
        %bitcast3A_339 = vector.bitcast %add3A_338 : vector<16xf32> to vector<16xi32>
        %shift_right_logical3A = arith.constant 1 : i32
        %shift_right_logical3A_340 = vector.broadcast %shift_right_logical3A : i32 to vector<16xi32>
        %shift_right_logical3A_341 = arith.shrui %bitcast3A_339, %shift_right_logical3A_340 : vector<16xi32>
        %sub3A_342 = arith.constant 1597463007 : i32
        %sub3A_343 = vector.broadcast %sub3A_342 : i32 to vector<16xi32>
        %sub3A_344 = arith.subi %sub3A_343, %shift_right_logical3A_341 : vector<16xi32>
        %bitcast3A_345 = vector.bitcast %sub3A_344 : vector<16xi32> to vector<16xf32>
        %mul3A_346 = arith.constant 5.000000e-01 : f32
        %mul3A_347 = vector.broadcast %mul3A_346 : f32 to vector<16xf32>
        %mul3A_348 = arith.mulf %mul3A_347, %add3A_338 : vector<16xf32>
        %mul3A_349 = arith.mulf %mul3A_348, %bitcast3A_345 : vector<16xf32>
        %mul3A_350 = arith.mulf %mul3A_349, %bitcast3A_345 : vector<16xf32>
        %sub3A_351 = arith.constant 1.500000e+00 : f32
        %sub3A_352 = vector.broadcast %sub3A_351 : f32 to vector<16xf32>
        %sub3A_353 = arith.subf %sub3A_352, %mul3A_350 : vector<16xf32>
        %mul3A_354 = arith.mulf %bitcast3A_345, %sub3A_353 : vector<16xf32>
        %mul3A_355 = arith.constant 5.000000e-01 : f32
        %mul3A_356 = vector.broadcast %mul3A_355 : f32 to vector<16xf32>
        %mul3A_357 = arith.mulf %mul3A_356, %add3A_338 : vector<16xf32>
        %mul3A_358 = arith.mulf %mul3A_357, %mul3A_354 : vector<16xf32>
        %mul3A_359 = arith.mulf %mul3A_358, %mul3A_354 : vector<16xf32>
        %sub3A_360 = arith.constant 1.500000e+00 : f32
        %sub3A_361 = vector.broadcast %sub3A_360 : f32 to vector<16xf32>
        %sub3A_362 = arith.subf %sub3A_361, %mul3A_359 : vector<16xf32>
        %mul3A_363 = arith.mulf %mul3A_354, %sub3A_362 : vector<16xf32>
        %mul3A_364 = arith.mulf %mul3A_276, %mul3A_363 : vector<16xf32>
        %mul3A_365 = arith.mulf %add3A_191, %mul3A_363 : vector<16xf32>
        %sub3A_366 = arith.subf %mul3A_365, %mul3A_364 : vector<16xf32>
        %mul3A_367 = arith.mulf %sub3A_366, %bitcast3A : vector<16xf32>
        %add3A_368 = arith.addf %mul3A_367, %bitcast3A_22 : vector<16xf32>
        %swap3A = arith.index_cast %add3A_184 : i32 to index
        %swap3A_369 = arith.constant 0 : index
        %swap3A_370 = tpu.vector_load %arg14[%swap3A, %swap3A_369] {strides = array<i32>} : memref<200x64xf32, #tpu.memory_space<vmem>>, vector<16xf32>,
        tpu.vector_store %arg14[%swap3A, %swap3A_369], %add3A_368 {strides = array<i32>} : memref<200x64xf32, #tpu.memory_space<vmem>>, vector<16xf32>,
        %mul3A_371 = arith.mulf %add3A_198, %mul3A_363 : vector<16xf32>
        %sub3A_372 = arith.subf %mul3A_371, %mul3A_364 : vector<16xf32>
        %mul3A_373 = arith.mulf %sub3A_372, %bitcast3A_13 : vector<16xf32>
        %add3A_374 = arith.addf %mul3A_373, %bitcast3A_25 : vector<16xf32>
        %swap3A_375 = arith.index_cast %add3A_184 : i32 to index
        %swap3A_376 = arith.constant 16 : index
        %swap3A_377 = tpu.vector_load %arg14[%swap3A_375, %swap3A_376] {strides = array<i32>} : memref<200x64xf32, #tpu.memory_space<vmem>>, vector<16xf32>,
        tpu.vector_store %arg14[%swap3A_375, %swap3A_376], %add3A_374 {strides = array<i32>} : memref<200x64xf32, #tpu.memory_space<vmem>>, vector<16xf32>,
        %mul3A_378 = arith.mulf %add3A_205, %mul3A_363 : vector<16xf32>
        %sub3A_379 = arith.subf %mul3A_378, %mul3A_364 : vector<16xf32>
        %mul3A_380 = arith.mulf %sub3A_379, %bitcast3A_16 : vector<16xf32>
        %add3A_381 = arith.addf %mul3A_380, %bitcast3A_28 : vector<16xf32>
        %swap3A_382 = arith.index_cast %add3A_184 : i32 to index
        %swap3A_383 = arith.constant 32 : index
        %swap3A_384 = tpu.vector_load %arg14[%swap3A_382, %swap3A_383] {strides = array<i32>} : memref<200x64xf32, #tpu.memory_space<vmem>>, vector<16xf32>,
        tpu.vector_store %arg14[%swap3A_382, %swap3A_383], %add3A_381 {strides = array<i32>} : memref<200x64xf32, #tpu.memory_space<vmem>>, vector<16xf32>,
        %mul3A_385 = arith.mulf %add3A_212, %mul3A_363 : vector<16xf32>
        %sub3A_386 = arith.subf %mul3A_385, %mul3A_364 : vector<16xf32>
        %mul3A_387 = arith.mulf %sub3A_386, %bitcast3A_19 : vector<16xf32>
        %add3A_388 = arith.addf %mul3A_387, %bitcast3A_31 : vector<16xf32>
        %swap3A_389 = arith.index_cast %add3A_184 : i32 to index
        %swap3A_390 = arith.constant 48 : index
        %swap3A_391 = tpu.vector_load %arg14[%swap3A_389, %swap3A_390] {strides = array<i32>} : memref<200x64xf32, #tpu.memory_space<vmem>>, vector<16xf32>,
        tpu.vector_store %arg14[%swap3A_389, %swap3A_390], %add3A_388 {strides = array<i32>} : memref<200x64xf32, #tpu.memory_space<vmem>>, vector<16xf32>,
        %mul3A_392 = arith.constant 4 : i32
        %mul3A_393 = arith.muli %scan3A_180, %mul3A_392 : i32
        %add3A_394 = arith.constant 1 : i32
        %add3A_395 = arith.addi %mul3A_393, %add3A_394 : i32
        %get3A_396 = arith.index_cast %add3A_395 : i32 to index
        %get3A_397 = arith.constant 0 : index
        %get3A_398 = tpu.vector_load %arg12[%get3A_396, %get3A_397] {strides = array<i32>} : memref<200x64xf32, #tpu.memory_space<vmem>>, vector<16xf32>,
        %get3A_399 = arith.index_cast %add3A_395 : i32 to index
        %get3A_400 = arith.constant 0 : index
        %get3A_401 = tpu.vector_load %arg13[%get3A_399, %get3A_400] {strides = array<i32>} : memref<200x64xf32, #tpu.memory_space<vmem>>, vector<16xf32>,
        %add3A_402 = arith.addf %get3A_398, %get3A_401 : vector<16xf32>
        %get3A_403 = arith.index_cast %add3A_395 : i32 to index
        %get3A_404 = arith.constant 16 : index
        %get3A_405 = tpu.vector_load %arg12[%get3A_403, %get3A_404] {strides = array<i32>} : memref<200x64xf32, #tpu.memory_space<vmem>>, vector<16xf32>,
        %get3A_406 = arith.index_cast %add3A_395 : i32 to index
        %get3A_407 = arith.constant 16 : index
        %get3A_408 = tpu.vector_load %arg13[%get3A_406, %get3A_407] {strides = array<i32>} : memref<200x64xf32, #tpu.memory_space<vmem>>, vector<16xf32>,
        %add3A_409 = arith.addf %get3A_405, %get3A_408 : vector<16xf32>
        %get3A_410 = arith.index_cast %add3A_395 : i32 to index
        %get3A_411 = arith.constant 32 : index
        %get3A_412 = tpu.vector_load %arg12[%get3A_410, %get3A_411] {strides = array<i32>} : memref<200x64xf32, #tpu.memory_space<vmem>>, vector<16xf32>,
        %get3A_413 = arith.index_cast %add3A_395 : i32 to index
        %get3A_414 = arith.constant 32 : index
        %get3A_415 = tpu.vector_load %arg13[%get3A_413, %get3A_414] {strides = array<i32>} : memref<200x64xf32, #tpu.memory_space<vmem>>, vector<16xf32>,
        %add3A_416 = arith.addf %get3A_412, %get3A_415 : vector<16xf32>
        %get3A_417 = arith.index_cast %add3A_395 : i32 to index
        %get3A_418 = arith.constant 48 : index
        %get3A_419 = tpu.vector_load %arg12[%get3A_417, %get3A_418] {strides = array<i32>} : memref<200x64xf32, #tpu.memory_space<vmem>>, vector<16xf32>,
        %get3A_420 = arith.index_cast %add3A_395 : i32 to index
        %get3A_421 = arith.constant 48 : index
        %get3A_422 = tpu.vector_load %arg13[%get3A_420, %get3A_421] {strides = array<i32>} : memref<200x64xf32, #tpu.memory_space<vmem>>, vector<16xf32>,
        %add3A_423 = arith.addf %get3A_419, %get3A_422 : vector<16xf32>
        %add3A_424 = arith.addf %add3A_402, %add3A_409 : vector<16xf32>
        %add3A_425 = arith.addf %add3A_416, %add3A_423 : vector<16xf32>
        %add3A_426 = arith.addf %add3A_424, %add3A_425 : vector<16xf32>
        %mul3A_427 = arith.mulf %add3A_402, %add3A_402 : vector<16xf32>
        %mul3A_428 = arith.mulf %add3A_409, %add3A_409 : vector<16xf32>
        %add3A_429 = arith.addf %mul3A_427, %mul3A_428 : vector<16xf32>
        %mul3A_430 = arith.mulf %add3A_416, %add3A_416 : vector<16xf32>
        %mul3A_431 = arith.mulf %add3A_423, %add3A_423 : vector<16xf32>
        %add3A_432 = arith.addf %mul3A_430, %mul3A_431 : vector<16xf32>
        %add3A_433 = arith.addf %add3A_429, %add3A_432 : vector<16xf32>
        %xor3A_434 = arith.constant 8 : i32
        %xor3A_435 = vector.broadcast %xor3A_434 : i32 to vector<16xi32>
        %xor3A_436 = arith.xori %iota3A, %xor3A_435 : vector<16xi32>
        %lt3A_437 = arith.constant 0 : i32
        %lt3A_438 = vector.broadcast %lt3A_437 : i32 to vector<16xi32>
        %lt3A_439 = arith.cmpi slt, %xor3A_436, %lt3A_438 : vector<16xi32>
        %add3A_440 = arith.constant 16 : i32
        %add3A_441 = vector.broadcast %add3A_440 : i32 to vector<16xi32>
        %add3A_442 = arith.addi %xor3A_436, %add3A_441 : vector<16xi32>
        %select_n3A_443 = arith.select %lt3A_439, %add3A_442, %xor3A_436 : vector<16xi1>, vector<16xi32>
        %broadcast_in_dim3A_444 = vector.shape_cast %select_n3A_443 : vector<16xi32> to vector<16x1xi32>
        %gather3A_445 = vector.shape_cast %broadcast_in_dim3A_444 : vector<16x1xi32> to vector<16xi32>
        %gather3A_446 = tpu.dynamic_gather %add3A_426[%gather3A_445] in [0] : vector<16xf32>, vector<16xi32> -> vector<16xf32>
        %add3A_447 = arith.addf %add3A_426, %gather3A_446 : vector<16xf32>
        %xor3A_448 = arith.constant 4 : i32
        %xor3A_449 = vector.broadcast %xor3A_448 : i32 to vector<16xi32>
        %xor3A_450 = arith.xori %iota3A, %xor3A_449 : vector<16xi32>
        %lt3A_451 = arith.constant 0 : i32
        %lt3A_452 = vector.broadcast %lt3A_451 : i32 to vector<16xi32>
        %lt3A_453 = arith.cmpi slt, %xor3A_450, %lt3A_452 : vector<16xi32>
        %add3A_454 = arith.constant 16 : i32
        %add3A_455 = vector.broadcast %add3A_454 : i32 to vector<16xi32>
        %add3A_456 = arith.addi %xor3A_450, %add3A_455 : vector<16xi32>
        %select_n3A_457 = arith.select %lt3A_453, %add3A_456, %xor3A_450 : vector<16xi1>, vector<16xi32>
        %broadcast_in_dim3A_458 = vector.shape_cast %select_n3A_457 : vector<16xi32> to vector<16x1xi32>
        %gather3A_459 = vector.shape_cast %broadcast_in_dim3A_458 : vector<16x1xi32> to vector<16xi32>
        %gather3A_460 = tpu.dynamic_gather %add3A_447[%gather3A_459] in [0] : vector<16xf32>, vector<16xi32> -> vector<16xf32>
        %add3A_461 = arith.addf %add3A_447, %gather3A_460 : vector<16xf32>
        %xor3A_462 = arith.constant 2 : i32
        %xor3A_463 = vector.broadcast %xor3A_462 : i32 to vector<16xi32>
        %xor3A_464 = arith.xori %iota3A, %xor3A_463 : vector<16xi32>
        %lt3A_465 = arith.constant 0 : i32
        %lt3A_466 = vector.broadcast %lt3A_465 : i32 to vector<16xi32>
        %lt3A_467 = arith.cmpi slt, %xor3A_464, %lt3A_466 : vector<16xi32>
        %add3A_468 = arith.constant 16 : i32
        %add3A_469 = vector.broadcast %add3A_468 : i32 to vector<16xi32>
        %add3A_470 = arith.addi %xor3A_464, %add3A_469 : vector<16xi32>
        %select_n3A_471 = arith.select %lt3A_467, %add3A_470, %xor3A_464 : vector<16xi1>, vector<16xi32>
        %broadcast_in_dim3A_472 = vector.shape_cast %select_n3A_471 : vector<16xi32> to vector<16x1xi32>
        %gather3A_473 = vector.shape_cast %broadcast_in_dim3A_472 : vector<16x1xi32> to vector<16xi32>
        %gather3A_474 = tpu.dynamic_gather %add3A_461[%gather3A_473] in [0] : vector<16xf32>, vector<16xi32> -> vector<16xf32>
        %add3A_475 = arith.addf %add3A_461, %gather3A_474 : vector<16xf32>
        %xor3A_476 = arith.constant 1 : i32
        %xor3A_477 = vector.broadcast %xor3A_476 : i32 to vector<16xi32>
        %xor3A_478 = arith.xori %iota3A, %xor3A_477 : vector<16xi32>
        %lt3A_479 = arith.constant 0 : i32
        %lt3A_480 = vector.broadcast %lt3A_479 : i32 to vector<16xi32>
        %lt3A_481 = arith.cmpi slt, %xor3A_478, %lt3A_480 : vector<16xi32>
        %add3A_482 = arith.constant 16 : i32
        %add3A_483 = vector.broadcast %add3A_482 : i32 to vector<16xi32>
        %add3A_484 = arith.addi %xor3A_478, %add3A_483 : vector<16xi32>
        %select_n3A_485 = arith.select %lt3A_481, %add3A_484, %xor3A_478 : vector<16xi1>, vector<16xi32>
        %broadcast_in_dim3A_486 = vector.shape_cast %select_n3A_485 : vector<16xi32> to vector<16x1xi32>
        %gather3A_487 = vector.shape_cast %broadcast_in_dim3A_486 : vector<16x1xi32> to vector<16xi32>
        %gather3A_488 = tpu.dynamic_gather %add3A_475[%gather3A_487] in [0] : vector<16xf32>, vector<16xi32> -> vector<16xf32>
        %add3A_489 = arith.addf %add3A_475, %gather3A_488 : vector<16xf32>
        %mul3A_490 = vector.broadcast %scan3A_42 : f32 to vector<16xf32>
        %mul3A_491 = arith.mulf %add3A_489, %mul3A_490 : vector<16xf32>
        %xor3A_492 = arith.constant 8 : i32
        %xor3A_493 = vector.broadcast %xor3A_492 : i32 to vector<16xi32>
        %xor3A_494 = arith.xori %iota3A, %xor3A_493 : vector<16xi32>
        %lt3A_495 = arith.constant 0 : i32
        %lt3A_496 = vector.broadcast %lt3A_495 : i32 to vector<16xi32>
        %lt3A_497 = arith.cmpi slt, %xor3A_494, %lt3A_496 : vector<16xi32>
        %add3A_498 = arith.constant 16 : i32
        %add3A_499 = vector.broadcast %add3A_498 : i32 to vector<16xi32>
        %add3A_500 = arith.addi %xor3A_494, %add3A_499 : vector<16xi32>
        %select_n3A_501 = arith.select %lt3A_497, %add3A_500, %xor3A_494 : vector<16xi1>, vector<16xi32>
        %broadcast_in_dim3A_502 = vector.shape_cast %select_n3A_501 : vector<16xi32> to vector<16x1xi32>
        %gather3A_503 = vector.shape_cast %broadcast_in_dim3A_502 : vector<16x1xi32> to vector<16xi32>
        %gather3A_504 = tpu.dynamic_gather %add3A_433[%gather3A_503] in [0] : vector<16xf32>, vector<16xi32> -> vector<16xf32>
        %add3A_505 = arith.addf %add3A_433, %gather3A_504 : vector<16xf32>
        %xor3A_506 = arith.constant 4 : i32
        %xor3A_507 = vector.broadcast %xor3A_506 : i32 to vector<16xi32>
        %xor3A_508 = arith.xori %iota3A, %xor3A_507 : vector<16xi32>
        %lt3A_509 = arith.constant 0 : i32
        %lt3A_510 = vector.broadcast %lt3A_509 : i32 to vector<16xi32>
        %lt3A_511 = arith.cmpi slt, %xor3A_508, %lt3A_510 : vector<16xi32>
        %add3A_512 = arith.constant 16 : i32
        %add3A_513 = vector.broadcast %add3A_512 : i32 to vector<16xi32>
        %add3A_514 = arith.addi %xor3A_508, %add3A_513 : vector<16xi32>
        %select_n3A_515 = arith.select %lt3A_511, %add3A_514, %xor3A_508 : vector<16xi1>, vector<16xi32>
        %broadcast_in_dim3A_516 = vector.shape_cast %select_n3A_515 : vector<16xi32> to vector<16x1xi32>
        %gather3A_517 = vector.shape_cast %broadcast_in_dim3A_516 : vector<16x1xi32> to vector<16xi32>
        %gather3A_518 = tpu.dynamic_gather %add3A_505[%gather3A_517] in [0] : vector<16xf32>, vector<16xi32> -> vector<16xf32>
        %add3A_519 = arith.addf %add3A_505, %gather3A_518 : vector<16xf32>
        %xor3A_520 = arith.constant 2 : i32
        %xor3A_521 = vector.broadcast %xor3A_520 : i32 to vector<16xi32>
        %xor3A_522 = arith.xori %iota3A, %xor3A_521 : vector<16xi32>
        %lt3A_523 = arith.constant 0 : i32
        %lt3A_524 = vector.broadcast %lt3A_523 : i32 to vector<16xi32>
        %lt3A_525 = arith.cmpi slt, %xor3A_522, %lt3A_524 : vector<16xi32>
        %add3A_526 = arith.constant 16 : i32
        %add3A_527 = vector.broadcast %add3A_526 : i32 to vector<16xi32>
        %add3A_528 = arith.addi %xor3A_522, %add3A_527 : vector<16xi32>
        %select_n3A_529 = arith.select %lt3A_525, %add3A_528, %xor3A_522 : vector<16xi1>, vector<16xi32>
        %broadcast_in_dim3A_530 = vector.shape_cast %select_n3A_529 : vector<16xi32> to vector<16x1xi32>
        %gather3A_531 = vector.shape_cast %broadcast_in_dim3A_530 : vector<16x1xi32> to vector<16xi32>
        %gather3A_532 = tpu.dynamic_gather %add3A_519[%gather3A_531] in [0] : vector<16xf32>, vector<16xi32> -> vector<16xf32>
        %add3A_533 = arith.addf %add3A_519, %gather3A_532 : vector<16xf32>
        %xor3A_534 = arith.constant 1 : i32
        %xor3A_535 = vector.broadcast %xor3A_534 : i32 to vector<16xi32>
        %xor3A_536 = arith.xori %iota3A, %xor3A_535 : vector<16xi32>
        %lt3A_537 = arith.constant 0 : i32
        %lt3A_538 = vector.broadcast %lt3A_537 : i32 to vector<16xi32>
        %lt3A_539 = arith.cmpi slt, %xor3A_536, %lt3A_538 : vector<16xi32>
        %add3A_540 = arith.constant 16 : i32
        %add3A_541 = vector.broadcast %add3A_540 : i32 to vector<16xi32>
        %add3A_542 = arith.addi %xor3A_536, %add3A_541 : vector<16xi32>
        %select_n3A_543 = arith.select %lt3A_539, %add3A_542, %xor3A_536 : vector<16xi1>, vector<16xi32>
        %broadcast_in_dim3A_544 = vector.shape_cast %select_n3A_543 : vector<16xi32> to vector<16x1xi32>
        %gather3A_545 = vector.shape_cast %broadcast_in_dim3A_544 : vector<16x1xi32> to vector<16xi32>
        %gather3A_546 = tpu.dynamic_gather %add3A_533[%gather3A_545] in [0] : vector<16xf32>, vector<16xi32> -> vector<16xf32>
        %add3A_547 = arith.addf %add3A_533, %gather3A_546 : vector<16xf32>
        %mul3A_548 = vector.broadcast %scan3A_42 : f32 to vector<16xf32>
        %mul3A_549 = arith.mulf %add3A_547, %mul3A_548 : vector<16xf32>
        %mul3A_550 = arith.mulf %mul3A_491, %mul3A_491 : vector<16xf32>
        %sub3A_551 = arith.subf %mul3A_549, %mul3A_550 : vector<16xf32>
        %add3A_552 = arith.constant 9.99999974E-6 : f32
        %add3A_553 = vector.broadcast %add3A_552 : f32 to vector<16xf32>
        %add3A_554 = arith.addf %sub3A_551, %add3A_553 : vector<16xf32>
        %bitcast3A_555 = vector.bitcast %add3A_554 : vector<16xf32> to vector<16xi32>
        %shift_right_logical3A_556 = arith.constant 1 : i32
        %shift_right_logical3A_557 = vector.broadcast %shift_right_logical3A_556 : i32 to vector<16xi32>
        %shift_right_logical3A_558 = arith.shrui %bitcast3A_555, %shift_right_logical3A_557 : vector<16xi32>
        %sub3A_559 = arith.constant 1597463007 : i32
        %sub3A_560 = vector.broadcast %sub3A_559 : i32 to vector<16xi32>
        %sub3A_561 = arith.subi %sub3A_560, %shift_right_logical3A_558 : vector<16xi32>
        %bitcast3A_562 = vector.bitcast %sub3A_561 : vector<16xi32> to vector<16xf32>
        %mul3A_563 = arith.constant 5.000000e-01 : f32
        %mul3A_564 = vector.broadcast %mul3A_563 : f32 to vector<16xf32>
        %mul3A_565 = arith.mulf %mul3A_564, %add3A_554 : vector<16xf32>
        %mul3A_566 = arith.mulf %mul3A_565, %bitcast3A_562 : vector<16xf32>
        %mul3A_567 = arith.mulf %mul3A_566, %bitcast3A_562 : vector<16xf32>
        %sub3A_568 = arith.constant 1.500000e+00 : f32
        %sub3A_569 = vector.broadcast %sub3A_568 : f32 to vector<16xf32>
        %sub3A_570 = arith.subf %sub3A_569, %mul3A_567 : vector<16xf32>
        %mul3A_571 = arith.mulf %bitcast3A_562, %sub3A_570 : vector<16xf32>
        %mul3A_572 = arith.constant 5.000000e-01 : f32
        %mul3A_573 = vector.broadcast %mul3A_572 : f32 to vector<16xf32>
        %mul3A_574 = arith.mulf %mul3A_573, %add3A_554 : vector<16xf32>
        %mul3A_575 = arith.mulf %mul3A_574, %mul3A_571 : vector<16xf32>
        %mul3A_576 = arith.mulf %mul3A_575, %mul3A_571 : vector<16xf32>
        %sub3A_577 = arith.constant 1.500000e+00 : f32
        %sub3A_578 = vector.broadcast %sub3A_577 : f32 to vector<16xf32>
        %sub3A_579 = arith.subf %sub3A_578, %mul3A_576 : vector<16xf32>
        %mul3A_580 = arith.mulf %mul3A_571, %sub3A_579 : vector<16xf32>
        %mul3A_581 = arith.mulf %mul3A_491, %mul3A_580 : vector<16xf32>
        %mul3A_582 = arith.mulf %add3A_402, %mul3A_580 : vector<16xf32>
        %sub3A_583 = arith.subf %mul3A_582, %mul3A_581 : vector<16xf32>
        %mul3A_584 = arith.mulf %sub3A_583, %bitcast3A : vector<16xf32>
        %add3A_585 = arith.addf %mul3A_584, %bitcast3A_22 : vector<16xf32>
        %swap3A_586 = arith.index_cast %add3A_395 : i32 to index
        %swap3A_587 = arith.constant 0 : index
        %swap3A_588 = tpu.vector_load %arg14[%swap3A_586, %swap3A_587] {strides = array<i32>} : memref<200x64xf32, #tpu.memory_space<vmem>>, vector<16xf32>,
        tpu.vector_store %arg14[%swap3A_586, %swap3A_587], %add3A_585 {strides = array<i32>} : memref<200x64xf32, #tpu.memory_space<vmem>>, vector<16xf32>,
        %mul3A_589 = arith.mulf %add3A_409, %mul3A_580 : vector<16xf32>
        %sub3A_590 = arith.subf %mul3A_589, %mul3A_581 : vector<16xf32>
        %mul3A_591 = arith.mulf %sub3A_590, %bitcast3A_13 : vector<16xf32>
        %add3A_592 = arith.addf %mul3A_591, %bitcast3A_25 : vector<16xf32>
        %swap3A_593 = arith.index_cast %add3A_395 : i32 to index
        %swap3A_594 = arith.constant 16 : index
        %swap3A_595 = tpu.vector_load %arg14[%swap3A_593, %swap3A_594] {strides = array<i32>} : memref<200x64xf32, #tpu.memory_space<vmem>>, vector<16xf32>,
        tpu.vector_store %arg14[%swap3A_593, %swap3A_594], %add3A_592 {strides = array<i32>} : memref<200x64xf32, #tpu.memory_space<vmem>>, vector<16xf32>,
        %mul3A_596 = arith.mulf %add3A_416, %mul3A_580 : vector<16xf32>
        %sub3A_597 = arith.subf %mul3A_596, %mul3A_581 : vector<16xf32>
        %mul3A_598 = arith.mulf %sub3A_597, %bitcast3A_16 : vector<16xf32>
        %add3A_599 = arith.addf %mul3A_598, %bitcast3A_28 : vector<16xf32>
        %swap3A_600 = arith.index_cast %add3A_395 : i32 to index
        %swap3A_601 = arith.constant 32 : index
        %swap3A_602 = tpu.vector_load %arg14[%swap3A_600, %swap3A_601] {strides = array<i32>} : memref<200x64xf32, #tpu.memory_space<vmem>>, vector<16xf32>,
        tpu.vector_store %arg14[%swap3A_600, %swap3A_601], %add3A_599 {strides = array<i32>} : memref<200x64xf32, #tpu.memory_space<vmem>>, vector<16xf32>,
        %mul3A_603 = arith.mulf %add3A_423, %mul3A_580 : vector<16xf32>
        %sub3A_604 = arith.subf %mul3A_603, %mul3A_581 : vector<16xf32>
        %mul3A_605 = arith.mulf %sub3A_604, %bitcast3A_19 : vector<16xf32>
        %add3A_606 = arith.addf %mul3A_605, %bitcast3A_31 : vector<16xf32>
        %swap3A_607 = arith.index_cast %add3A_395 : i32 to index
        %swap3A_608 = arith.constant 48 : index
        %swap3A_609 = tpu.vector_load %arg14[%swap3A_607, %swap3A_608] {strides = array<i32>} : memref<200x64xf32, #tpu.memory_space<vmem>>, vector<16xf32>,
        tpu.vector_store %arg14[%swap3A_607, %swap3A_608], %add3A_606 {strides = array<i32>} : memref<200x64xf32, #tpu.memory_space<vmem>>, vector<16xf32>,
        %mul3A_610 = arith.constant 4 : i32
        %mul3A_611 = arith.muli %scan3A_180, %mul3A_610 : i32
        %add3A_612 = arith.constant 2 : i32
        %add3A_613 = arith.addi %mul3A_611, %add3A_612 : i32
        %get3A_614 = arith.index_cast %add3A_613 : i32 to index
        %get3A_615 = arith.constant 0 : index
        %get3A_616 = tpu.vector_load %arg12[%get3A_614, %get3A_615] {strides = array<i32>} : memref<200x64xf32, #tpu.memory_space<vmem>>, vector<16xf32>,
        %get3A_617 = arith.index_cast %add3A_613 : i32 to index
        %get3A_618 = arith.constant 0 : index
        %get3A_619 = tpu.vector_load %arg13[%get3A_617, %get3A_618] {strides = array<i32>} : memref<200x64xf32, #tpu.memory_space<vmem>>, vector<16xf32>,
        %add3A_620 = arith.addf %get3A_616, %get3A_619 : vector<16xf32>
        %get3A_621 = arith.index_cast %add3A_613 : i32 to index
        %get3A_622 = arith.constant 16 : index
        %get3A_623 = tpu.vector_load %arg12[%get3A_621, %get3A_622] {strides = array<i32>} : memref<200x64xf32, #tpu.memory_space<vmem>>, vector<16xf32>,
        %get3A_624 = arith.index_cast %add3A_613 : i32 to index
        %get3A_625 = arith.constant 16 : index
        %get3A_626 = tpu.vector_load %arg13[%get3A_624, %get3A_625] {strides = array<i32>} : memref<200x64xf32, #tpu.memory_space<vmem>>, vector<16xf32>,
        %add3A_627 = arith.addf %get3A_623, %get3A_626 : vector<16xf32>
        %get3A_628 = arith.index_cast %add3A_613 : i32 to index
        %get3A_629 = arith.constant 32 : index
        %get3A_630 = tpu.vector_load %arg12[%get3A_628, %get3A_629] {strides = array<i32>} : memref<200x64xf32, #tpu.memory_space<vmem>>, vector<16xf32>,
        %get3A_631 = arith.index_cast %add3A_613 : i32 to index
        %get3A_632 = arith.constant 32 : index
        %get3A_633 = tpu.vector_load %arg13[%get3A_631, %get3A_632] {strides = array<i32>} : memref<200x64xf32, #tpu.memory_space<vmem>>, vector<16xf32>,
        %add3A_634 = arith.addf %get3A_630, %get3A_633 : vector<16xf32>
        %get3A_635 = arith.index_cast %add3A_613 : i32 to index
        %get3A_636 = arith.constant 48 : index
        %get3A_637 = tpu.vector_load %arg12[%get3A_635, %get3A_636] {strides = array<i32>} : memref<200x64xf32, #tpu.memory_space<vmem>>, vector<16xf32>,
        %get3A_638 = arith.index_cast %add3A_613 : i32 to index
        %get3A_639 = arith.constant 48 : index
        %get3A_640 = tpu.vector_load %arg13[%get3A_638, %get3A_639] {strides = array<i32>} : memref<200x64xf32, #tpu.memory_space<vmem>>, vector<16xf32>,
        %add3A_641 = arith.addf %get3A_637, %get3A_640 : vector<16xf32>
        %add3A_642 = arith.addf %add3A_620, %add3A_627 : vector<16xf32>
        %add3A_643 = arith.addf %add3A_634, %add3A_641 : vector<16xf32>
        %add3A_644 = arith.addf %add3A_642, %add3A_643 : vector<16xf32>
        %mul3A_645 = arith.mulf %add3A_620, %add3A_620 : vector<16xf32>
        %mul3A_646 = arith.mulf %add3A_627, %add3A_627 : vector<16xf32>
        %add3A_647 = arith.addf %mul3A_645, %mul3A_646 : vector<16xf32>
        %mul3A_648 = arith.mulf %add3A_634, %add3A_634 : vector<16xf32>
        %mul3A_649 = arith.mulf %add3A_641, %add3A_641 : vector<16xf32>
        %add3A_650 = arith.addf %mul3A_648, %mul3A_649 : vector<16xf32>
        %add3A_651 = arith.addf %add3A_647, %add3A_650 : vector<16xf32>
        %xor3A_652 = arith.constant 8 : i32
        %xor3A_653 = vector.broadcast %xor3A_652 : i32 to vector<16xi32>
        %xor3A_654 = arith.xori %iota3A, %xor3A_653 : vector<16xi32>
        %lt3A_655 = arith.constant 0 : i32
        %lt3A_656 = vector.broadcast %lt3A_655 : i32 to vector<16xi32>
        %lt3A_657 = arith.cmpi slt, %xor3A_654, %lt3A_656 : vector<16xi32>
        %add3A_658 = arith.constant 16 : i32
        %add3A_659 = vector.broadcast %add3A_658 : i32 to vector<16xi32>
        %add3A_660 = arith.addi %xor3A_654, %add3A_659 : vector<16xi32>
        %select_n3A_661 = arith.select %lt3A_657, %add3A_660, %xor3A_654 : vector<16xi1>, vector<16xi32>
        %broadcast_in_dim3A_662 = vector.shape_cast %select_n3A_661 : vector<16xi32> to vector<16x1xi32>
        %gather3A_663 = vector.shape_cast %broadcast_in_dim3A_662 : vector<16x1xi32> to vector<16xi32>
        %gather3A_664 = tpu.dynamic_gather %add3A_644[%gather3A_663] in [0] : vector<16xf32>, vector<16xi32> -> vector<16xf32>
        %add3A_665 = arith.addf %add3A_644, %gather3A_664 : vector<16xf32>
        %xor3A_666 = arith.constant 4 : i32
        %xor3A_667 = vector.broadcast %xor3A_666 : i32 to vector<16xi32>
        %xor3A_668 = arith.xori %iota3A, %xor3A_667 : vector<16xi32>
        %lt3A_669 = arith.constant 0 : i32
        %lt3A_670 = vector.broadcast %lt3A_669 : i32 to vector<16xi32>
        %lt3A_671 = arith.cmpi slt, %xor3A_668, %lt3A_670 : vector<16xi32>
        %add3A_672 = arith.constant 16 : i32
        %add3A_673 = vector.broadcast %add3A_672 : i32 to vector<16xi32>
        %add3A_674 = arith.addi %xor3A_668, %add3A_673 : vector<16xi32>
        %select_n3A_675 = arith.select %lt3A_671, %add3A_674, %xor3A_668 : vector<16xi1>, vector<16xi32>
        %broadcast_in_dim3A_676 = vector.shape_cast %select_n3A_675 : vector<16xi32> to vector<16x1xi32>
        %gather3A_677 = vector.shape_cast %broadcast_in_dim3A_676 : vector<16x1xi32> to vector<16xi32>
        %gather3A_678 = tpu.dynamic_gather %add3A_665[%gather3A_677] in [0] : vector<16xf32>, vector<16xi32> -> vector<16xf32>
        %add3A_679 = arith.addf %add3A_665, %gather3A_678 : vector<16xf32>
        %xor3A_680 = arith.constant 2 : i32
        %xor3A_681 = vector.broadcast %xor3A_680 : i32 to vector<16xi32>
        %xor3A_682 = arith.xori %iota3A, %xor3A_681 : vector<16xi32>
        %lt3A_683 = arith.constant 0 : i32
        %lt3A_684 = vector.broadcast %lt3A_683 : i32 to vector<16xi32>
        %lt3A_685 = arith.cmpi slt, %xor3A_682, %lt3A_684 : vector<16xi32>
        %add3A_686 = arith.constant 16 : i32
        %add3A_687 = vector.broadcast %add3A_686 : i32 to vector<16xi32>
        %add3A_688 = arith.addi %xor3A_682, %add3A_687 : vector<16xi32>
        %select_n3A_689 = arith.select %lt3A_685, %add3A_688, %xor3A_682 : vector<16xi1>, vector<16xi32>
        %broadcast_in_dim3A_690 = vector.shape_cast %select_n3A_689 : vector<16xi32> to vector<16x1xi32>
        %gather3A_691 = vector.shape_cast %broadcast_in_dim3A_690 : vector<16x1xi32> to vector<16xi32>
        %gather3A_692 = tpu.dynamic_gather %add3A_679[%gather3A_691] in [0] : vector<16xf32>, vector<16xi32> -> vector<16xf32>
        %add3A_693 = arith.addf %add3A_679, %gather3A_692 : vector<16xf32>
        %xor3A_694 = arith.constant 1 : i32
        %xor3A_695 = vector.broadcast %xor3A_694 : i32 to vector<16xi32>
        %xor3A_696 = arith.xori %iota3A, %xor3A_695 : vector<16xi32>
        %lt3A_697 = arith.constant 0 : i32
        %lt3A_698 = vector.broadcast %lt3A_697 : i32 to vector<16xi32>
        %lt3A_699 = arith.cmpi slt, %xor3A_696, %lt3A_698 : vector<16xi32>
        %add3A_700 = arith.constant 16 : i32
        %add3A_701 = vector.broadcast %add3A_700 : i32 to vector<16xi32>
        %add3A_702 = arith.addi %xor3A_696, %add3A_701 : vector<16xi32>
        %select_n3A_703 = arith.select %lt3A_699, %add3A_702, %xor3A_696 : vector<16xi1>, vector<16xi32>
        %broadcast_in_dim3A_704 = vector.shape_cast %select_n3A_703 : vector<16xi32> to vector<16x1xi32>
        %gather3A_705 = vector.shape_cast %broadcast_in_dim3A_704 : vector<16x1xi32> to vector<16xi32>
        %gather3A_706 = tpu.dynamic_gather %add3A_693[%gather3A_705] in [0] : vector<16xf32>, vector<16xi32> -> vector<16xf32>
        %add3A_707 = arith.addf %add3A_693, %gather3A_706 : vector<16xf32>
        %mul3A_708 = vector.broadcast %scan3A_42 : f32 to vector<16xf32>
        %mul3A_709 = arith.mulf %add3A_707, %mul3A_708 : vector<16xf32>
        %xor3A_710 = arith.constant 8 : i32
        %xor3A_711 = vector.broadcast %xor3A_710 : i32 to vector<16xi32>
        %xor3A_712 = arith.xori %iota3A, %xor3A_711 : vector<16xi32>
        %lt3A_713 = arith.constant 0 : i32
        %lt3A_714 = vector.broadcast %lt3A_713 : i32 to vector<16xi32>
        %lt3A_715 = arith.cmpi slt, %xor3A_712, %lt3A_714 : vector<16xi32>
        %add3A_716 = arith.constant 16 : i32
        %add3A_717 = vector.broadcast %add3A_716 : i32 to vector<16xi32>
        %add3A_718 = arith.addi %xor3A_712, %add3A_717 : vector<16xi32>
        %select_n3A_719 = arith.select %lt3A_715, %add3A_718, %xor3A_712 : vector<16xi1>, vector<16xi32>
        %broadcast_in_dim3A_720 = vector.shape_cast %select_n3A_719 : vector<16xi32> to vector<16x1xi32>
        %gather3A_721 = vector.shape_cast %broadcast_in_dim3A_720 : vector<16x1xi32> to vector<16xi32>
        %gather3A_722 = tpu.dynamic_gather %add3A_651[%gather3A_721] in [0] : vector<16xf32>, vector<16xi32> -> vector<16xf32>
        %add3A_723 = arith.addf %add3A_651, %gather3A_722 : vector<16xf32>
        %xor3A_724 = arith.constant 4 : i32
        %xor3A_725 = vector.broadcast %xor3A_724 : i32 to vector<16xi32>
        %xor3A_726 = arith.xori %iota3A, %xor3A_725 : vector<16xi32>
        %lt3A_727 = arith.constant 0 : i32
        %lt3A_728 = vector.broadcast %lt3A_727 : i32 to vector<16xi32>
        %lt3A_729 = arith.cmpi slt, %xor3A_726, %lt3A_728 : vector<16xi32>
        %add3A_730 = arith.constant 16 : i32
        %add3A_731 = vector.broadcast %add3A_730 : i32 to vector<16xi32>
        %add3A_732 = arith.addi %xor3A_726, %add3A_731 : vector<16xi32>
        %select_n3A_733 = arith.select %lt3A_729, %add3A_732, %xor3A_726 : vector<16xi1>, vector<16xi32>
        %broadcast_in_dim3A_734 = vector.shape_cast %select_n3A_733 : vector<16xi32> to vector<16x1xi32>
        %gather3A_735 = vector.shape_cast %broadcast_in_dim3A_734 : vector<16x1xi32> to vector<16xi32>
        %gather3A_736 = tpu.dynamic_gather %add3A_723[%gather3A_735] in [0] : vector<16xf32>, vector<16xi32> -> vector<16xf32>
        %add3A_737 = arith.addf %add3A_723, %gather3A_736 : vector<16xf32>
        %xor3A_738 = arith.constant 2 : i32
        %xor3A_739 = vector.broadcast %xor3A_738 : i32 to vector<16xi32>
        %xor3A_740 = arith.xori %iota3A, %xor3A_739 : vector<16xi32>
        %lt3A_741 = arith.constant 0 : i32
        %lt3A_742 = vector.broadcast %lt3A_741 : i32 to vector<16xi32>
        %lt3A_743 = arith.cmpi slt, %xor3A_740, %lt3A_742 : vector<16xi32>
        %add3A_744 = arith.constant 16 : i32
        %add3A_745 = vector.broadcast %add3A_744 : i32 to vector<16xi32>
        %add3A_746 = arith.addi %xor3A_740, %add3A_745 : vector<16xi32>
        %select_n3A_747 = arith.select %lt3A_743, %add3A_746, %xor3A_740 : vector<16xi1>, vector<16xi32>
        %broadcast_in_dim3A_748 = vector.shape_cast %select_n3A_747 : vector<16xi32> to vector<16x1xi32>
        %gather3A_749 = vector.shape_cast %broadcast_in_dim3A_748 : vector<16x1xi32> to vector<16xi32>
        %gather3A_750 = tpu.dynamic_gather %add3A_737[%gather3A_749] in [0] : vector<16xf32>, vector<16xi32> -> vector<16xf32>
        %add3A_751 = arith.addf %add3A_737, %gather3A_750 : vector<16xf32>
        %xor3A_752 = arith.constant 1 : i32
        %xor3A_753 = vector.broadcast %xor3A_752 : i32 to vector<16xi32>
        %xor3A_754 = arith.xori %iota3A, %xor3A_753 : vector<16xi32>
        %lt3A_755 = arith.constant 0 : i32
        %lt3A_756 = vector.broadcast %lt3A_755 : i32 to vector<16xi32>
        %lt3A_757 = arith.cmpi slt, %xor3A_754, %lt3A_756 : vector<16xi32>
        %add3A_758 = arith.constant 16 : i32
        %add3A_759 = vector.broadcast %add3A_758 : i32 to vector<16xi32>
        %add3A_760 = arith.addi %xor3A_754, %add3A_759 : vector<16xi32>
        %select_n3A_761 = arith.select %lt3A_757, %add3A_760, %xor3A_754 : vector<16xi1>, vector<16xi32>
        %broadcast_in_dim3A_762 = vector.shape_cast %select_n3A_761 : vector<16xi32> to vector<16x1xi32>
        %gather3A_763 = vector.shape_cast %broadcast_in_dim3A_762 : vector<16x1xi32> to vector<16xi32>
        %gather3A_764 = tpu.dynamic_gather %add3A_751[%gather3A_763] in [0] : vector<16xf32>, vector<16xi32> -> vector<16xf32>
        %add3A_765 = arith.addf %add3A_751, %gather3A_764 : vector<16xf32>
        %mul3A_766 = vector.broadcast %scan3A_42 : f32 to vector<16xf32>
        %mul3A_767 = arith.mulf %add3A_765, %mul3A_766 : vector<16xf32>
        %mul3A_768 = arith.mulf %mul3A_709, %mul3A_709 : vector<16xf32>
        %sub3A_769 = arith.subf %mul3A_767, %mul3A_768 : vector<16xf32>
        %add3A_770 = arith.constant 9.99999974E-6 : f32
        %add3A_771 = vector.broadcast %add3A_770 : f32 to vector<16xf32>
        %add3A_772 = arith.addf %sub3A_769, %add3A_771 : vector<16xf32>
        %bitcast3A_773 = vector.bitcast %add3A_772 : vector<16xf32> to vector<16xi32>
        %shift_right_logical3A_774 = arith.constant 1 : i32
        %shift_right_logical3A_775 = vector.broadcast %shift_right_logical3A_774 : i32 to vector<16xi32>
        %shift_right_logical3A_776 = arith.shrui %bitcast3A_773, %shift_right_logical3A_775 : vector<16xi32>
        %sub3A_777 = arith.constant 1597463007 : i32
        %sub3A_778 = vector.broadcast %sub3A_777 : i32 to vector<16xi32>
        %sub3A_779 = arith.subi %sub3A_778, %shift_right_logical3A_776 : vector<16xi32>
        %bitcast3A_780 = vector.bitcast %sub3A_779 : vector<16xi32> to vector<16xf32>
        %mul3A_781 = arith.constant 5.000000e-01 : f32
        %mul3A_782 = vector.broadcast %mul3A_781 : f32 to vector<16xf32>
        %mul3A_783 = arith.mulf %mul3A_782, %add3A_772 : vector<16xf32>
        %mul3A_784 = arith.mulf %mul3A_783, %bitcast3A_780 : vector<16xf32>
        %mul3A_785 = arith.mulf %mul3A_784, %bitcast3A_780 : vector<16xf32>
        %sub3A_786 = arith.constant 1.500000e+00 : f32
        %sub3A_787 = vector.broadcast %sub3A_786 : f32 to vector<16xf32>
        %sub3A_788 = arith.subf %sub3A_787, %mul3A_785 : vector<16xf32>
        %mul3A_789 = arith.mulf %bitcast3A_780, %sub3A_788 : vector<16xf32>
        %mul3A_790 = arith.constant 5.000000e-01 : f32
        %mul3A_791 = vector.broadcast %mul3A_790 : f32 to vector<16xf32>
        %mul3A_792 = arith.mulf %mul3A_791, %add3A_772 : vector<16xf32>
        %mul3A_793 = arith.mulf %mul3A_792, %mul3A_789 : vector<16xf32>
        %mul3A_794 = arith.mulf %mul3A_793, %mul3A_789 : vector<16xf32>
        %sub3A_795 = arith.constant 1.500000e+00 : f32
        %sub3A_796 = vector.broadcast %sub3A_795 : f32 to vector<16xf32>
        %sub3A_797 = arith.subf %sub3A_796, %mul3A_794 : vector<16xf32>
        %mul3A_798 = arith.mulf %mul3A_789, %sub3A_797 : vector<16xf32>
        %mul3A_799 = arith.mulf %mul3A_709, %mul3A_798 : vector<16xf32>
        %mul3A_800 = arith.mulf %add3A_620, %mul3A_798 : vector<16xf32>
        %sub3A_801 = arith.subf %mul3A_800, %mul3A_799 : vector<16xf32>
        %mul3A_802 = arith.mulf %sub3A_801, %bitcast3A : vector<16xf32>
        %add3A_803 = arith.addf %mul3A_802, %bitcast3A_22 : vector<16xf32>
        %swap3A_804 = arith.index_cast %add3A_613 : i32 to index
        %swap3A_805 = arith.constant 0 : index
        %swap3A_806 = tpu.vector_load %arg14[%swap3A_804, %swap3A_805] {strides = array<i32>} : memref<200x64xf32, #tpu.memory_space<vmem>>, vector<16xf32>,
        tpu.vector_store %arg14[%swap3A_804, %swap3A_805], %add3A_803 {strides = array<i32>} : memref<200x64xf32, #tpu.memory_space<vmem>>, vector<16xf32>,
        %mul3A_807 = arith.mulf %add3A_627, %mul3A_798 : vector<16xf32>
        %sub3A_808 = arith.subf %mul3A_807, %mul3A_799 : vector<16xf32>
        %mul3A_809 = arith.mulf %sub3A_808, %bitcast3A_13 : vector<16xf32>
        %add3A_810 = arith.addf %mul3A_809, %bitcast3A_25 : vector<16xf32>
        %swap3A_811 = arith.index_cast %add3A_613 : i32 to index
        %swap3A_812 = arith.constant 16 : index
        %swap3A_813 = tpu.vector_load %arg14[%swap3A_811, %swap3A_812] {strides = array<i32>} : memref<200x64xf32, #tpu.memory_space<vmem>>, vector<16xf32>,
        tpu.vector_store %arg14[%swap3A_811, %swap3A_812], %add3A_810 {strides = array<i32>} : memref<200x64xf32, #tpu.memory_space<vmem>>, vector<16xf32>,
        %mul3A_814 = arith.mulf %add3A_634, %mul3A_798 : vector<16xf32>
        %sub3A_815 = arith.subf %mul3A_814, %mul3A_799 : vector<16xf32>
        %mul3A_816 = arith.mulf %sub3A_815, %bitcast3A_16 : vector<16xf32>
        %add3A_817 = arith.addf %mul3A_816, %bitcast3A_28 : vector<16xf32>
        %swap3A_818 = arith.index_cast %add3A_613 : i32 to index
        %swap3A_819 = arith.constant 32 : index
        %swap3A_820 = tpu.vector_load %arg14[%swap3A_818, %swap3A_819] {strides = array<i32>} : memref<200x64xf32, #tpu.memory_space<vmem>>, vector<16xf32>,
        tpu.vector_store %arg14[%swap3A_818, %swap3A_819], %add3A_817 {strides = array<i32>} : memref<200x64xf32, #tpu.memory_space<vmem>>, vector<16xf32>,
        %mul3A_821 = arith.mulf %add3A_641, %mul3A_798 : vector<16xf32>
        %sub3A_822 = arith.subf %mul3A_821, %mul3A_799 : vector<16xf32>
        %mul3A_823 = arith.mulf %sub3A_822, %bitcast3A_19 : vector<16xf32>
        %add3A_824 = arith.addf %mul3A_823, %bitcast3A_31 : vector<16xf32>
        %swap3A_825 = arith.index_cast %add3A_613 : i32 to index
        %swap3A_826 = arith.constant 48 : index
        %swap3A_827 = tpu.vector_load %arg14[%swap3A_825, %swap3A_826] {strides = array<i32>} : memref<200x64xf32, #tpu.memory_space<vmem>>, vector<16xf32>,
        tpu.vector_store %arg14[%swap3A_825, %swap3A_826], %add3A_824 {strides = array<i32>} : memref<200x64xf32, #tpu.memory_space<vmem>>, vector<16xf32>,
        %mul3A_828 = arith.constant 4 : i32
        %mul3A_829 = arith.muli %scan3A_180, %mul3A_828 : i32
        %add3A_830 = arith.constant 3 : i32
        %add3A_831 = arith.addi %mul3A_829, %add3A_830 : i32
        %get3A_832 = arith.index_cast %add3A_831 : i32 to index
        %get3A_833 = arith.constant 0 : index
        %get3A_834 = tpu.vector_load %arg12[%get3A_832, %get3A_833] {strides = array<i32>} : memref<200x64xf32, #tpu.memory_space<vmem>>, vector<16xf32>,
        %get3A_835 = arith.index_cast %add3A_831 : i32 to index
        %get3A_836 = arith.constant 0 : index
        %get3A_837 = tpu.vector_load %arg13[%get3A_835, %get3A_836] {strides = array<i32>} : memref<200x64xf32, #tpu.memory_space<vmem>>, vector<16xf32>,
        %add3A_838 = arith.addf %get3A_834, %get3A_837 : vector<16xf32>
        %get3A_839 = arith.index_cast %add3A_831 : i32 to index
        %get3A_840 = arith.constant 16 : index
        %get3A_841 = tpu.vector_load %arg12[%get3A_839, %get3A_840] {strides = array<i32>} : memref<200x64xf32, #tpu.memory_space<vmem>>, vector<16xf32>,
        %get3A_842 = arith.index_cast %add3A_831 : i32 to index
        %get3A_843 = arith.constant 16 : index
        %get3A_844 = tpu.vector_load %arg13[%get3A_842, %get3A_843] {strides = array<i32>} : memref<200x64xf32, #tpu.memory_space<vmem>>, vector<16xf32>,
        %add3A_845 = arith.addf %get3A_841, %get3A_844 : vector<16xf32>
        %get3A_846 = arith.index_cast %add3A_831 : i32 to index
        %get3A_847 = arith.constant 32 : index
        %get3A_848 = tpu.vector_load %arg12[%get3A_846, %get3A_847] {strides = array<i32>} : memref<200x64xf32, #tpu.memory_space<vmem>>, vector<16xf32>,
        %get3A_849 = arith.index_cast %add3A_831 : i32 to index
        %get3A_850 = arith.constant 32 : index
        %get3A_851 = tpu.vector_load %arg13[%get3A_849, %get3A_850] {strides = array<i32>} : memref<200x64xf32, #tpu.memory_space<vmem>>, vector<16xf32>,
        %add3A_852 = arith.addf %get3A_848, %get3A_851 : vector<16xf32>
        %get3A_853 = arith.index_cast %add3A_831 : i32 to index
        %get3A_854 = arith.constant 48 : index
        %get3A_855 = tpu.vector_load %arg12[%get3A_853, %get3A_854] {strides = array<i32>} : memref<200x64xf32, #tpu.memory_space<vmem>>, vector<16xf32>,
        %get3A_856 = arith.index_cast %add3A_831 : i32 to index
        %get3A_857 = arith.constant 48 : index
        %get3A_858 = tpu.vector_load %arg13[%get3A_856, %get3A_857] {strides = array<i32>} : memref<200x64xf32, #tpu.memory_space<vmem>>, vector<16xf32>,
        %add3A_859 = arith.addf %get3A_855, %get3A_858 : vector<16xf32>
        %add3A_860 = arith.addf %add3A_838, %add3A_845 : vector<16xf32>
        %add3A_861 = arith.addf %add3A_852, %add3A_859 : vector<16xf32>
        %add3A_862 = arith.addf %add3A_860, %add3A_861 : vector<16xf32>
        %mul3A_863 = arith.mulf %add3A_838, %add3A_838 : vector<16xf32>
        %mul3A_864 = arith.mulf %add3A_845, %add3A_845 : vector<16xf32>
        %add3A_865 = arith.addf %mul3A_863, %mul3A_864 : vector<16xf32>
        %mul3A_866 = arith.mulf %add3A_852, %add3A_852 : vector<16xf32>
        %mul3A_867 = arith.mulf %add3A_859, %add3A_859 : vector<16xf32>
        %add3A_868 = arith.addf %mul3A_866, %mul3A_867 : vector<16xf32>
        %add3A_869 = arith.addf %add3A_865, %add3A_868 : vector<16xf32>
        %xor3A_870 = arith.constant 8 : i32
        %xor3A_871 = vector.broadcast %xor3A_870 : i32 to vector<16xi32>
        %xor3A_872 = arith.xori %iota3A, %xor3A_871 : vector<16xi32>
        %lt3A_873 = arith.constant 0 : i32
        %lt3A_874 = vector.broadcast %lt3A_873 : i32 to vector<16xi32>
        %lt3A_875 = arith.cmpi slt, %xor3A_872, %lt3A_874 : vector<16xi32>
        %add3A_876 = arith.constant 16 : i32
        %add3A_877 = vector.broadcast %add3A_876 : i32 to vector<16xi32>
        %add3A_878 = arith.addi %xor3A_872, %add3A_877 : vector<16xi32>
        %select_n3A_879 = arith.select %lt3A_875, %add3A_878, %xor3A_872 : vector<16xi1>, vector<16xi32>
        %broadcast_in_dim3A_880 = vector.shape_cast %select_n3A_879 : vector<16xi32> to vector<16x1xi32>
        %gather3A_881 = vector.shape_cast %broadcast_in_dim3A_880 : vector<16x1xi32> to vector<16xi32>
        %gather3A_882 = tpu.dynamic_gather %add3A_862[%gather3A_881] in [0] : vector<16xf32>, vector<16xi32> -> vector<16xf32>
        %add3A_883 = arith.addf %add3A_862, %gather3A_882 : vector<16xf32>
        %xor3A_884 = arith.constant 4 : i32
        %xor3A_885 = vector.broadcast %xor3A_884 : i32 to vector<16xi32>
        %xor3A_886 = arith.xori %iota3A, %xor3A_885 : vector<16xi32>
        %lt3A_887 = arith.constant 0 : i32
        %lt3A_888 = vector.broadcast %lt3A_887 : i32 to vector<16xi32>
        %lt3A_889 = arith.cmpi slt, %xor3A_886, %lt3A_888 : vector<16xi32>
        %add3A_890 = arith.constant 16 : i32
        %add3A_891 = vector.broadcast %add3A_890 : i32 to vector<16xi32>
        %add3A_892 = arith.addi %xor3A_886, %add3A_891 : vector<16xi32>
        %select_n3A_893 = arith.select %lt3A_889, %add3A_892, %xor3A_886 : vector<16xi1>, vector<16xi32>
        %broadcast_in_dim3A_894 = vector.shape_cast %select_n3A_893 : vector<16xi32> to vector<16x1xi32>
        %gather3A_895 = vector.shape_cast %broadcast_in_dim3A_894 : vector<16x1xi32> to vector<16xi32>
        %gather3A_896 = tpu.dynamic_gather %add3A_883[%gather3A_895] in [0] : vector<16xf32>, vector<16xi32> -> vector<16xf32>
        %add3A_897 = arith.addf %add3A_883, %gather3A_896 : vector<16xf32>
        %xor3A_898 = arith.constant 2 : i32
        %xor3A_899 = vector.broadcast %xor3A_898 : i32 to vector<16xi32>
        %xor3A_900 = arith.xori %iota3A, %xor3A_899 : vector<16xi32>
        %lt3A_901 = arith.constant 0 : i32
        %lt3A_902 = vector.broadcast %lt3A_901 : i32 to vector<16xi32>
        %lt3A_903 = arith.cmpi slt, %xor3A_900, %lt3A_902 : vector<16xi32>
        %add3A_904 = arith.constant 16 : i32
        %add3A_905 = vector.broadcast %add3A_904 : i32 to vector<16xi32>
        %add3A_906 = arith.addi %xor3A_900, %add3A_905 : vector<16xi32>
        %select_n3A_907 = arith.select %lt3A_903, %add3A_906, %xor3A_900 : vector<16xi1>, vector<16xi32>
        %broadcast_in_dim3A_908 = vector.shape_cast %select_n3A_907 : vector<16xi32> to vector<16x1xi32>
        %gather3A_909 = vector.shape_cast %broadcast_in_dim3A_908 : vector<16x1xi32> to vector<16xi32>
        %gather3A_910 = tpu.dynamic_gather %add3A_897[%gather3A_909] in [0] : vector<16xf32>, vector<16xi32> -> vector<16xf32>
        %add3A_911 = arith.addf %add3A_897, %gather3A_910 : vector<16xf32>
        %xor3A_912 = arith.constant 1 : i32
        %xor3A_913 = vector.broadcast %xor3A_912 : i32 to vector<16xi32>
        %xor3A_914 = arith.xori %iota3A, %xor3A_913 : vector<16xi32>
        %lt3A_915 = arith.constant 0 : i32
        %lt3A_916 = vector.broadcast %lt3A_915 : i32 to vector<16xi32>
        %lt3A_917 = arith.cmpi slt, %xor3A_914, %lt3A_916 : vector<16xi32>
        %add3A_918 = arith.constant 16 : i32
        %add3A_919 = vector.broadcast %add3A_918 : i32 to vector<16xi32>
        %add3A_920 = arith.addi %xor3A_914, %add3A_919 : vector<16xi32>
        %select_n3A_921 = arith.select %lt3A_917, %add3A_920, %xor3A_914 : vector<16xi1>, vector<16xi32>
        %broadcast_in_dim3A_922 = vector.shape_cast %select_n3A_921 : vector<16xi32> to vector<16x1xi32>
        %gather3A_923 = vector.shape_cast %broadcast_in_dim3A_922 : vector<16x1xi32> to vector<16xi32>
        %gather3A_924 = tpu.dynamic_gather %add3A_911[%gather3A_923] in [0] : vector<16xf32>, vector<16xi32> -> vector<16xf32>
        %add3A_925 = arith.addf %add3A_911, %gather3A_924 : vector<16xf32>
        %mul3A_926 = vector.broadcast %scan3A_42 : f32 to vector<16xf32>
        %mul3A_927 = arith.mulf %add3A_925, %mul3A_926 : vector<16xf32>
        %xor3A_928 = arith.constant 8 : i32
        %xor3A_929 = vector.broadcast %xor3A_928 : i32 to vector<16xi32>
        %xor3A_930 = arith.xori %iota3A, %xor3A_929 : vector<16xi32>
        %lt3A_931 = arith.constant 0 : i32
        %lt3A_932 = vector.broadcast %lt3A_931 : i32 to vector<16xi32>
        %lt3A_933 = arith.cmpi slt, %xor3A_930, %lt3A_932 : vector<16xi32>
        %add3A_934 = arith.constant 16 : i32
        %add3A_935 = vector.broadcast %add3A_934 : i32 to vector<16xi32>
        %add3A_936 = arith.addi %xor3A_930, %add3A_935 : vector<16xi32>
        %select_n3A_937 = arith.select %lt3A_933, %add3A_936, %xor3A_930 : vector<16xi1>, vector<16xi32>
        %broadcast_in_dim3A_938 = vector.shape_cast %select_n3A_937 : vector<16xi32> to vector<16x1xi32>
        %gather3A_939 = vector.shape_cast %broadcast_in_dim3A_938 : vector<16x1xi32> to vector<16xi32>
        %gather3A_940 = tpu.dynamic_gather %add3A_869[%gather3A_939] in [0] : vector<16xf32>, vector<16xi32> -> vector<16xf32>
        %add3A_941 = arith.addf %add3A_869, %gather3A_940 : vector<16xf32>
        %xor3A_942 = arith.constant 4 : i32
        %xor3A_943 = vector.broadcast %xor3A_942 : i32 to vector<16xi32>
        %xor3A_944 = arith.xori %iota3A, %xor3A_943 : vector<16xi32>
        %lt3A_945 = arith.constant 0 : i32
        %lt3A_946 = vector.broadcast %lt3A_945 : i32 to vector<16xi32>
        %lt3A_947 = arith.cmpi slt, %xor3A_944, %lt3A_946 : vector<16xi32>
        %add3A_948 = arith.constant 16 : i32
        %add3A_949 = vector.broadcast %add3A_948 : i32 to vector<16xi32>
        %add3A_950 = arith.addi %xor3A_944, %add3A_949 : vector<16xi32>
        %select_n3A_951 = arith.select %lt3A_947, %add3A_950, %xor3A_944 : vector<16xi1>, vector<16xi32>
        %broadcast_in_dim3A_952 = vector.shape_cast %select_n3A_951 : vector<16xi32> to vector<16x1xi32>
        %gather3A_953 = vector.shape_cast %broadcast_in_dim3A_952 : vector<16x1xi32> to vector<16xi32>
        %gather3A_954 = tpu.dynamic_gather %add3A_941[%gather3A_953] in [0] : vector<16xf32>, vector<16xi32> -> vector<16xf32>
        %add3A_955 = arith.addf %add3A_941, %gather3A_954 : vector<16xf32>
        %xor3A_956 = arith.constant 2 : i32
        %xor3A_957 = vector.broadcast %xor3A_956 : i32 to vector<16xi32>
        %xor3A_958 = arith.xori %iota3A, %xor3A_957 : vector<16xi32>
        %lt3A_959 = arith.constant 0 : i32
        %lt3A_960 = vector.broadcast %lt3A_959 : i32 to vector<16xi32>
        %lt3A_961 = arith.cmpi slt, %xor3A_958, %lt3A_960 : vector<16xi32>
        %add3A_962 = arith.constant 16 : i32
        %add3A_963 = vector.broadcast %add3A_962 : i32 to vector<16xi32>
        %add3A_964 = arith.addi %xor3A_958, %add3A_963 : vector<16xi32>
        %select_n3A_965 = arith.select %lt3A_961, %add3A_964, %xor3A_958 : vector<16xi1>, vector<16xi32>
        %broadcast_in_dim3A_966 = vector.shape_cast %select_n3A_965 : vector<16xi32> to vector<16x1xi32>
        %gather3A_967 = vector.shape_cast %broadcast_in_dim3A_966 : vector<16x1xi32> to vector<16xi32>
        %gather3A_968 = tpu.dynamic_gather %add3A_955[%gather3A_967] in [0] : vector<16xf32>, vector<16xi32> -> vector<16xf32>
        %add3A_969 = arith.addf %add3A_955, %gather3A_968 : vector<16xf32>
        %xor3A_970 = arith.constant 1 : i32
        %xor3A_971 = vector.broadcast %xor3A_970 : i32 to vector<16xi32>
        %xor3A_972 = arith.xori %iota3A, %xor3A_971 : vector<16xi32>
        %lt3A_973 = arith.constant 0 : i32
        %lt3A_974 = vector.broadcast %lt3A_973 : i32 to vector<16xi32>
        %lt3A_975 = arith.cmpi slt, %xor3A_972, %lt3A_974 : vector<16xi32>
        %add3A_976 = arith.constant 16 : i32
        %add3A_977 = vector.broadcast %add3A_976 : i32 to vector<16xi32>
        %add3A_978 = arith.addi %xor3A_972, %add3A_977 : vector<16xi32>
        %select_n3A_979 = arith.select %lt3A_975, %add3A_978, %xor3A_972 : vector<16xi1>, vector<16xi32>
        %broadcast_in_dim3A_980 = vector.shape_cast %select_n3A_979 : vector<16xi32> to vector<16x1xi32>
        %gather3A_981 = vector.shape_cast %broadcast_in_dim3A_980 : vector<16x1xi32> to vector<16xi32>
        %gather3A_982 = tpu.dynamic_gather %add3A_969[%gather3A_981] in [0] : vector<16xf32>, vector<16xi32> -> vector<16xf32>
        %add3A_983 = arith.addf %add3A_969, %gather3A_982 : vector<16xf32>
        %mul3A_984 = vector.broadcast %scan3A_42 : f32 to vector<16xf32>
        %mul3A_985 = arith.mulf %add3A_983, %mul3A_984 : vector<16xf32>
        %mul3A_986 = arith.mulf %mul3A_927, %mul3A_927 : vector<16xf32>
        %sub3A_987 = arith.subf %mul3A_985, %mul3A_986 : vector<16xf32>
        %add3A_988 = arith.constant 9.99999974E-6 : f32
        %add3A_989 = vector.broadcast %add3A_988 : f32 to vector<16xf32>
        %add3A_990 = arith.addf %sub3A_987, %add3A_989 : vector<16xf32>
        %bitcast3A_991 = vector.bitcast %add3A_990 : vector<16xf32> to vector<16xi32>
        %shift_right_logical3A_992 = arith.constant 1 : i32
        %shift_right_logical3A_993 = vector.broadcast %shift_right_logical3A_992 : i32 to vector<16xi32>
        %shift_right_logical3A_994 = arith.shrui %bitcast3A_991, %shift_right_logical3A_993 : vector<16xi32>
        %sub3A_995 = arith.constant 1597463007 : i32
        %sub3A_996 = vector.broadcast %sub3A_995 : i32 to vector<16xi32>
        %sub3A_997 = arith.subi %sub3A_996, %shift_right_logical3A_994 : vector<16xi32>
        %bitcast3A_998 = vector.bitcast %sub3A_997 : vector<16xi32> to vector<16xf32>
        %mul3A_999 = arith.constant 5.000000e-01 : f32
        %mul3A_1000 = vector.broadcast %mul3A_999 : f32 to vector<16xf32>
        %mul3A_1001 = arith.mulf %mul3A_1000, %add3A_990 : vector<16xf32>
        %mul3A_1002 = arith.mulf %mul3A_1001, %bitcast3A_998 : vector<16xf32>
        %mul3A_1003 = arith.mulf %mul3A_1002, %bitcast3A_998 : vector<16xf32>
        %sub3A_1004 = arith.constant 1.500000e+00 : f32
        %sub3A_1005 = vector.broadcast %sub3A_1004 : f32 to vector<16xf32>
        %sub3A_1006 = arith.subf %sub3A_1005, %mul3A_1003 : vector<16xf32>
        %mul3A_1007 = arith.mulf %bitcast3A_998, %sub3A_1006 : vector<16xf32>
        %mul3A_1008 = arith.constant 5.000000e-01 : f32
        %mul3A_1009 = vector.broadcast %mul3A_1008 : f32 to vector<16xf32>
        %mul3A_1010 = arith.mulf %mul3A_1009, %add3A_990 : vector<16xf32>
        %mul3A_1011 = arith.mulf %mul3A_1010, %mul3A_1007 : vector<16xf32>
        %mul3A_1012 = arith.mulf %mul3A_1011, %mul3A_1007 : vector<16xf32>
        %sub3A_1013 = arith.constant 1.500000e+00 : f32
        %sub3A_1014 = vector.broadcast %sub3A_1013 : f32 to vector<16xf32>
        %sub3A_1015 = arith.subf %sub3A_1014, %mul3A_1012 : vector<16xf32>
        %mul3A_1016 = arith.mulf %mul3A_1007, %sub3A_1015 : vector<16xf32>
        %mul3A_1017 = arith.mulf %mul3A_927, %mul3A_1016 : vector<16xf32>
        %mul3A_1018 = arith.mulf %add3A_838, %mul3A_1016 : vector<16xf32>
        %sub3A_1019 = arith.subf %mul3A_1018, %mul3A_1017 : vector<16xf32>
        %mul3A_1020 = arith.mulf %sub3A_1019, %bitcast3A : vector<16xf32>
        %add3A_1021 = arith.addf %mul3A_1020, %bitcast3A_22 : vector<16xf32>
        %swap3A_1022 = arith.index_cast %add3A_831 : i32 to index
        %swap3A_1023 = arith.constant 0 : index
        %swap3A_1024 = tpu.vector_load %arg14[%swap3A_1022, %swap3A_1023] {strides = array<i32>} : memref<200x64xf32, #tpu.memory_space<vmem>>, vector<16xf32>,
        tpu.vector_store %arg14[%swap3A_1022, %swap3A_1023], %add3A_1021 {strides = array<i32>} : memref<200x64xf32, #tpu.memory_space<vmem>>, vector<16xf32>,
        %mul3A_1025 = arith.mulf %add3A_845, %mul3A_1016 : vector<16xf32>
        %sub3A_1026 = arith.subf %mul3A_1025, %mul3A_1017 : vector<16xf32>
        %mul3A_1027 = arith.mulf %sub3A_1026, %bitcast3A_13 : vector<16xf32>
        %add3A_1028 = arith.addf %mul3A_1027, %bitcast3A_25 : vector<16xf32>
        %swap3A_1029 = arith.index_cast %add3A_831 : i32 to index
        %swap3A_1030 = arith.constant 16 : index
        %swap3A_1031 = tpu.vector_load %arg14[%swap3A_1029, %swap3A_1030] {strides = array<i32>} : memref<200x64xf32, #tpu.memory_space<vmem>>, vector<16xf32>,
        tpu.vector_store %arg14[%swap3A_1029, %swap3A_1030], %add3A_1028 {strides = array<i32>} : memref<200x64xf32, #tpu.memory_space<vmem>>, vector<16xf32>,
        %mul3A_1032 = arith.mulf %add3A_852, %mul3A_1016 : vector<16xf32>
        %sub3A_1033 = arith.subf %mul3A_1032, %mul3A_1017 : vector<16xf32>
        %mul3A_1034 = arith.mulf %sub3A_1033, %bitcast3A_16 : vector<16xf32>
        %add3A_1035 = arith.addf %mul3A_1034, %bitcast3A_28 : vector<16xf32>
        %swap3A_1036 = arith.index_cast %add3A_831 : i32 to index
        %swap3A_1037 = arith.constant 32 : index
        %swap3A_1038 = tpu.vector_load %arg14[%swap3A_1036, %swap3A_1037] {strides = array<i32>} : memref<200x64xf32, #tpu.memory_space<vmem>>, vector<16xf32>,
        tpu.vector_store %arg14[%swap3A_1036, %swap3A_1037], %add3A_1035 {strides = array<i32>} : memref<200x64xf32, #tpu.memory_space<vmem>>, vector<16xf32>,
        %mul3A_1039 = arith.mulf %add3A_859, %mul3A_1016 : vector<16xf32>
        %sub3A_1040 = arith.subf %mul3A_1039, %mul3A_1017 : vector<16xf32>
        %mul3A_1041 = arith.mulf %sub3A_1040, %bitcast3A_19 : vector<16xf32>
        %add3A_1042 = arith.addf %mul3A_1041, %bitcast3A_31 : vector<16xf32>
        %swap3A_1043 = arith.index_cast %add3A_831 : i32 to index
        %swap3A_1044 = arith.constant 48 : index
        %swap3A_1045 = tpu.vector_load %arg14[%swap3A_1043, %swap3A_1044] {strides = array<i32>} : memref<200x64xf32, #tpu.memory_space<vmem>>, vector<16xf32>,
        tpu.vector_store %arg14[%swap3A_1043, %swap3A_1044], %add3A_1042 {strides = array<i32>} : memref<200x64xf32, #tpu.memory_space<vmem>>, vector<16xf32>,
      }
      %scan3A_171 = arith.constant 50 : i32
      %dma_start3A_172 = arith.constant 0 : i32
      %dma_start3A_173 = arith.constant 0 : i32
      %dma_start3A_174 = tpu.memref_slice %arg5[%add3A_152, %dma_start3A_172, %dma_start3A_173] : memref<1024x200x64xf32, #tpu.memory_space<hbm>> -> memref<1x200x64xf32, #tpu.memory_space<hbm>>
      %dma_start3A_175 = tpu.memref_squeeze %dma_start3A_174 : memref<1x200x64xf32, #tpu.memory_space<hbm>> -> memref<200x64xf32, #tpu.memory_space<hbm>>
      %dma_start3A_176 = arith.constant 0 : i32
      %dma_start3A_177 = arith.constant 0 : i32
      %dma_start3A_178 = tpu.memref_slice %arg5[%add3A_152, %dma_start3A_176, %dma_start3A_177] : memref<1024x200x64xf32, #tpu.memory_space<hbm>> -> memref<1x200x64xf32, #tpu.memory_space<hbm>>
      %dma_start3A_179 = tpu.memref_squeeze %dma_start3A_178 : memref<1x200x64xf32, #tpu.memory_space<hbm>> -> memref<200x64xf32, #tpu.memory_space<hbm>>
      tpu.enqueue_dma source(%arg14 : memref<200x64xf32, #tpu.memory_space<vmem>>) target(%dma_start3A_179 : memref<200x64xf32, #tpu.memory_space<hbm>>) target_semaphore(%arg21 : memref<!tpu.dma_semaphore, #tpu.memory_space<semaphore_mem>>)
    }
    %scan3A_47 = arith.constant 16 : i32
    %dma_wait3A = arith.constant 0 : i32
    %dma_wait3A_48 = arith.constant 0 : i32
    %dma_wait3A_49 = arith.constant 0 : i32
    %dma_wait3A_50 = tpu.memref_slice %arg6[%dma_wait3A, %dma_wait3A_48, %dma_wait3A_49] : memref<1024x200x64xf32, #tpu.memory_space<hbm>> -> memref<1x200x64xf32, #tpu.memory_space<hbm>>
    %dma_wait3A_51 = tpu.memref_squeeze %dma_wait3A_50 : memref<1x200x64xf32, #tpu.memory_space<hbm>> -> memref<200x64xf32, #tpu.memory_space<hbm>>
    %dma_wait3A_52 = arith.constant 0 : i32
    %dma_wait3A_53 = arith.constant 0 : i32
    %dma_wait3A_54 = tpu.memref_slice %arg6[%dma_wait3A, %dma_wait3A_52, %dma_wait3A_53] : memref<1024x200x64xf32, #tpu.memory_space<hbm>> -> memref<1x200x64xf32, #tpu.memory_space<hbm>>
    %dma_wait3A_55 = tpu.memref_squeeze %dma_wait3A_54 : memref<1x200x64xf32, #tpu.memory_space<hbm>> -> memref<200x64xf32, #tpu.memory_space<hbm>>
    tpu.wait_dma2 semaphore(%arg18 : memref<!tpu.dma_semaphore, #tpu.memory_space<semaphore_mem>>) src(%arg9 : memref<200x64xf32, #tpu.memory_space<vmem>>) dst(%dma_wait3A_55 : memref<200x64xf32, #tpu.memory_space<hbm>>)
    %dma_wait3A_56 = arith.constant 0 : i32
    %dma_wait3A_57 = arith.constant 0 : i32
    %dma_wait3A_58 = arith.constant 0 : i32
    %dma_wait3A_59 = tpu.memref_slice %arg6[%dma_wait3A_56, %dma_wait3A_57, %dma_wait3A_58] : memref<1024x200x64xf32, #tpu.memory_space<hbm>> -> memref<1x200x64xf32, #tpu.memory_space<hbm>>
    %dma_wait3A_60 = tpu.memref_squeeze %dma_wait3A_59 : memref<1x200x64xf32, #tpu.memory_space<hbm>> -> memref<200x64xf32, #tpu.memory_space<hbm>>
    %dma_wait3A_61 = arith.constant 0 : i32
    %dma_wait3A_62 = arith.constant 0 : i32
    %dma_wait3A_63 = tpu.memref_slice %arg6[%dma_wait3A_56, %dma_wait3A_61, %dma_wait3A_62] : memref<1024x200x64xf32, #tpu.memory_space<hbm>> -> memref<1x200x64xf32, #tpu.memory_space<hbm>>
    %dma_wait3A_64 = tpu.memref_squeeze %dma_wait3A_63 : memref<1x200x64xf32, #tpu.memory_space<hbm>> -> memref<200x64xf32, #tpu.memory_space<hbm>>
    tpu.wait_dma2 semaphore(%arg19 : memref<!tpu.dma_semaphore, #tpu.memory_space<semaphore_mem>>) src(%arg12 : memref<200x64xf32, #tpu.memory_space<vmem>>) dst(%dma_wait3A_64 : memref<200x64xf32, #tpu.memory_space<hbm>>)
    %dma_wait3A_65 = arith.constant 0 : i32
    %dma_wait3A_66 = arith.constant 0 : i32
    %dma_wait3A_67 = arith.constant 0 : i32
    %dma_wait3A_68 = tpu.memref_slice %arg5[%dma_wait3A_65, %dma_wait3A_66, %dma_wait3A_67] : memref<1024x200x64xf32, #tpu.memory_space<hbm>> -> memref<1x200x64xf32, #tpu.memory_space<hbm>>
    %dma_wait3A_69 = tpu.memref_squeeze %dma_wait3A_68 : memref<1x200x64xf32, #tpu.memory_space<hbm>> -> memref<200x64xf32, #tpu.memory_space<hbm>>
    %dma_wait3A_70 = arith.constant 0 : i32
    %dma_wait3A_71 = arith.constant 0 : i32
    %dma_wait3A_72 = tpu.memref_slice %arg5[%dma_wait3A_65, %dma_wait3A_70, %dma_wait3A_71] : memref<1024x200x64xf32, #tpu.memory_space<hbm>> -> memref<1x200x64xf32, #tpu.memory_space<hbm>>
    %dma_wait3A_73 = tpu.memref_squeeze %dma_wait3A_72 : memref<1x200x64xf32, #tpu.memory_space<hbm>> -> memref<200x64xf32, #tpu.memory_space<hbm>>
    tpu.wait_dma2 semaphore(%arg20 : memref<!tpu.dma_semaphore, #tpu.memory_space<semaphore_mem>>) src(%arg11 : memref<200x64xf32, #tpu.memory_space<vmem>>) dst(%dma_wait3A_73 : memref<200x64xf32, #tpu.memory_space<hbm>>)
    %dma_wait3A_74 = arith.constant 0 : i32
    %dma_wait3A_75 = arith.constant 0 : i32
    %dma_wait3A_76 = arith.constant 0 : i32
    %dma_wait3A_77 = tpu.memref_slice %arg5[%dma_wait3A_74, %dma_wait3A_75, %dma_wait3A_76] : memref<1024x200x64xf32, #tpu.memory_space<hbm>> -> memref<1x200x64xf32, #tpu.memory_space<hbm>>
    %dma_wait3A_78 = tpu.memref_squeeze %dma_wait3A_77 : memref<1x200x64xf32, #tpu.memory_space<hbm>> -> memref<200x64xf32, #tpu.memory_space<hbm>>
    %dma_wait3A_79 = arith.constant 0 : i32
    %dma_wait3A_80 = arith.constant 0 : i32
    %dma_wait3A_81 = tpu.memref_slice %arg5[%dma_wait3A_74, %dma_wait3A_79, %dma_wait3A_80] : memref<1024x200x64xf32, #tpu.memory_space<hbm>> -> memref<1x200x64xf32, #tpu.memory_space<hbm>>
    %dma_wait3A_82 = tpu.memref_squeeze %dma_wait3A_81 : memref<1x200x64xf32, #tpu.memory_space<hbm>> -> memref<200x64xf32, #tpu.memory_space<hbm>>
    tpu.wait_dma2 semaphore(%arg21 : memref<!tpu.dma_semaphore, #tpu.memory_space<semaphore_mem>>) src(%arg14 : memref<200x64xf32, #tpu.memory_space<vmem>>) dst(%dma_wait3A_82 : memref<200x64xf32, #tpu.memory_space<hbm>>)
    return
  }
}

</mosaic_0001>

<sc_bundles>
// kernel: kernel.3.cloned.1.call-start
scs
__scs_entry_jumppad:
0x0: {  	(pc) =	sbr.rel $0x88, $3  }
0x1: {  	(tag) =	ssettag $0x0;
	lr =	simm.s32 $0x1  }
0x2: {  	[smem:$0x3F9B] =	sst lr;
	_ =	strace $0xD0000000  }
0x3: {  	_ = 	snop  }
0x4: {  	_ = 	snop  }
0x5: {  	_ = 	snop  }
0x6: {  	_ = 	snop  }
0x7: {  	_ = 	snop  }
__scs_overlays_trampoline_lowered:
0x8: {  	[smem:$0x3FAA] =	sst s0  }
0x9: {  	[smem:$0x3FAB] =	sst s1  }
0xa: {  	[smem:$0x3FAC] =	sst s2  }
0xb: {  	[smem:$0x3FAD] =	sst s3  }
0xc: {  	[smem:$0x3FAE] =	sst s4  }
0xd: {  	[smem:$0x3FAF] =	sst s5  }
0xe: {  	[smem:$0x3FB0] =	sst s6  }
0xf: {  	[smem:$0x3FB1] =	sst s7  }
0x10: {  	[smem:$0x3FB2] =	sst s8  }
0x11: {  	[smem:$0x3FB3] =	sst s9;
	s0 =	simm.s32 @!p0 $0x0  }
0x12: {  	s1 =	sld [smem:$0x3F99];
	s0 =	simm.s32 @p0 $0x1  }
0x13: {  	[smem:$0x3FB4] =	sst s0;
	s0 =	simm.s32 @!p1 $0x0  }
0x14: {  	s2 =	sld [smem:$0x3F98];
	s0 =	simm.s32 @p1 $0x1  }
0x15: {  	[smem:$0x3FB5] =	sst s0;
	s0 =	simm.s32 @!p2 $0x0  }
0x16: {  	s3 =	sld [smem:$0x3FDB];
	s0 =	simm.s32 @p2 $0x1  }
0x17: {  	s4 =	simm.s32 $0x1BF5;
	[smem:$0x3FB7] =	sst s0  }
0x18: {  	s0 =	sld [smem:$0x3F9A];
	_ =	swait.ge [sflag:s4], $0x0  }
0x19: {  	s7 =	sld [smem:$0x3F9B]  }
0x1a: {  	s8 =	sadd.s32 $0xFFFFE003, lr  }
0x1b: {  	s9 =	sadd.s32 $0xFFFFFEF7, lr;
	s5 =	simm.s32 $0xFFFFFFFF;
	p2 =	slt.u32 s8, $0xFFFFF086  }
0x1c: {  	p1 =	slt.u32 s9, $0xF7A;
	s5 =	simm.s32 @!p2 $0x0  }
0x1d: {  	s5 =	simm.s32 @p1 $0x1;
	p0 =	seq.s32 s7, s2  }
0x1e: {  	s7 =	smul.u32 @!p0 $0xF7A, s2;
	p2 =	seq.s32 @!p0 s5, $0x0  }
0x1f: {  	s9 =	smul.u32 $0xF7A, s1;
	s8 =	simm.s32 @!p0 $0x1BF5;
	p2 =	por !p2, p0  }
0x20: {  	[sflag:s8] =	ssyncset.s32 @!p0 $0xFFFFF086;
	s6 =	sadd.s32 @!p0 s3, s7;
	s7 =	simm.s32 @!p0 $0x108  }
0x21: {  	s3 =	sadd.s32 s3, s9;
	s6 =	sadd.s32 @!p0 $0x88, s6;
	s7 =	simm.s32 @p2 $0x1082  }
0x22: {  	[simem:s7], [sflag:s8] =	dma.local @!p0 [hbm:s6], $0xF7A  }
0x23: {  	s9 =	sor.u32 $0xD0000000, s2;
	s6 =	simm.s32 $0x108;
	_ =	swait.ge @!p0 [sflag:s8], $0x0  }
0x24: {  	s3 =	sadd.s32 $0x88, s3;
	s6 =	simm.s32 @!p1 $0x1082;
	[sflag:s4] =	ssyncset.s32 $0xFFFFF086  }
0x25: {  	[simem:s6], [sflag:s4] =	dma.local [hbm:s3], $0xF7A  }
0x26: {  	[smem:$0x3F9B] =	sst s1;
	(tag) =	ssettag s2;
	_ =	strace s9  }
0x27: {  	s1 =	sld [smem:$0x3FAB]  }
0x28: {  	s2 =	sld [smem:$0x3FAC]  }
0x29: {  	s4 =	sld [smem:$0x3FAE]  }
0x2a: {  	p0 =	seq.s32 s5, $0x0;
	s5 =	sld [smem:$0x3FAF]  }
0x2b: {  	s6 =	sld [smem:$0x3FB0]  }
0x2c: {  	s7 =	sld [smem:$0x3FB1]  }
0x2d: {  	s3 =	simm.s32 $0x108;
	s8 =	sld [smem:$0x3FB2]  }
0x2e: {  	s3 =	simm.s32 @!p0 $0x1082;
	s9 =	sld [smem:$0x3FB3]  }
0x2f: {  	lr =	sadd.s32 s0, s3;
	s0 =	sld [smem:$0x3FAA]  }
0x30: {  	s3 =	sld [smem:$0x3FAD]  }
0x31: {  	[smem:$0x3FB6] =	sst s10  }
0x32: {  	s10 =	sld [smem:$0x3FB4];
	_ =	sdelay $0x3  }
0x33: {  	p0 =	seq.s32 s10, $0x1;
	s10 =	sld [smem:$0x3FB6];
	_ =	sdelay $0x3  }
0x34: {  	[smem:$0x3FB6] =	sst s10  }
0x35: {  	s10 =	sld [smem:$0x3FB5];
	_ =	sdelay $0x3  }
0x36: {  	p1 =	seq.s32 s10, $0x1;
	s10 =	sld [smem:$0x3FB6];
	_ =	sdelay $0x3  }
0x37: {  	[smem:$0x3FB6] =	sst s10  }
0x38: {  	s10 =	sld [smem:$0x3FB7]  }
0x39: {  	_ = 	snop;
	(pc) =	sbr.ind lr, $3  }
0x3a: {  	_ = 	snop  }
0x3b: {  	_ = 	snop  }
0x3c: {  	p2 =	seq.s32 s10, $0x1;
	s10 =	sld [smem:$0x3FB6]  }
0x3d: {  	_ =	shalt  }
0x3e: {  	_ =	shalt  }
0x3f: {  	_ =	shalt  }
0x40: {  	_ =	shalt  }
0x41: {  	_ =	shalt  }
0x42: {  	_ =	shalt  }
0x43: {  	_ =	shalt  }
0x44: {  	_ =	shalt  }
0x45: {  	_ =	shalt  }
0x46: {  	_ =	shalt  }
0x47: {  	_ =	shalt  }
0x48: {  	_ =	shalt  }
0x49: {  	_ =	shalt  }
0x4a: {  	_ =	shalt  }
0x4b: {  	_ =	shalt  }
0x4c: {  	_ =	shalt  }
0x4d: {  	_ =	shalt  }
0x4e: {  	_ =	shalt  }
0x4f: {  	_ =	shalt  }
0x50: {  	_ =	shalt  }
0x51: {  	_ =	shalt  }
0x52: {  	_ =	shalt  }
0x53: {  	_ =	shalt  }
0x54: {  	_ =	shalt  }
0x55: {  	_ =	shalt  }
0x56: {  	_ =	shalt  }
0x57: {  	_ =	shalt  }
0x58: {  	_ =	shalt  }
0x59: {  	_ =	shalt  }
0x5a: {  	_ =	shalt  }
0x5b: {  	_ =	shalt  }
0x5c: {  	_ =	shalt  }
0x5d: {  	_ =	shalt  }
0x5e: {  	_ =	shalt  }
0x5f: {  	_ =	shalt  }
0x60: {  	_ =	shalt  }
0x61: {  	_ =	shalt  }
0x62: {  	_ =	shalt  }
0x63: {  	_ =	shalt  }
0x64: {  	_ =	shalt  }
0x65: {  	_ =	shalt  }
0x66: {  	_ =	shalt  }
0x67: {  	_ =	shalt  }
0x68: {  	_ =	shalt  }
0x69: {  	_ =	shalt  }
0x6a: {  	_ =	shalt  }
0x6b: {  	_ =	shalt  }
0x6c: {  	_ =	shalt  }
0x6d: {  	_ =	shalt  }
0x6e: {  	_ =	shalt  }
0x6f: {  	_ =	shalt  }
0x70: {  	_ =	shalt  }
0x71: {  	_ =	shalt  }
0x72: {  	_ =	shalt  }
0x73: {  	_ =	shalt  }
0x74: {  	_ =	shalt  }
0x75: {  	_ =	shalt  }
0x76: {  	_ =	shalt  }
0x77: {  	_ =	shalt  }
0x78: {  	_ =	shalt  }
0x79: {  	_ =	shalt  }
0x7a: {  	_ =	shalt  }
0x7b: {  	_ =	shalt  }
0x7c: {  	_ =	shalt  }
0x7d: {  	_ =	shalt  }
0x7e: {  	_ =	shalt  }
0x7f: {  	_ =	shalt  }
0x80: {  	_ =	shalt  }
0x81: {  	_ =	shalt  }
0x82: {  	_ =	shalt  }
0x83: {  	_ =	shalt  }
0x84: {  	_ =	shalt  }
0x85: {  	_ =	shalt  }
0x86: {  	_ =	shalt  }
0x87: {  	_ =	shalt  }
.Lfunc_end0:
.L_simem_size_0:
called_computation.2_lowered:
.L_overlay_start_0:
0x88: {  	s2 =	sld [smem:$0x3FD9]  }
0x89: {  	s3 =	sld [smem:$0x3FFE];
	_ =	sdelay $0x1  }
0x8a: {  	s1 =	srdreg.scid  }
0x8b: {  	s0 =	sand.u32 $0x1, s1  }
0x8c: {  	s14 =	sshll.u32 s0, $0xA;
	s2 =	sadd.s32 s3, s2  }
0x8d: {  	s2 =	sadd.s32 s2, s14  }
0x8e: {  	[smem:$0x3FC2] =	sst s2  }
0x8f: {  	_ = 	snop  }
0x90: {  	s2 =	sld [smem:$0x3FD0];
	_ =	sdelay $0x2  }
0x91: {  	s15 =	simm.s32 $0xB;
	s4 =	simm.s32 $0x10  }
0x92: {  	[smem:s4], [sflag:s15] =	dma.local [hbm:s2], $0x1  }
0x93: {  	_ =	swait.eq [sflag:s15], $0x1  }
0x94: {  	[sflag:s15] =	ssyncset.done $0x0  }
0x95: {  	s16 =	sld [smem:$0x10];
	[sflag:s15] =	ssyncadd.s32 $0xFFFFFFFF  }
0x96: {  	s17 =	sld [smem:$0x11];
	(tm) =	ssettm $0x1  }
0x97: {  	s18 =	sld [smem:$0x3FFB];
	_ =	sdelay $0x3  }
0x98: {  	_ =	strace s18  }
0x99: {  	s4 =	sld [smem:$0x3FFC];
	_ =	sdelay $0x3  }
0x9a: {  	_ =	strace s4  }
0x9b: {  	s4 =	sld [smem:$0x3FFD];
	_ =	sdelay $0x3  }
0x9c: {  	_ =	strace s4  }
0x9d: {  	_ =	strace $0x8FFFFFFF  }
0x9e: {  	s19 =	sld [smem:$0x3FDB];
	_ =	sdelay $0x1  }
0x9f: {  	s5 =	simm.s32 $_scs_section_size  }
0xa0: {  	s6 =	simm.s32 $_size__tile_overlayer_lowered;
	s7 =	simm.s32 $_tile_overlayer_lowered  }
0xa1: {  	s22 =	simm.s32 $0x1BFF;
	s21 =	sshll.u32 s7, $0x1;
	s4 =	sadd.s32 s5, s19  }
0xa2: {  	s8 =	simm.s32 $0x0;
	s20 =	sshll.u32 s6, $0x1;
	s6 =	sadd.s32 s21, s4  }
0xa3: {  	[timem:s8], [sflag:s22] =	dma.local [hbm:s6], s20  }
0xa4: {  	_ =	swait.ge [sflag:s22], s20  }
0xa5: {  	s5 =	ssub.s32 $0x0, s20;
	[sflag:s22] =	ssyncset.done $0x0  }
0xa6: {  	[sflag:s22] =	ssyncadd.s32 s5;
	_ =	sdelay $0x1  }
0xa7: {  	s23 =	simm.s32 $0x1B8B  }
0xa8: {  	_ =	swait.ge [sflag:s23], $0x1  }
0xa9: {  	[sflag:s23] =	ssyncset.done $0x0  }
0xaa: {  	s25 =	simm.s32 $0x1B8E;
	s24 =	sld [smem:$0x3FFE];
	[sflag:s23] =	ssyncadd.s32 $0xFFFFFFFF  }
0xab: {  	s26 =	simm.s32 $execute0_lowered;
	[smem:$0x3FD2] =	sst s25  }
0xac: {  	s6 =	sshll.u32 s26, $0x1;
	_ =	strace $0x80000046;
	[dreg:$0x1] =	wrdreg $0xFFFFFFFF  }
0xad: {  	s28 =	simm.s32 $_size_execute0_lowered;
	s4 =	sadd.s32 s4, s6;
	[dreg:$0x0] =	wrdreg $0x0  }
0xae: {  	s6 =	sshll.u32 s28, $0x1;
	[dreg:$0x2] =	wrdreg s4  }
0xaf: {  	[dreg:$0x3] =	wrdreg s6  }
0xb0: {  	[dreg:$0x4] =	wrdreg $0xC0  }
0xb1: {  	_ =	task [dreg:s8], $0x5FFFF  }
0xb2: {  	[dreg:$0x1] =	wrdreg $0xFFFFFFFF  }
0xb3: {  	[dreg:$0x0] =	wrdreg $0x60  }
0xb4: {  	[dreg:$0x2] =	wrdreg s24  }
0xb5: {  	[dreg:$0x3] =	wrdreg s16  }
0xb6: {  	[dreg:$0x4] =	wrdreg s17  }
0xb7: {  	[dreg:$0x5] =	wrdreg $0x9  }
0xb8: {  	_ =	task.clear_ibuf [dreg:s8], $0x6FFFF;
	_ =	strace $0x90000046  }
0xb9: {  	s29 =	simm.s32 $0x9;
	_ =	strace $0x80000048  }
0xba: {  	_ =	swait.ge [sflag:s29], $0x1  }
0xbb: {  	[sflag:s29] =	ssyncadd.s32 $0xFFFFFFFF  }
0xbc: {  	_ =	strace $0x90000048  }
0xbd: {  	_ =	sfence  }
0xbe: {  	s30 =	sld [smem:$0x0];
	_ =	sdelay $0x2  }
0xbf: {  	s31 =	sshll.u32 s1, $0xD;
	s1 =	sshrl.u32 s1, $0x2  }
0xc0: {  	s3 =	sand.u32 $0x4000, s31;
	s1 =	sadd.s32 s1, s30  }
0xc1: {  	s0 =	sor.u32 s3, s0;
	s1 =	sshll.u32 s1, $0x11  }
0xc2: {  	s0 =	sor.u32 s1, s0  }
0xc3: {  	s0 =	sadd.s32 $0x8F2B, s0  }
0xc4: {  	[sflag:s0] =	ssyncadd.remote.s32 $0x1  }
0xc5: {  	_ =	sfence.sel $0xFFFF  }
0xc6: {  	[dreg:$0x0] =	wrdreg $0xFFFFFFFF;
	(pc) =	sbr.abs _section_cstart, $3  }
0xc7: {  	[dreg:$0x1] =	wrdreg $0xFFFFFFFF  }
0xc8: {  	_ =	task.clear_ibuf [dreg:s8], $0x2FFFF;
	_ =	strace $0x9FFFFFFF  }
0xc9: {  	(tm) =	ssettm $0x7FFFFFFF  }
tec
execute0_lowered:
.L_overlay_start_1:
0x0: {  	(tag) =	ssettag $0x1  }
0x1: {  	s0 =	rddreg [dreg:$0x0]  }
0x2: {  	s1 =	rddreg [dreg:$0x1];
	s2 =	srdreg.scid;
	v0 =	vimm.s32 $0xFEDCBA98;
	v1 =	vimm.s32 $0x76543210  }
0x3: {  	s4 =	stileid.u32;
	s3 =	rddreg [dreg:$0x2];
	v2 =	vimm.s32 $0xBA98FEDC;
	v3 =	vimm.s32 $0x32107654;
	v4 =	vimm.s32 $0xDCFE98BA;
	s13 =	simm.s32 $0x7  }
0x4: {  	v5 =	vimm.s32 $0x54761032;
	s12 =	simm.s32 $0x1900;
	s15 =	simm.s32 $0xC8;
	s16 =	simm.s32 $0x3200  }
0x5: {  	v6 =	vimm.s32 $0xEFCDAB89;
	v7 =	vimm.s32 $0x67452301;
	s18 =	simm.s32 $0xC800;
	s19 =	simm.s32 $0xFA00;
	s20 =	simm.s32 $0x1  }
0x6: {  	s21 =	simm.s32 $0x9600;
	s22 =	simm.s32 $0x2;
	s23 =	simm.s32 $0x12C00;
	v0 =	vunpack.c.l.s4.s8 v0;
	v1 =	vunpack.c.l.s4.s8 v1;
	v2 =	vunpack.c.l.s4.s8 v2  }
0x7: {  	s24 =	simm.s32 $0x3;
	s25 =	simm.s32 $0x4;
	s26 =	simm.s32 $0x5;
	v3 =	vunpack.c.l.s4.s8 v3;
	v4 =	vunpack.c.l.s4.s8 v4;
	v5 =	vunpack.c.l.s4.s8 v5  }
0x8: {  	s28 =	simm.s32 $0x6;
	s2 =	sand.u32 $0x1, s2;
	s5 =	sshll.u32 s4, $0x1;
	v6 =	vunpack.c.l.s4.s8 v6;
	v7 =	vunpack.c.l.s4.s8 v7;
	v0 =	vunpack.c.0.s8.s32 v0  }
0x9: {  	s29 =	simm.s32 $0x0;
	s4 =	simm.s32 $0x0;
	s10 =	sor.u32 s2, s5;
	v2 =	vunpack.c.0.s8.s32 v2;
	v3 =	vunpack.c.0.s8.s32 v3;
	v4 =	vunpack.c.0.s8.s32 v4  }
0xa: {  	s7 =	sadd.s32 $0xD3200, s0;
	[smem:$0x7FF] =	sst s4;
	s6 =	smul.u32 $0x1900, s10;
	v5 =	vunpack.c.0.s8.s32 v5;
	v6 =	vunpack.c.0.s8.s32 v6;
	v7 =	vunpack.c.0.s8.s32 v7  }
0xb: {  	s5 =	sadd.s32 $0x3400, s0;
	s2 =	ssub.s32 $0x2, s2;
	_ =	strace $0x80000047;
	v1 =	vunpack.c.0.s8.s32 v1;
	v2 =	vcombine.low v3, v2  }
0xc: {  	s9 =	sshrl.u32 s2, $0x1;
	s10 =	sshll.u32 s10, $0x5;
	s8 =	sshrl.u32 s6, $0x3;
	v3 =	vcombine.low v5, v4;
	v4 =	vand.u32 $0xF, v0;
	v5 =	vcombine.low v7, v6  }
0xd: {  	s2 =	ssub.s32 s2, s9;
	s6 =	sadd.s32 $0x310A00, s0;
	v0 =	vimm.s32 $0x0;
	s0 =	sadd.s32 s8, s0;
	v1 =	vcombine.low v4, v1  }
0xe: {  	s11 =	smax.u32 s2, $0x1;
	s8 =	sadd.s32 $0xC6A00, s0;
	s9 =	sadd.s32 $0xCCE00, s0;
	v2 =	vand.u32 $0xF, v2;
	v3 =	vand.u32 $0xF, v3;
	v4 =	vand.u32 $0xF, v5  }
.LBB2_1:
0xf: {  	s0 =	simm.s32 $0x15E00  }
0x10: {  	[tilespmem:s0], [sflag:$0x7] =	stream.linear.gather [hbm4b:s7+s4], $0x80, $0x38;
	[tilespmem:$0x15E80] =	vst v63  }
0x11: {  	_ =	swait.ge [sflag:s13], $0x80  }
0x12: {  	[sflag:s13] =	ssyncset.done $0x0  }
0x13: {  	[sflag:s13] =	ssyncadd.s32 $0xFFFFFF80  }
0x14: {  	[tilespmem:s4], [sflag:$0x7] =	stream.linear.gather [hbm4b:s8+s4], $0x1900, $0x38;
	[tilespmem:$0x15E80] =	vst v63  }
0x15: {  	_ =	swait.ge [sflag:s13], $0x1900  }
0x16: {  	[sflag:s13] =	ssyncset.done $0x0  }
0x17: {  	[sflag:s13] =	ssyncadd.s32 $0xFFFFE700  }
0x18: {  	[tilespmem:s12], [sflag:$0x7] =	stream.linear.gather [hbm4b:s9+s4], $0x1900, $0x38;
	[tilespmem:$0x15E80] =	vst v63  }
0x19: {  	_ =	swait.ge [sflag:s13], $0x1900  }
0x1a: {  	[sflag:s13] =	ssyncset.done $0x0  }
0x1b: {  	s2 =	simm.s32 $0x40;
	s0 =	simm.s32 $0x0;
	[sflag:s13] =	ssyncadd.s32 $0xFFFFE700  }
.LBB2_2:
0x1c: {  	p0 =	sne.s32 s2, $0x63C0;
	v5 =	vld [tilespmem:s0+$0x1900]  }
0x1d: {  	v6 =	vld [tilespmem:s0+$0x0];
	_ =	sdelay $0x3  }
0x1e: {  	vm0 =	vgt.s32 v5, $0x0  }
0x1f: {  	v5 =	vsel vm0, $0x1, v0;
	v7 =	vshll.u32 v6, $0x1  }
.Ltmp0:
0x20: {  	v5 =	vor.u32 v5, v7;
	(pc) =	sbr.rel @p0 .LBB2_2-.Ltmp0, $4  }
0x21: {  	vm0 =	vlt.s32 v5, $0x30D40  }
0x22: {  	vm1 =	veq.s32 v6, $0x0;
	v5 =	vnsel vm0, $0x30D40, v5  }
0x23: {  	v5 =	vsel vm1, $0x0, v5  }
0x24: {  	[tilespmem:s0+$0x1900] =	vst v5;
	s0 =	sshra.s32 s2, $0x2;
	s2 =	sadd.s32 $0x40, s2  }
0x25: {  	v5 =	vld [tilespmem:s0+$0x1900]  }
0x26: {  	v6 =	vld [tilespmem:s0+$0x0];
	_ =	sdelay $0x3  }
0x27: {  	vm0 =	vgt.s32 v5, $0x0  }
0x28: {  	v7 =	vshll.u32 v6, $0x1;
	v5 =	vsel vm0, $0x1, v0  }
0x29: {  	v5 =	vor.u32 v5, v7  }
0x2a: {  	vm15 =	vlt.s32 v5, $0x30D40  }
0x2b: {  	vm1 =	veq.s32 v6, $0x0;
	v5 =	vnsel vm15, $0x30D40, v5  }
0x2c: {  	v5 =	vsel vm1, $0x0, v5  }
0x2d: {  	[tilespmem:s0+$0x1900] =	vst v5  }
0x2e: {  	v5 =	vld [tilespmem:$0x15E00]  }
0x2f: {  	v6 =	vld [tilespmem:$0x15E10]  }
0x30: {  	v7 =	vld [tilespmem:$0x15E20]  }
0x31: {  	v8 =	vld [tilespmem:$0x15E30]  }
0x32: {  	v9 =	vld [tilespmem:$0x15E40]  }
0x33: {  	v10 =	vld [tilespmem:$0x15E50]  }
0x34: {  	s30 =	simm.s32 $0x0;
	v11 =	vld [tilespmem:$0x15E60]  }
0x35: {  	v12 =	vld [tilespmem:$0x15E70];
	[tilespmem:s16], [sflag:$0x1] =	stream.indirect.gather [hbm4b:s5+s15], $0x40, s30, s15, $0xb8  }
0x36: {  	s31 =	simm.s32 $0x6400  }
0x37: {  	[tilespmem:s31], [sflag:$0x1] =	stream.indirect.gather [hbm4b:s6+s15], $0x40, s12, s15, $0xb8;
	[tilespmem:$0x15E80] =	vst v63  }
.LBB2_4:
0x38: {  	p0 =	seq.s32 s30, $0x0  }
0x39: {  	s0 =	simm.s32 @!p0 $0x4  }
0x3a: {  	s31 =	sshllo.u32 s30, $0x1;
	_ =	swait.ge @!p0 [sflag:s0], $0x3200  }
0x3b: {  	s2 =	smul.u32 $0xC8, s31;
	[sflag:s0] =	ssyncset.done @!p0 $0x0  }
0x3c: {  	[sflag:s0] =	ssyncadd.s32 @!p0 $0xFFFFCE00  }
0x3d: {  	[tilespmem:s18], [sflag:$0x2] =	stream.indirect.gather [hbm4b:s5+s15], $0x40, s2, s15, $0xb8;
	[tilespmem:$0x15E80] =	vst v63  }
0x3e: {  	s14 =	sadd.s32 $0x1900, s2  }
0x3f: {  	[tilespmem:s19], [sflag:$0x2] =	stream.indirect.gather [hbm4b:s6+s15], $0x40, s14, s15, $0xb8;
	[tilespmem:$0x15E80] =	vst v63  }
0x40: {  	_ =	swait.ge [sflag:s20], $0x3200  }
0x41: {  	s17 =	sshll.u32 s30, $0x1;
	[sflag:s20] =	ssyncset.done $0x0  }
0x42: {  	s0 =	sor.u32 s10, s17;
	[sflag:s20] =	ssyncadd.s32 $0xFFFFCE00  }
0x43: {  	s2 =	smul.u32 $0x640, s0;
	_ =	swait.ge [sflag:s20], $0x3200  }
0x44: {  	[sflag:s20] =	ssyncset.done $0x0  }
0x45: {  	s0 =	sadd.s32 s3, s2;
	[sflag:s20] =	ssyncadd.s32 $0xFFFFCE00  }
0x46: {  	[hbm4b:s0+s4] =	stream.linear.scatter [tilespmem:s16], [sflag:$0x3], $0x3200, $0x38;
	[tilespmem:$0x15E80] =	vst v63  }
0x47: {  	s0 =	simm.s32 @!p0 $0x5  }
0x48: {  	_ =	swait.ge @!p0 [sflag:s0], $0x3200  }
0x49: {  	[sflag:s0] =	ssyncset.done @!p0 $0x0  }
0x4a: {  	[sflag:s0] =	ssyncadd.s32 @!p0 $0xFFFFCE00;
	s0 =	simm.s32 $0x0  }
0x4b: {  	v13 =	vld [tilespmem:s0+$0x32C0]  }
0x4c: {  	v14 =	vld [tilespmem:s0+$0x64C0]  }
0x4d: {  	v15 =	vld [tilespmem:s0+$0x32D0]  }
0x4e: {  	v16 =	vld [tilespmem:s0+$0x64D0]  }
0x4f: {  	v17 =	vld [tilespmem:s0+$0x32E0]  }
0x50: {  	v18 =	vld [tilespmem:s0+$0x64E0]  }
0x51: {  	v19 =	vld [tilespmem:s0+$0x32F0]  }
0x52: {  	v20 =	vld [tilespmem:s0+$0x64F0]  }
0x53: {  	v21 =	vld [tilespmem:s0+$0x3200]  }
0x54: {  	v24 =	vld [tilespmem:s0+$0x6400]  }
0x55: {  	v25 =	vld [tilespmem:s0+$0x3210]  }
0x56: {  	v27 =	vld [tilespmem:s0+$0x6410];
	_ =	sdelay $0x1  }
0x57: {  	v26 =	vadd.f32 v14, v13;
	v13 =	vld [tilespmem:s0+$0x3220]  }
0x58: {  	v23 =	vadd.f32 v16, v15;
	v22 =	vadd.f32 v18, v17;
	v14 =	vld [tilespmem:s0+$0x6420]  }
0x59: {  	v28 =	vadd.f32 v20, v19;
	v16 =	vld [tilespmem:s0+$0x3230];
	v17 =	vadd.f32 v24, v21  }
0x5a: {  	v21 =	vld [tilespmem:s0+$0x6430];
	v18 =	vadd.f32 v27, v25;
	v15 =	vadd.f32 v23, v26  }
0x5b: {  	v25 =	vld [tilespmem:s0+$0x3240];
	v19 =	vadd.f32 v28, v22;
	v20 =	vmul.f32 v26, v26;
	v29 =	vmul.f32 v23, v23  }
0x5c: {  	v27 =	vld [tilespmem:s0+$0x6440];
	v24 =	vmul.f32 v22, v22;
	v30 =	vmul.f32 v28, v28  }
0x5d: {  	v35 =	vld [tilespmem:s0+$0x6470];
	v32 =	vadd.f32 v18, v17;
	v15 =	vadd.f32 v19, v15  }
0x5e: {  	v20 =	vadd.f32 v29, v20;
	v24 =	vadd.f32 v30, v24;
	v30 =	vld [tilespmem:s0+$0x6450]  }
0x5f: {  	v29 =	vmul.f32 v17, v17;
	v19 =	vadd.f32 v14, v13;
	v13 =	vld [tilespmem:s0+$0x3250];
	v14 =	vmul.f32 v18, v18  }
0x60: {  	v24 =	vadd.f32 v24, v20;
	v31 =	vperm.xlane v15, v1;
	v20 =	vadd.f32 v21, v16;
	v16 =	vld [tilespmem:s0+$0x3260]  }
0x61: {  	v21 =	vadd.f32 v27, v25;
	v27 =	vld [tilespmem:s0+$0x3270];
	v14 =	vadd.f32 v14, v29  }
0x62: {  	v29 =	vld [tilespmem:s0+$0x6460];
	v15 =	vadd.f32 v15, v31;
	v31 =	vperm.xlane v24, v1;
	v34 =	vadd.f32 v20, v19  }
0x63: {  	v33 =	vmul.f32 v19, v19;
	v25 =	vmul.f32 v20, v20  }
0x64: {  	v36 =	vperm.xlane v15, v2;
	v31 =	vadd.f32 v31, v24;
	v32 =	vadd.f32 v34, v32  }
0x65: {  	v61 =	vld [tilespmem:s0+$0x6480];
	v24 =	vadd.f32 v30, v13;
	v33 =	vadd.f32 v25, v33  }
0x66: {  	v13 =	vmul.f32 v21, v21;
	v30 =	vld [tilespmem:s0+$0x3280];
	v27 =	vadd.f32 v35, v27;
	v15 =	vadd.f32 v15, v36  }
0x67: {  	v62 =	vperm.xlane v31, v2;
	v25 =	vadd.f32 v29, v16;
	v16 =	vadd.f32 v24, v21  }
0x68: {  	v37 =	vld [tilespmem:s0+$0x3290];
	v29 =	vmul.f32 v24, v24;
	v33 =	vadd.f32 v33, v14;
	v39 =	vperm.xlane v32, v1  }
0x69: {  	v14 =	vld [tilespmem:s0+$0x6490];
	v42 =	vmul.f32 v27, v27;
	v38 =	vperm.xlane v15, v3;
	v31 =	vadd.f32 v62, v31  }
0x6a: {  	v45 =	vld [tilespmem:s0+$0x32A0];
	v29 =	vadd.f32 v29, v13;
	v63 =	vmul.f32 v25, v25;
	v41 =	vadd.f32 v27, v25  }
0x6b: {  	v40 =	vld [tilespmem:s0+$0x64A0];
	v32 =	vadd.f32 v32, v39;
	v59 =	vperm.xlane v33, v1;
	v13 =	vadd.f32 v61, v30  }
0x6c: {  	v47 =	vld [tilespmem:s0+$0x64B0];
	v15 =	vadd.f32 v15, v38;
	v46 =	vperm.xlane v31, v3;
	v49 =	vadd.f32 v41, v16  }
0x6d: {  	v30 =	vld [tilespmem:s0+$0x32B0];
	v16 =	vadd.f32 v42, v63;
	v61 =	vperm.xlane v32, v2;
	v33 =	vadd.f32 v59, v33  }
0x6e: {  	v14 =	vadd.f32 v14, v37;
	v52 =	vmul.f32 v13, v13;
	v48 =	vperm.xlane v15, v4  }
0x6f: {  	v31 =	vadd.f32 v46, v31;
	v29 =	vadd.f32 v16, v29;
	v41 =	vperm.xlane v49, v1  }
0x70: {  	v32 =	vadd.f32 v32, v61;
	v53 =	vadd.f32 v14, v13;
	v54 =	vmul.f32 v14, v14  }
0x71: {  	v50 =	vadd.f32 v15, v48;
	v51 =	vperm.xlane v31, v4;
	v15 =	vadd.f32 v40, v45  }
0x72: {  	v16 =	vadd.f32 v47, v30;
	v60 =	vperm.xlane v29, v1;
	v38 =	vadd.f32 v49, v41  }
0x73: {  	v47 =	vperm.xlane v33, v2;
	v35 =	vmul.f32 $1.562500000e-02, v50;
	v31 =	vadd.f32 v51, v31  }
0x74: {  	v56 =	vmul.f32 v15, v15;
	v57 =	vadd.f32 v16, v15;
	v58 =	vmul.f32 v16, v16  }
0x75: {  	v30 =	vadd.f32 v54, v52;
	v31 =	vmul.f32 $1.562500000e-02, v31;
	v55 =	vmul.f32 v35, v35  }
0x76: {  	v63 =	vperm.xlane v38, v2;
	v36 =	vadd.f32 v57, v53;
	v37 =	vadd.f32 v58, v56  }
0x77: {  	v29 =	vadd.f32 v60, v29;
	v51 =	vperm.xlane v32, v3;
	v31 =	vsub.f32 v31, v55  }
0x78: {  	v33 =	vadd.f32 v47, v33;
	v30 =	vadd.f32 v37, v30;
	v62 =	vperm.xlane v36, v1  }
0x79: {  	v49 =	vadd.f32 v38, v63;
	v50 =	vperm.xlane v29, v2;
	v31 =	vadd.f32 $9.999999740e-06, v31  }
0x7a: {  	v32 =	vadd.f32 v32, v51;
	v36 =	vadd.f32 v36, v62;
	v45 =	vperm.xlane v30, v1  }
0x7b: {  	v53 =	vperm.xlane v49, v3;
	v29 =	vadd.f32 v50, v29;
	v44 =	vshrl.u32 v31, $0x1  }
0x7c: {  	v31 =	vmul.f32 $5.000000000e-01, v31;
	v48 =	vperm.xlane v36, v2;
	v30 =	vadd.f32 v45, v30  }
0x7d: {  	v55 =	vperm.xlane v33, v3;
	v58 =	vperm.xlane v32, v4;
	v41 =	vsub.s32 $0x5F3759DF, v44  }
0x7e: {  	v46 =	vmul.f32 v41, v31;
	v36 =	vadd.f32 v36, v48;
	v52 =	vperm.xlane v30, v2  }
0x7f: {  	v37 =	vadd.f32 v49, v53;
	v56 =	vperm.xlane v29, v3;
	v33 =	vadd.f32 v55, v33  }
0x80: {  	v34 =	vmul.f32 v41, v46;
	v54 =	vperm.xlane v36, v3;
	v30 =	vadd.f32 v52, v30  }
0x81: {  	v32 =	vadd.f32 v32, v58;
	v59 =	vperm.xlane v37, v4;
	v29 =	vadd.f32 v56, v29  }
0x82: {  	v34 =	vsub.f32 $1.500000000e+00, v34;
	v36 =	vadd.f32 v36, v54;
	v57 =	vperm.xlane v30, v3  }
0x83: {  	v61 =	vperm.xlane v33, v4;
	v63 =	vmul.f32 $1.562500000e-02, v32;
	v37 =	vadd.f32 v37, v59  }
0x84: {  	v34 =	vmul.f32 v41, v34;
	v60 =	vperm.xlane v36, v4;
	v30 =	vadd.f32 v57, v30  }
0x85: {  	v62 =	vperm.xlane v29, v4;
	v33 =	vadd.f32 v61, v33;
	v48 =	vmul.f32 v63, v63  }
0x86: {  	v31 =	vmul.f32 v34, v31;
	v36 =	vadd.f32 v36, v60;
	v47 =	vperm.xlane v30, v4  }
0x87: {  	v37 =	vmul.f32 $1.562500000e-02, v37;
	v38 =	vadd.f32 v62, v29;
	v33 =	vmul.f32 $1.562500000e-02, v33  }
0x88: {  	v31 =	vmul.f32 v31, v34;
	v29 =	vmul.f32 $1.562500000e-02, v36;
	v30 =	vadd.f32 v47, v30  }
0x89: {  	v49 =	vmul.f32 $1.562500000e-02, v38;
	v50 =	vmul.f32 v37, v37;
	v32 =	vsub.f32 v33, v48  }
0x8a: {  	v31 =	vsub.f32 $1.500000000e+00, v31;
	v30 =	vmul.f32 $1.562500000e-02, v30;
	v51 =	vmul.f32 v29, v29  }
0x8b: {  	v52 =	vsub.f32 v49, v50;
	v32 =	vadd.f32 $9.999999740e-06, v32  }
0x8c: {  	v31 =	vmul.f32 v31, v34;
	v30 =	vsub.f32 v30, v51  }
0x8d: {  	v54 =	vshrl.u32 v32, $0x1;
	v34 =	vadd.f32 $9.999999740e-06, v52  }
0x8e: {  	v32 =	vmul.f32 $5.000000000e-01, v32;
	v53 =	vmul.f32 v31, v35;
	v30 =	vadd.f32 $9.999999740e-06, v30  }
0x8f: {  	v35 =	vsub.s32 $0x5F3759DF, v54;
	v55 =	vshrl.u32 v34, $0x1;
	v34 =	vmul.f32 $5.000000000e-01, v34  }
0x90: {  	v28 =	vmul.f32 v31, v28;
	v36 =	vsub.s32 $0x5F3759DF, v55;
	v57 =	vmul.f32 v35, v32  }
0x91: {  	v56 =	vshrl.u32 v30, $0x1;
	v30 =	vmul.f32 $5.000000000e-01, v30;
	v58 =	vmul.f32 v36, v34  }
0x92: {  	v38 =	vsub.s32 $0x5F3759DF, v56;
	v40 =	vmul.f32 v35, v57  }
0x93: {  	v28 =	vsub.f32 v28, v53;
	v59 =	vmul.f32 v38, v30;
	v41 =	vmul.f32 v36, v58  }
0x94: {  	v40 =	vsub.f32 $1.500000000e+00, v40  }
0x95: {  	v28 =	vmul.f32 v28, v8;
	v42 =	vmul.f32 v38, v59;
	v41 =	vsub.f32 $1.500000000e+00, v41  }
0x96: {  	v26 =	vmul.f32 v31, v26;
	v35 =	vmul.f32 v35, v40  }
0x97: {  	v28 =	vadd.f32 v28, v12;
	v42 =	vsub.f32 $1.500000000e+00, v42;
	v36 =	vmul.f32 v36, v41  }
0x98: {  	v23 =	vmul.f32 v31, v23;
	v32 =	vmul.f32 v35, v32  }
0x99: {  	[tilespmem:s0+$0x96F0] =	vst v28;
	v38 =	vmul.f32 v38, v42;
	v28 =	vmul.f32 v36, v34  }
0x9a: {  	v22 =	vmul.f32 v31, v22;
	v31 =	vsub.f32 v26, v53;
	v32 =	vmul.f32 v32, v35  }
0x9b: {  	v23 =	vsub.f32 v23, v53;
	v30 =	vmul.f32 v38, v30;
	v34 =	vmul.f32 v28, v36  }
0x9c: {  	v22 =	vsub.f32 v22, v53;
	v32 =	vsub.f32 $1.500000000e+00, v32  }
0x9d: {  	s12 =	simm.s32 $0x100;
	v60 =	vmul.f32 v31, v5;
	v30 =	vmul.f32 v30, v38;
	v34 =	vsub.f32 $1.500000000e+00, v34  }
0x9e: {  	v23 =	vmul.f32 v23, v6;
	v26 =	vld [tilespmem:s12+$0x32C0];
	v61 =	vmul.f32 v32, v35  }
0x9f: {  	v22 =	vmul.f32 v22, v7;
	v31 =	vld [tilespmem:s12+$0x32D0];
	v30 =	vsub.f32 $1.500000000e+00, v30;
	v44 =	vmul.f32 v34, v36  }
0xa0: {  	v33 =	vld [tilespmem:s12+$0x64D0];
	v17 =	vmul.f32 v61, v17;
	v62 =	vmul.f32 v61, v18  }
0xa1: {  	v40 =	vadd.f32 v60, v9;
	v28 =	vld [tilespmem:s12+$0x64C0];
	v34 =	vmul.f32 v61, v20;
	v32 =	vmul.f32 v30, v38  }
0xa2: {  	v23 =	vadd.f32 v23, v10;
	v35 =	vld [tilespmem:s12+$0x32E0];
	v30 =	vmul.f32 v61, v63;
	v63 =	vmul.f32 v61, v19  }
0xa3: {  	v45 =	vadd.f32 v22, v11;
	v38 =	vld [tilespmem:s12+$0x64E0];
	[tilespmem:s0+$0x96C0] =	vst v40;
	v21 =	vmul.f32 v44, v21;
	v19 =	vmul.f32 v44, v24  }
0xa4: {  	v22 =	vmul.f32 v44, v27;
	v18 =	vld [tilespmem:s12+$0x32F0];
	[tilespmem:s0+$0x96D0] =	vst v23;
	v23 =	vmul.f32 v44, v25;
	v36 =	vsub.f32 v17, v30  }
0xa5: {  	s17 =	simm.s32 $0x800;
	v17 =	vmul.f32 v44, v37;
	v42 =	vsub.f32 v62, v30;
	v43 =	vld [tilespmem:s12+$0x64F0];
	v20 =	vsub.f32 v63, v30;
	[tilespmem:s0+$0x96E0] =	vst v45  }
.LBB2_5:
0xa6: {  	p1 =	sne.s32 s17, $0xC400;
	v24 =	vld [tilespmem:s12+$0x3200];
	v44 =	vsub.f32 v34, v30;
	v40 =	vmul.f32 v32, v29;
	v13 =	vmul.f32 v32, v13  }
0xa7: {  	v29 =	vsub.f32 v21, v17;
	v14 =	vmul.f32 v32, v14;
	v15 =	vmul.f32 v32, v15;
	v45 =	vld [tilespmem:s12+$0x6400]  }
0xa8: {  	v30 =	vsub.f32 v19, v17;
	v41 =	vmul.f32 v32, v16;
	v25 =	vsub.f32 v23, v17;
	v21 =	vld [tilespmem:s12+$0x3210]  }
0xa9: {  	v34 =	vadd.f32 v28, v26;
	v33 =	vadd.f32 v33, v31;
	v37 =	vmul.f32 v36, v5;
	v16 =	vld [tilespmem:s12+$0x6410]  }
0xaa: {  	v32 =	vadd.f32 v38, v35;
	v38 =	vmul.f32 v42, v6;
	v19 =	vld [tilespmem:s12+$0x3220];
	v39 =	vadd.f32 v43, v18  }
0xab: {  	v27 =	vmul.f32 v20, v7;
	v26 =	vsub.f32 v22, v17;
	v28 =	vadd.f32 v33, v34;
	v23 =	vld [tilespmem:s12+$0x6420]  }
0xac: {  	v31 =	vmul.f32 v34, v34;
	v35 =	vmul.f32 v33, v33;
	v20 =	vld [tilespmem:s12+$0x3230];
	v22 =	vadd.f32 v39, v32  }
0xad: {  	v36 =	vmul.f32 v32, v32;
	v17 =	vadd.f32 v45, v24;
	v42 =	vmul.f32 v39, v39;
	v24 =	vld [tilespmem:s12+$0x6430]  }
0xae: {  	v18 =	vadd.f32 v16, v21;
	v16 =	vld [tilespmem:s12+$0x3240];
	v21 =	vadd.f32 v22, v28;
	v28 =	vmul.f32 v44, v8  }
0xaf: {  	v31 =	vadd.f32 v35, v31;
	v22 =	vmul.f32 v17, v17;
	v35 =	vadd.f32 v42, v36;
	v43 =	vld [tilespmem:s12+$0x6440]  }
0xb0: {  	v19 =	vadd.f32 v23, v19;
	v23 =	vadd.f32 v18, v17;
	v36 =	vmul.f32 v18, v18;
	v42 =	vld [tilespmem:s12+$0x3250]  }
0xb1: {  	v45 =	vadd.f32 v35, v31;
	v35 =	vperm.xlane v21, v1;
	v31 =	vsub.f32 v13, v40;
	v44 =	vld [tilespmem:s12+$0x6450]  }
0xb2: {  	v20 =	vadd.f32 v24, v20;
	v13 =	vadd.f32 v36, v22;
	v24 =	vmul.f32 v19, v19;
	v46 =	vld [tilespmem:s12+$0x3260]  }
0xb3: {  	v48 =	vadd.f32 v21, v35;
	v22 =	vperm.xlane v45, v1;
	v35 =	vsub.f32 v14, v40;
	v47 =	vld [tilespmem:s12+$0x6460]  }
0xb4: {  	v14 =	vadd.f32 v20, v19;
	v49 =	vmul.f32 v20, v20;
	v21 =	vadd.f32 v43, v16;
	v16 =	vld [tilespmem:s12+$0x3270]  }
0xb5: {  	v36 =	vsub.f32 v15, v40;
	v50 =	vperm.xlane v48, v2;
	v45 =	vadd.f32 v22, v45;
	v43 =	vld [tilespmem:s12+$0x6470]  }
0xb6: {  	v14 =	vadd.f32 v14, v23;
	v22 =	vadd.f32 v44, v42;
	v15 =	vmul.f32 v21, v21;
	v42 =	vld [tilespmem:s12+$0x3280]  }
0xb7: {  	v24 =	vadd.f32 v49, v24;
	v48 =	vadd.f32 v48, v50;
	v49 =	vperm.xlane v45, v2;
	v44 =	vld [tilespmem:s12+$0x6480]  }
0xb8: {  	v23 =	vadd.f32 v47, v46;
	v46 =	vadd.f32 v22, v21;
	v47 =	vmul.f32 v22, v22;
	v50 =	vld [tilespmem:s12+$0x3290]  }
0xb9: {  	v51 =	vadd.f32 v24, v13;
	v13 =	vperm.xlane v48, v3;
	v45 =	vadd.f32 v49, v45;
	v52 =	vld [tilespmem:s12+$0x6490]  }
0xba: {  	v24 =	vadd.f32 v43, v16;
	v16 =	vadd.f32 v47, v15;
	v15 =	vmul.f32 v23, v23;
	v43 =	vld [tilespmem:s12+$0x32A0]  }
0xbb: {  	v47 =	vperm.xlane v14, v1;
	v48 =	vadd.f32 v48, v13;
	v53 =	vperm.xlane v45, v3;
	v49 =	vld [tilespmem:s12+$0x64A0]  }
0xbc: {  	v54 =	vadd.f32 v24, v23;
	v55 =	vmul.f32 v24, v24;
	v13 =	vadd.f32 v44, v42;
	v42 =	vld [tilespmem:s12+$0x32B0]  }
0xbd: {  	v44 =	vadd.f32 v14, v47;
	v56 =	vperm.xlane v48, v4;
	v45 =	vadd.f32 v53, v45;
	v47 =	vld [tilespmem:s12+$0x64B0]  }
0xbe: {  	v46 =	vadd.f32 v54, v46;
	v14 =	vadd.f32 v52, v50;
	v50 =	vmul.f32 v13, v13  }
0xbf: {  	v52 =	vadd.f32 v55, v15;
	v48 =	vadd.f32 v48, v56;
	v53 =	vperm.xlane v45, v4  }
0xc0: {  	v15 =	vadd.f32 v49, v43;
	v43 =	vadd.f32 v14, v13;
	v49 =	vmul.f32 v14, v14  }
0xc1: {  	v52 =	vadd.f32 v52, v16;
	v48 =	vmul.f32 $1.562500000e-02, v48;
	v45 =	vadd.f32 v53, v45  }
0xc2: {  	v16 =	vadd.f32 v47, v42;
	v42 =	vadd.f32 v49, v50;
	v47 =	vmul.f32 v15, v15  }
0xc3: {  	v40 =	vsub.f32 v41, v40;
	v45 =	vmul.f32 $1.562500000e-02, v45;
	v49 =	vmul.f32 v48, v48  }
0xc4: {  	v41 =	vperm.xlane v46, v1;
	v50 =	vadd.f32 v16, v15;
	v53 =	vmul.f32 v16, v16  }
0xc5: {  	v54 =	vperm.xlane v51, v1;
	v55 =	vperm.xlane v52, v1;
	v45 =	vsub.f32 v45, v49  }
0xc6: {  	v49 =	vperm.xlane v44, v2;
	v43 =	vadd.f32 v50, v43;
	v47 =	vadd.f32 v53, v47  }
0xc7: {  	v46 =	vadd.f32 v46, v41;
	v41 =	vmul.f32 v29, v5;
	v45 =	vadd.f32 $9.999999740e-06, v45  }
0xc8: {  	v29 =	vadd.f32 v54, v51;
	v42 =	vadd.f32 v47, v42;
	v47 =	vperm.xlane v43, v1  }
0xc9: {  	v50 =	vperm.xlane v46, v2;
	v51 =	vshrl.u32 v45, $0x1;
	v45 =	vmul.f32 $5.000000000e-01, v45  }
0xca: {  	v51 =	vsub.s32 $0x5F3759DF, v51;
	v43 =	vadd.f32 v43, v47;
	v47 =	vperm.xlane v42, v1  }
0xcb: {  	v44 =	vadd.f32 v44, v49;
	v49 =	vadd.f32 v55, v52;
	v52 =	vmul.f32 v51, v45  }
0xcc: {  	v53 =	vperm.xlane v29, v2;
	v54 =	vperm.xlane v43, v2;
	v42 =	vadd.f32 v47, v42  }
0xcd: {  	v46 =	vadd.f32 v46, v50;
	v47 =	vperm.xlane v49, v2;
	v50 =	vmul.f32 v51, v52  }
0xce: {  	v52 =	vperm.xlane v44, v3;
	v43 =	vadd.f32 v43, v54;
	v54 =	vperm.xlane v42, v2  }
0xcf: {  	v29 =	vadd.f32 v53, v29;
	v53 =	vperm.xlane v46, v3;
	v50 =	vsub.f32 $1.500000000e+00, v50  }
0xd0: {  	v47 =	vadd.f32 v47, v49;
	v49 =	vperm.xlane v43, v3;
	v42 =	vadd.f32 v54, v42  }
0xd1: {  	v44 =	vadd.f32 v44, v52;
	v52 =	vperm.xlane v29, v3;
	v50 =	vmul.f32 v51, v50  }
0xd2: {  	v46 =	vadd.f32 v46, v53;
	v51 =	vperm.xlane v47, v3;
	v43 =	vadd.f32 v43, v49  }
0xd3: {  	v29 =	vadd.f32 v52, v29;
	v49 =	vperm.xlane v42, v3;
	v45 =	vmul.f32 v50, v45  }
0xd4: {  	v53 =	vperm.xlane v46, v4;
	v52 =	vperm.xlane v44, v4;
	v47 =	vadd.f32 v51, v47  }
0xd5: {  	v51 =	vperm.xlane v43, v4;
	v49 =	vadd.f32 v49, v42;
	v42 =	vmul.f32 v45, v50  }
0xd6: {  	v46 =	vadd.f32 v46, v53;
	v44 =	vadd.f32 v44, v52;
	v45 =	vperm.xlane v29, v4  }
0xd7: {  	v52 =	vperm.xlane v47, v4;
	v51 =	vadd.f32 v43, v51;
	v53 =	vsub.f32 $1.500000000e+00, v42  }
0xd8: {  	v43 =	vmul.f32 $1.562500000e-02, v44;
	v29 =	vadd.f32 v45, v29;
	v44 =	vperm.xlane v49, v4  }
0xd9: {  	v42 =	vmul.f32 $1.562500000e-02, v46;
	v45 =	vadd.f32 v52, v47;
	v46 =	vmul.f32 v53, v50  }
0xda: {  	v47 =	vmul.f32 $1.562500000e-02, v29;
	v29 =	vmul.f32 $1.562500000e-02, v51;
	v44 =	vadd.f32 v44, v49  }
0xdb: {  	v37 =	vadd.f32 v37, v9;
	v48 =	vmul.f32 v46, v48;
	v39 =	vmul.f32 v46, v39  }
0xdc: {  	v38 =	vadd.f32 v38, v10;
	v49 =	vmul.f32 v43, v43;
	v45 =	vmul.f32 $1.562500000e-02, v45  }
0xdd: {  	v50 =	vmul.f32 v42, v42;
	v44 =	vmul.f32 $1.562500000e-02, v44;
	v39 =	vsub.f32 v39, v48;
	[tilespmem:s0+$0x9600] =	vst v37  }
0xde: {  	v34 =	vmul.f32 v46, v34;
	v37 =	vsub.f32 v47, v49;
	v47 =	vmul.f32 v29, v29;
	[tilespmem:s0+$0x9610] =	vst v38  }
0xdf: {  	v33 =	vmul.f32 v46, v33;
	v38 =	vsub.f32 v45, v50;
	v39 =	vmul.f32 v39, v8  }
0xe0: {  	v32 =	vmul.f32 v46, v32;
	v37 =	vadd.f32 $9.999999740e-06, v37;
	v44 =	vsub.f32 v44, v47  }
0xe1: {  	v30 =	vmul.f32 v30, v6;
	v38 =	vadd.f32 $9.999999740e-06, v38;
	v39 =	vadd.f32 v39, v12  }
0xe2: {  	v45 =	vshrl.u32 v37, $0x1;
	v37 =	vmul.f32 $5.000000000e-01, v37;
	v44 =	vadd.f32 $9.999999740e-06, v44  }
0xe3: {  	v45 =	vsub.s32 $0x5F3759DF, v45;
	v46 =	vshrl.u32 v38, $0x1;
	v38 =	vmul.f32 $5.000000000e-01, v38;
	[tilespmem:s12+$0x96F0] =	vst v39  }
0xe4: {  	v39 =	vsub.s32 $0x5F3759DF, v46;
	v46 =	vshrl.u32 v44, $0x1;
	v44 =	vmul.f32 $5.000000000e-01, v44  }
0xe5: {  	v47 =	vmul.f32 v45, v37;
	v49 =	vmul.f32 v39, v38;
	v46 =	vsub.s32 $0x5F3759DF, v46  }
0xe6: {  	v34 =	vsub.f32 v34, v48;
	v33 =	vsub.f32 v33, v48;
	v50 =	vmul.f32 v46, v44  }
0xe7: {  	v32 =	vsub.f32 v32, v48;
	v47 =	vmul.f32 v45, v47;
	v49 =	vmul.f32 v39, v49  }
0xe8: {  	v27 =	vadd.f32 v27, v11;
	v25 =	vmul.f32 v25, v7;
	v48 =	vmul.f32 v46, v50  }
0xe9: {  	v26 =	vmul.f32 v26, v8;
	v47 =	vsub.f32 $1.500000000e+00, v47;
	v49 =	vsub.f32 $1.500000000e+00, v49  }
0xea: {  	v48 =	vsub.f32 $1.500000000e+00, v48;
	[tilespmem:s0+$0x9620] =	vst v27;
	v27 =	vmul.f32 v31, v5;
	v31 =	vmul.f32 v35, v6  }
0xeb: {  	v28 =	vadd.f32 v28, v12;
	v35 =	vmul.f32 v45, v47;
	v39 =	vmul.f32 v39, v49  }
0xec: {  	v36 =	vmul.f32 v36, v7;
	v41 =	vadd.f32 v41, v9;
	v45 =	vmul.f32 v46, v48  }
0xed: {  	v37 =	vmul.f32 v35, v37;
	v38 =	vmul.f32 v39, v38;
	[tilespmem:s0+$0x9630] =	vst v28;
	v28 =	vadd.f32 v30, v10  }
0xee: {  	v25 =	vadd.f32 v25, v11;
	v40 =	vmul.f32 v40, v8;
	v30 =	vmul.f32 v45, v44;
	[tilespmem:s0+$0x9640] =	vst v41  }
0xef: {  	v26 =	vadd.f32 v26, v12;
	v37 =	vmul.f32 v37, v35;
	v38 =	vmul.f32 v38, v39;
	[tilespmem:s0+$0x9650] =	vst v28  }
0xf0: {  	v28 =	vmul.f32 v30, v45;
	v30 =	vmul.f32 v34, v5;
	[tilespmem:s0+$0x9660] =	vst v25;
	v25 =	vadd.f32 v27, v9  }
0xf1: {  	s14 =	sshra.s32 s17, $0x2;
	v27 =	vsub.f32 $1.500000000e+00, v37;
	v34 =	vsub.f32 $1.500000000e+00, v38;
	v37 =	vmul.f32 v33, v6;
	[tilespmem:s0+$0x9670] =	vst v26  }
0xf2: {  	v38 =	vmul.f32 v32, v7;
	v33 =	vsub.f32 $1.500000000e+00, v28;
	v26 =	vld [tilespmem:s14+$0x32C0];
	[tilespmem:s0+$0x9680] =	vst v25;
	v25 =	vadd.f32 v31, v10  }
0xf3: {  	v27 =	vmul.f32 v27, v35;
	v39 =	vmul.f32 v34, v39;
	v34 =	vadd.f32 v36, v11;
	v28 =	vld [tilespmem:s14+$0x64C0]  }
0xf4: {  	v41 =	vadd.f32 v30, v9;
	v32 =	vmul.f32 v33, v45;
	v31 =	vld [tilespmem:s14+$0x32D0];
	[tilespmem:s0+$0x9690] =	vst v25;
	v25 =	vadd.f32 v40, v12  }
.Ltmp1:
0xf5: {  	v37 =	vadd.f32 v37, v10;
	v30 =	vmul.f32 v27, v43;
	v17 =	vmul.f32 v27, v17;
	v33 =	vld [tilespmem:s14+$0x64D0];
	[tilespmem:s0+$0x96A0] =	vst v34;
	(pc) =	sbr.rel @p1 .LBB2_5-.Ltmp1, $4  }
0xf6: {  	v45 =	vadd.f32 v38, v11;
	v40 =	vmul.f32 v27, v18;
	v44 =	vmul.f32 v27, v19;
	v35 =	vld [tilespmem:s14+$0x32E0];
	[tilespmem:s0+$0x96B0] =	vst v25;
	s0 =	smov.u32 s12;
	s12 =	smov.u32 s14  }
0xf7: {  	v34 =	vmul.f32 v27, v20;
	v36 =	vsub.f32 v17, v30;
	v17 =	vmul.f32 v39, v42;
	v38 =	vld [tilespmem:s12+$0x64E0];
	[tilespmem:s0+$0x96C0] =	vst v41  }
0xf8: {  	v21 =	vmul.f32 v39, v21;
	v19 =	vmul.f32 v39, v22;
	v42 =	vsub.f32 v40, v30;
	v18 =	vld [tilespmem:s12+$0x32F0];
	[tilespmem:s0+$0x96D0] =	vst v37  }
0xf9: {  	s17 =	sadd.s32 $0x400, s17;
	v23 =	vmul.f32 v39, v23;
	v22 =	vmul.f32 v39, v24;
	v20 =	vsub.f32 v44, v30;
	v43 =	vld [tilespmem:s12+$0x64F0];
	[tilespmem:s0+$0x96E0] =	vst v45  }
0xfa: {  	v24 =	vld [tilespmem:s12+$0x3200];
	v27 =	vsub.f32 v34, v30;
	v34 =	vmul.f32 v32, v29  }
0xfb: {  	v40 =	vmul.f32 v32, v13;
	v13 =	vld [tilespmem:s12+$0x6400];
	v41 =	vsub.f32 v21, v17;
	v44 =	vmul.f32 v32, v14  }
0xfc: {  	v45 =	vmul.f32 v32, v15;
	v14 =	vld [tilespmem:s12+$0x3210];
	v21 =	vsub.f32 v19, v17;
	v39 =	vmul.f32 v32, v16  }
0xfd: {  	v15 =	vld [tilespmem:s12+$0x6410];
	v32 =	vadd.f32 v28, v26;
	v29 =	vadd.f32 v33, v31;
	v36 =	vmul.f32 v36, v5  }
0xfe: {  	v16 =	vld [tilespmem:s12+$0x3220];
	v37 =	vmul.f32 v42, v6;
	v19 =	vsub.f32 v23, v17;
	v23 =	vsub.f32 v22, v17  }
0xff: {  	v52 =	vld [tilespmem:s12+$0x6440];
	v25 =	vmul.f32 v20, v7;
	v30 =	vadd.f32 v38, v35;
	v26 =	vadd.f32 v29, v32  }
0x100: {  	v28 =	vmul.f32 v32, v32;
	v33 =	vsub.f32 v44, v34;
	v38 =	vadd.f32 v43, v18;
	v18 =	vld [tilespmem:s12+$0x6420]  }
0x101: {  	v17 =	vld [tilespmem:s12+$0x3230];
	v31 =	vmul.f32 v29, v29;
	v35 =	vsub.f32 v45, v34;
	v36 =	vadd.f32 v36, v9  }
0x102: {  	v50 =	vmul.f32 v30, v30;
	v13 =	vadd.f32 v13, v24;
	v24 =	vld [tilespmem:s12+$0x6430];
	v51 =	vmul.f32 v38, v38  }
0x103: {  	v20 =	vld [tilespmem:s12+$0x3240];
	v41 =	vmul.f32 v41, v5;
	v14 =	vadd.f32 v15, v14;
	v22 =	vadd.f32 v38, v30  }
0x104: {  	v21 =	vmul.f32 v21, v6;
	v28 =	vadd.f32 v31, v28;
	v31 =	vadd.f32 v51, v50  }
0x105: {  	v54 =	vld [tilespmem:s12+$0x3250];
	v53 =	vmul.f32 v14, v14;
	v22 =	vadd.f32 v22, v26;
	v15 =	vadd.f32 v18, v16  }
0x106: {  	v46 =	vld [tilespmem:s12+$0x6450];
	v26 =	vmul.f32 v13, v13;
	v18 =	vadd.f32 v14, v13;
	v28 =	vadd.f32 v31, v28  }
0x107: {  	v56 =	vld [tilespmem:s12+$0x3260];
	v55 =	vperm.xlane v22, v1;
	v31 =	vsub.f32 v40, v34;
	v16 =	vadd.f32 v24, v17  }
0x108: {  	v47 =	vld [tilespmem:s12+$0x6460];
	v19 =	vmul.f32 v19, v7;
	v24 =	vadd.f32 v53, v26;
	v17 =	vadd.f32 v52, v20  }
0x109: {  	v61 =	vld [tilespmem:s12+$0x3270];
	v22 =	vadd.f32 v22, v55;
	v59 =	vperm.xlane v28, v1;
	v60 =	vadd.f32 v16, v15  }
0x10a: {  	v49 =	vld [tilespmem:s12+$0x6470];
	v34 =	vsub.f32 v39, v34;
	v26 =	vmul.f32 v15, v15;
	v48 =	vmul.f32 v16, v16  }
0x10b: {  	v63 =	vld [tilespmem:s12+$0x3280];
	v20 =	vperm.xlane v22, v2;
	v28 =	vadd.f32 v59, v28;
	v44 =	vadd.f32 v60, v18  }
0x10c: {  	v57 =	vld [tilespmem:s12+$0x6480];
	v62 =	vmul.f32 v17, v17;
	v18 =	vadd.f32 v46, v54;
	v26 =	vadd.f32 v48, v26  }
0x10d: {  	v50 =	vld [tilespmem:s12+$0x3290];
	v58 =	vadd.f32 v22, v20;
	v22 =	vperm.xlane v28, v2;
	v20 =	vadd.f32 v47, v56  }
0x10e: {  	v47 =	vadd.f32 v18, v17;
	v59 =	vmul.f32 v18, v18;
	v51 =	vadd.f32 v26, v24;
	v26 =	vld [tilespmem:s12+$0x6490]  }
0x10f: {  	v52 =	vld [tilespmem:s12+$0x64A0];
	v24 =	vperm.xlane v58, v3;
	v28 =	vadd.f32 v22, v28;
	v22 =	vadd.f32 v49, v61  }
0x110: {  	v42 =	vadd.f32 v59, v62;
	v60 =	vmul.f32 v20, v20;
	v49 =	vld [tilespmem:s12+$0x32A0];
	v61 =	vperm.xlane v44, v1  }
0x111: {  	v62 =	vld [tilespmem:s12+$0x32B0];
	v48 =	vadd.f32 v58, v24;
	v53 =	vperm.xlane v28, v3;
	v54 =	vadd.f32 v22, v20  }
0x112: {  	v55 =	vmul.f32 v22, v22;
	v24 =	vadd.f32 v57, v63;
	v44 =	vadd.f32 v44, v61;
	v63 =	vld [tilespmem:s12+$0x64B0]  }
0x113: {  	v40 =	vmul.f32 v27, v8;
	v27 =	vadd.f32 v26, v50;
	v53 =	vadd.f32 v53, v28  }
0x114: {  	v56 =	vperm.xlane v48, v4;
	v47 =	vadd.f32 v54, v47;
	v26 =	vadd.f32 v55, v60  }
0x115: {  	v60 =	vmul.f32 v24, v24;
	v28 =	vadd.f32 v52, v49;
	v49 =	vadd.f32 v27, v24  }
0x116: {  	v61 =	vmul.f32 v27, v27;
	v58 =	vadd.f32 v48, v56;
	v59 =	vperm.xlane v53, v4  }
0x117: {  	v42 =	vadd.f32 v26, v42;
	v26 =	vadd.f32 v63, v62;
	v45 =	vmul.f32 v28, v28  }
0x118: {  	v46 =	vadd.f32 v61, v60;
	v63 =	vperm.xlane v47, v1;
	v61 =	vperm.xlane v44, v2  }
0x119: {  	v43 =	vmul.f32 $1.562500000e-02, v58;
	v48 =	vadd.f32 v59, v53;
	v59 =	vperm.xlane v51, v1  }
0x11a: {  	v60 =	vperm.xlane v42, v1;
	v57 =	vadd.f32 v26, v28;
	v58 =	vmul.f32 v26, v26  }
0x11b: {  	v47 =	vadd.f32 v47, v63;
	v44 =	vadd.f32 v44, v61;
	v48 =	vmul.f32 $1.562500000e-02, v48  }
0x11c: {  	v62 =	vmul.f32 v43, v43;
	v51 =	vadd.f32 v59, v51;
	v42 =	vadd.f32 v60, v42  }
0x11d: {  	v49 =	vadd.f32 v57, v49;
	v45 =	vadd.f32 v58, v45;
	v52 =	vperm.xlane v47, v2  }
0x11e: {  	v48 =	vsub.f32 v48, v62;
	v59 =	vperm.xlane v51, v2;
	v61 =	vperm.xlane v42, v2  }
0x11f: {  	v45 =	vadd.f32 v45, v46;
	v62 =	vperm.xlane v49, v1;
	v47 =	vadd.f32 v47, v52  }
0x120: {  	v23 =	vmul.f32 v23, v8;
	v48 =	vadd.f32 $9.999999740e-06, v48;
	v51 =	vadd.f32 v59, v51  }
0x121: {  	v42 =	vadd.f32 v61, v42;
	v46 =	vadd.f32 v49, v62;
	v57 =	vperm.xlane v45, v1  }
0x122: {  	v62 =	vperm.xlane v44, v3;
	v63 =	vshrl.u32 v48, $0x1;
	v48 =	vmul.f32 $5.000000000e-01, v48  }
0x123: {  	v59 =	vperm.xlane v51, v3;
	v54 =	vsub.s32 $0x5F3759DF, v63;
	v45 =	vadd.f32 v57, v45  }
0x124: {  	v60 =	vperm.xlane v46, v2;
	v57 =	vperm.xlane v47, v3;
	v44 =	vadd.f32 v44, v62  }
0x125: {  	v58 =	vmul.f32 v54, v48;
	v61 =	vadd.f32 v59, v51;
	v63 =	vperm.xlane v45, v2  }
0x126: {  	v46 =	vadd.f32 v46, v60;
	v47 =	vadd.f32 v47, v57;
	v60 =	vperm.xlane v42, v3  }
0x127: {  	v50 =	vmul.f32 v54, v58;
	v59 =	vperm.xlane v61, v4;
	v45 =	vadd.f32 v63, v45  }
0x128: {  	v58 =	vperm.xlane v46, v3;
	v57 =	vperm.xlane v47, v4;
	v42 =	vadd.f32 v60, v42  }
0x129: {  	v63 =	vperm.xlane v44, v4;
	v50 =	vsub.f32 $1.500000000e+00, v50;
	v62 =	vperm.xlane v45, v3  }
0x12a: {  	v46 =	vadd.f32 v46, v58;
	v47 =	vadd.f32 v47, v57;
	v60 =	vperm.xlane v42, v4  }
0x12b: {  	v49 =	vadd.f32 v59, v61;
	v50 =	vmul.f32 v54, v50;
	v45 =	vadd.f32 v62, v45  }
0x12c: {  	v58 =	vperm.xlane v46, v4;
	v39 =	vmul.f32 $1.562500000e-02, v47;
	v42 =	vadd.f32 v60, v42  }
0x12d: {  	v44 =	vadd.f32 v44, v63;
	v48 =	vmul.f32 v50, v48;
	v61 =	vperm.xlane v45, v4  }
0x12e: {  	v46 =	vadd.f32 v46, v58;
	v42 =	vmul.f32 $1.562500000e-02, v42;
	v53 =	vmul.f32 v39, v39  }
0x12f: {  	v37 =	vadd.f32 v37, v10;
	v44 =	vmul.f32 $1.562500000e-02, v44;
	v48 =	vmul.f32 v48, v50  }
0x130: {  	v46 =	vmul.f32 $1.562500000e-02, v46;
	v45 =	vadd.f32 v61, v45;
	v42 =	vsub.f32 v42, v53  }
0x131: {  	v63 =	vmul.f32 $1.562500000e-02, v49;
	v52 =	vmul.f32 v44, v44;
	v48 =	vsub.f32 $1.500000000e+00, v48  }
0x132: {  	v45 =	vmul.f32 $1.562500000e-02, v45;
	v54 =	vmul.f32 v46, v46;
	v42 =	vadd.f32 $9.999999740e-06, v42  }
0x133: {  	v33 =	vmul.f32 v33, v6;
	v62 =	vmul.f32 v48, v50;
	v48 =	vsub.f32 v63, v52  }
0x134: {  	v45 =	vsub.f32 v45, v54;
	v56 =	vshrl.u32 v42, $0x1;
	v42 =	vmul.f32 $5.000000000e-01, v42  }
0x135: {  	v43 =	vmul.f32 v62, v43;
	v38 =	vmul.f32 v62, v38;
	v48 =	vadd.f32 $9.999999740e-06, v48  }
0x136: {  	v32 =	vmul.f32 v62, v32;
	v49 =	vsub.s32 $0x5F3759DF, v56;
	v45 =	vadd.f32 $9.999999740e-06, v45  }
0x137: {  	v59 =	vmul.f32 v49, v42;
	v55 =	vshrl.u32 v48, $0x1;
	v48 =	vmul.f32 $5.000000000e-01, v48  }
0x138: {  	v47 =	vsub.s32 $0x5F3759DF, v55;
	v57 =	vshrl.u32 v45, $0x1;
	v45 =	vmul.f32 $5.000000000e-01, v45  }
0x139: {  	v29 =	vmul.f32 v62, v29;
	v58 =	vmul.f32 v47, v48;
	v50 =	vsub.s32 $0x5F3759DF, v57  }
0x13a: {  	v25 =	vadd.f32 v25, v11;
	v52 =	vmul.f32 v49, v59;
	v60 =	vmul.f32 v50, v45  }
0x13b: {  	v30 =	vmul.f32 v62, v30;
	v38 =	vsub.f32 v38, v43;
	v51 =	vmul.f32 v47, v58  }
0x13c: {  	v32 =	vsub.f32 v32, v43;
	v52 =	vsub.f32 $1.500000000e+00, v52;
	v61 =	vmul.f32 v50, v60  }
0x13d: {  	v35 =	vmul.f32 v35, v7;
	v29 =	vsub.f32 v29, v43;
	v51 =	vsub.f32 $1.500000000e+00, v51  }
0x13e: {  	v30 =	vsub.f32 v30, v43;
	v49 =	vmul.f32 v49, v52;
	v43 =	vsub.f32 $1.500000000e+00, v61  }
0x13f: {  	v41 =	vadd.f32 v41, v9;
	v21 =	vadd.f32 v21, v10;
	v47 =	vmul.f32 v47, v51  }
0x140: {  	v19 =	vadd.f32 v19, v11;
	v42 =	vmul.f32 v49, v42;
	v43 =	vmul.f32 v50, v43  }
0x141: {  	v23 =	vadd.f32 v23, v12;
	v38 =	vmul.f32 v38, v8;
	v48 =	vmul.f32 v47, v48  }
0x142: {  	v33 =	vadd.f32 v33, v10;
	v42 =	vmul.f32 v42, v49;
	v45 =	vmul.f32 v43, v45  }
0x143: {  	v31 =	vmul.f32 v31, v5;
	[tilespmem:s0+$0x9600] =	vst v36;
	v38 =	vadd.f32 v38, v12;
	v62 =	vmul.f32 v48, v47  }
0x144: {  	v40 =	vadd.f32 v40, v12;
	[tilespmem:s0+$0x9610] =	vst v37;
	v63 =	vmul.f32 v45, v43;
	v45 =	vsub.f32 $1.500000000e+00, v42  }
0x145: {  	v34 =	vmul.f32 v34, v8;
	v32 =	vmul.f32 v32, v5;
	[tilespmem:s12+$0x96F0] =	vst v38;
	v36 =	vsub.f32 $1.500000000e+00, v62  }
0x146: {  	[tilespmem:s0+$0x9620] =	vst v25;
	v25 =	vmul.f32 v29, v6;
	v29 =	vsub.f32 $1.500000000e+00, v63;
	v48 =	vmul.f32 v45, v49  }
0x147: {  	v35 =	vadd.f32 v35, v11;
	v30 =	vmul.f32 v30, v7;
	[tilespmem:s0+$0x9630] =	vst v40;
	v36 =	vmul.f32 v36, v47  }
0x148: {  	[tilespmem:s0+$0x9660] =	vst v19;
	v19 =	vadd.f32 v25, v10;
	v29 =	vmul.f32 v29, v43;
	v25 =	vmul.f32 v48, v39  }
0x149: {  	v31 =	vadd.f32 v31, v9;
	[tilespmem:s0+$0x9640] =	vst v41;
	v17 =	vmul.f32 v48, v17;
	v18 =	vmul.f32 v48, v18  }
0x14a: {  	v32 =	vadd.f32 v32, v9;
	[tilespmem:s0+$0x9650] =	vst v21;
	v20 =	vmul.f32 v48, v20;
	v22 =	vmul.f32 v48, v22  }
0x14b: {  	v21 =	vadd.f32 v34, v12;
	[tilespmem:s0+$0x9670] =	vst v23;
	v49 =	vmul.f32 v36, v44;
	v13 =	vmul.f32 v36, v13  }
0x14c: {  	v23 =	vadd.f32 v30, v11;
	[tilespmem:s0+$0x9680] =	vst v31;
	v14 =	vmul.f32 v36, v14;
	v15 =	vmul.f32 v36, v15  }
0x14d: {  	[tilespmem:s0+$0x9690] =	vst v33;
	v16 =	vmul.f32 v36, v16;
	v30 =	vmul.f32 v29, v46;
	v13 =	vsub.f32 v13, v49  }
0x14e: {  	[tilespmem:s0+$0x96B0] =	vst v21;
	v24 =	vmul.f32 v29, v24;
	v21 =	vmul.f32 v29, v27;
	v14 =	vsub.f32 v14, v49  }
0x14f: {  	[tilespmem:s0+$0x96A0] =	vst v35;
	v17 =	vsub.f32 v17, v25;
	v15 =	vsub.f32 v15, v49;
	v13 =	vmul.f32 v13, v5  }
0x150: {  	[tilespmem:s12+$0x96C0] =	vst v32;
	v27 =	vmul.f32 v29, v28;
	v16 =	vsub.f32 v16, v49;
	v14 =	vmul.f32 v14, v6  }
0x151: {  	[tilespmem:s12+$0x96E0] =	vst v23;
	v18 =	vsub.f32 v18, v25;
	v15 =	vmul.f32 v15, v7;
	v13 =	vadd.f32 v13, v9  }
0x152: {  	[tilespmem:s12+$0x96D0] =	vst v19;
	v19 =	vsub.f32 v20, v25;
	v16 =	vmul.f32 v16, v8;
	v14 =	vadd.f32 v14, v10  }
0x153: {  	v20 =	vmul.f32 v29, v26;
	v17 =	vmul.f32 v17, v5;
	[tilespmem:s12+$0x9600] =	vst v13;
	v13 =	vadd.f32 v15, v11  }
0x154: {  	v16 =	vadd.f32 v16, v12;
	v15 =	vsub.f32 v22, v25;
	[tilespmem:s12+$0x9610] =	vst v14;
	v14 =	vmul.f32 v18, v6  }
0x155: {  	v19 =	vmul.f32 v19, v7;
	v18 =	vsub.f32 v24, v30;
	[tilespmem:s12+$0x9620] =	vst v13;
	v13 =	vadd.f32 v17, v9  }
0x156: {  	[tilespmem:s12+$0x9630] =	vst v16;
	v17 =	vsub.f32 v21, v30;
	v15 =	vmul.f32 v15, v8;
	v14 =	vadd.f32 v14, v10  }
0x157: {  	v16 =	vsub.f32 v27, v30;
	v18 =	vmul.f32 v18, v5;
	[tilespmem:s12+$0x9640] =	vst v13;
	v13 =	vadd.f32 v19, v11  }
0x158: {  	v19 =	vsub.f32 v20, v30;
	v17 =	vmul.f32 v17, v6;
	[tilespmem:s12+$0x9650] =	vst v14;
	v14 =	vadd.f32 v15, v12  }
0x159: {  	v15 =	vmul.f32 v16, v7;
	[tilespmem:s12+$0x9660] =	vst v13;
	v13 =	vadd.f32 v18, v9  }
0x15a: {  	v16 =	vmul.f32 v19, v8;
	[tilespmem:s12+$0x9670] =	vst v14;
	v14 =	vadd.f32 v17, v10  }
0x15b: {  	[tilespmem:s12+$0x9680] =	vst v13;
	v13 =	vadd.f32 v15, v11  }
0x15c: {  	[tilespmem:s12+$0x9690] =	vst v14;
	v14 =	vadd.f32 v16, v12  }
0x15d: {  	p1 =	seq.s32 s30, $0xF;
	[tilespmem:s12+$0x96A0] =	vst v13  }
0x15e: {  	s17 =	sadd.s32 s1, s2;
	s0 =	simm.s32 @!p1 $0x3;
	[tilespmem:s12+$0x96B0] =	vst v14  }
0x15f: {  	[hbm4b:s17+s4] =	stream.linear.scatter [tilespmem:s21], [sflag:$0x5], $0x3200, $0x38;
	[tilespmem:$0x15E80] =	vst v63  }
0x160: {  	s2 =	smul.u32 @!p1 $0x190, s30;
	_ =	swait.ge @!p1 [sflag:s0], $0x3200  }
0x161: {  	s14 =	simm.s32 @!p1 $0x3200;
	[sflag:s0] =	ssyncset.done @!p1 $0x0  }
0x162: {  	s12 =	simm.s32 @!p1 $0xC8;
	[sflag:s0] =	ssyncadd.s32 @!p1 $0xFFFFCE00;
	s0 =	sadd.s32 @!p1 $0x190, s2  }
0x163: {  	[tilespmem:s14], [sflag:$0x1] =	stream.indirect.gather @!p1 [hbm4b:s5+s12], $0x40, s0, s12, $0xb8;
	[tilespmem:$0x15E80] =	vst v63  }
0x164: {  	s0 =	sadd.s32 @!p1 $0x1A90, s2;
	s2 =	simm.s32 @!p1 $0x6400  }
0x165: {  	[tilespmem:s2], [sflag:$0x1] =	stream.indirect.gather @!p1 [hbm4b:s6+s12], $0x40, s0, s12, $0xb8;
	[tilespmem:$0x15E80] =	vst v63  }
0x166: {  	_ =	swait.ge [sflag:s22], $0x3200  }
0x167: {  	[sflag:s22] =	ssyncset.done $0x0  }
0x168: {  	s31 =	sor.u32 s10, s31;
	[sflag:s22] =	ssyncadd.s32 $0xFFFFCE00  }
0x169: {  	s2 =	smul.u32 $0x640, s31;
	_ =	swait.ge [sflag:s22], $0x3200  }
0x16a: {  	[sflag:s22] =	ssyncset.done $0x0  }
0x16b: {  	s0 =	sadd.s32 s3, s2;
	[sflag:s22] =	ssyncadd.s32 $0xFFFFCE00  }
0x16c: {  	[hbm4b:s0+s4] =	stream.linear.scatter [tilespmem:s18], [sflag:$0x4], $0x3200, $0x38;
	[tilespmem:$0x15E80] =	vst v63  }
0x16d: {  	s0 =	simm.s32 @!p0 $0x6  }
0x16e: {  	_ =	swait.ge @!p0 [sflag:s0], $0x3200  }
0x16f: {  	[sflag:s0] =	ssyncset.done @!p0 $0x0  }
0x170: {  	[sflag:s0] =	ssyncadd.s32 @!p0 $0xFFFFCE00;
	s0 =	simm.s32 $0x0  }
0x171: {  	v13 =	vld [tilespmem:s0+$0xC8C0]  }
0x172: {  	v14 =	vld [tilespmem:s0+$0xFAC0]  }
0x173: {  	v15 =	vld [tilespmem:s0+$0xC8D0]  }
0x174: {  	v16 =	vld [tilespmem:s0+$0xFAD0]  }
0x175: {  	v17 =	vld [tilespmem:s0+$0xC8E0]  }
0x176: {  	v18 =	vld [tilespmem:s0+$0xFAE0]  }
0x177: {  	v19 =	vld [tilespmem:s0+$0xC8F0]  }
0x178: {  	v20 =	vld [tilespmem:s0+$0xFAF0]  }
0x179: {  	v21 =	vld [tilespmem:s0+$0xC800]  }
0x17a: {  	v24 =	vld [tilespmem:s0+$0xFA00]  }
0x17b: {  	v25 =	vld [tilespmem:s0+$0xC810]  }
0x17c: {  	v27 =	vld [tilespmem:s0+$0xFA10];
	_ =	sdelay $0x1  }
0x17d: {  	v26 =	vadd.f32 v14, v13;
	v13 =	vld [tilespmem:s0+$0xC820]  }
0x17e: {  	v23 =	vadd.f32 v16, v15;
	v22 =	vadd.f32 v18, v17;
	v14 =	vld [tilespmem:s0+$0xFA20]  }
0x17f: {  	v28 =	vadd.f32 v20, v19;
	v16 =	vld [tilespmem:s0+$0xC830];
	v17 =	vadd.f32 v24, v21  }
0x180: {  	v21 =	vld [tilespmem:s0+$0xFA30];
	v18 =	vadd.f32 v27, v25;
	v15 =	vadd.f32 v23, v26  }
0x181: {  	v25 =	vld [tilespmem:s0+$0xC840];
	v19 =	vadd.f32 v28, v22;
	v20 =	vmul.f32 v26, v26;
	v29 =	vmul.f32 v23, v23  }
0x182: {  	v27 =	vld [tilespmem:s0+$0xFA40];
	v24 =	vmul.f32 v22, v22;
	v30 =	vmul.f32 v28, v28  }
0x183: {  	v53 =	vld [tilespmem:s0+$0xFA70];
	v50 =	vadd.f32 v18, v17;
	v15 =	vadd.f32 v19, v15  }
0x184: {  	v20 =	vadd.f32 v29, v20;
	v24 =	vadd.f32 v30, v24;
	v30 =	vld [tilespmem:s0+$0xFA50]  }
0x185: {  	v29 =	vmul.f32 v17, v17;
	v19 =	vadd.f32 v14, v13;
	v13 =	vld [tilespmem:s0+$0xC850];
	v14 =	vmul.f32 v18, v18  }
0x186: {  	v24 =	vadd.f32 v24, v20;
	v31 =	vperm.xlane v15, v1;
	v20 =	vadd.f32 v21, v16;
	v16 =	vld [tilespmem:s0+$0xC860]  }
0x187: {  	v21 =	vadd.f32 v27, v25;
	v27 =	vld [tilespmem:s0+$0xC870];
	v14 =	vadd.f32 v14, v29  }
0x188: {  	v29 =	vld [tilespmem:s0+$0xFA60];
	v15 =	vadd.f32 v15, v31;
	v31 =	vperm.xlane v24, v1;
	v52 =	vadd.f32 v20, v19  }
0x189: {  	v51 =	vmul.f32 v19, v19;
	v25 =	vmul.f32 v20, v20  }
0x18a: {  	v54 =	vperm.xlane v15, v2;
	v31 =	vadd.f32 v31, v24;
	v32 =	vadd.f32 v52, v50  }
0x18b: {  	v55 =	vld [tilespmem:s0+$0xFA80];
	v24 =	vadd.f32 v30, v13;
	v13 =	vmul.f32 v21, v21;
	v33 =	vadd.f32 v25, v51  }
0x18c: {  	v30 =	vld [tilespmem:s0+$0xC880];
	v27 =	vadd.f32 v53, v27;
	v15 =	vadd.f32 v15, v54;
	v56 =	vperm.xlane v31, v2  }
0x18d: {  	v57 =	vld [tilespmem:s0+$0xC890];
	v25 =	vadd.f32 v29, v16;
	v16 =	vadd.f32 v24, v21;
	v29 =	vmul.f32 v24, v24  }
0x18e: {  	v33 =	vadd.f32 v33, v14;
	v14 =	vld [tilespmem:s0+$0xFA90];
	v61 =	vperm.xlane v32, v1;
	v46 =	vmul.f32 v27, v27  }
0x18f: {  	v58 =	vperm.xlane v15, v3;
	v31 =	vadd.f32 v56, v31;
	v29 =	vadd.f32 v29, v13  }
0x190: {  	v60 =	vld [tilespmem:s0+$0xC8A0];
	v59 =	vmul.f32 v25, v25;
	v45 =	vadd.f32 v27, v25;
	v32 =	vadd.f32 v32, v61  }
0x191: {  	v62 =	vld [tilespmem:s0+$0xFAA0];
	v13 =	vadd.f32 v55, v30;
	v15 =	vadd.f32 v15, v58  }
0x192: {  	v47 =	vld [tilespmem:s0+$0xFAB0];
	v63 =	vperm.xlane v31, v3;
	v49 =	vadd.f32 v45, v16;
	v16 =	vadd.f32 v46, v59  }
0x193: {  	v30 =	vld [tilespmem:s0+$0xC8B0];
	v59 =	vperm.xlane v33, v1;
	v61 =	vperm.xlane v32, v2;
	v14 =	vadd.f32 v14, v57  }
0x194: {  	v52 =	vmul.f32 v13, v13;
	v48 =	vperm.xlane v15, v4;
	v31 =	vadd.f32 v63, v31  }
0x195: {  	v29 =	vadd.f32 v16, v29;
	v41 =	vperm.xlane v49, v1;
	v33 =	vadd.f32 v59, v33  }
0x196: {  	v32 =	vadd.f32 v32, v61;
	v53 =	vadd.f32 v14, v13;
	v54 =	vmul.f32 v14, v14  }
0x197: {  	v50 =	vadd.f32 v15, v48;
	v51 =	vperm.xlane v31, v4;
	v15 =	vadd.f32 v62, v60  }
0x198: {  	v16 =	vadd.f32 v47, v30;
	v60 =	vperm.xlane v29, v1;
	v38 =	vadd.f32 v49, v41  }
0x199: {  	v47 =	vperm.xlane v33, v2;
	v30 =	vadd.f32 v54, v52;
	v35 =	vmul.f32 $1.562500000e-02, v50  }
0x19a: {  	v31 =	vadd.f32 v51, v31;
	v56 =	vmul.f32 v15, v15;
	v57 =	vadd.f32 v16, v15  }
0x19b: {  	v58 =	vmul.f32 v16, v16;
	v63 =	vperm.xlane v38, v2;
	v29 =	vadd.f32 v60, v29  }
0x19c: {  	v33 =	vadd.f32 v47, v33;
	v31 =	vmul.f32 $1.562500000e-02, v31;
	v55 =	vmul.f32 v35, v35  }
0x19d: {  	v51 =	vperm.xlane v32, v3;
	v36 =	vadd.f32 v57, v53;
	v37 =	vadd.f32 v58, v56  }
0x19e: {  	v49 =	vadd.f32 v38, v63;
	v50 =	vperm.xlane v29, v2;
	v31 =	vsub.f32 v31, v55  }
0x19f: {  	v32 =	vadd.f32 v32, v51;
	v30 =	vadd.f32 v37, v30;
	v62 =	vperm.xlane v36, v1  }
0x1a0: {  	v53 =	vperm.xlane v49, v3;
	v55 =	vperm.xlane v33, v3;
	v31 =	vadd.f32 $9.999999740e-06, v31  }
0x1a1: {  	v29 =	vadd.f32 v50, v29;
	v58 =	vperm.xlane v32, v4;
	v45 =	vperm.xlane v30, v1  }
0x1a2: {  	v36 =	vadd.f32 v36, v62;
	v44 =	vshrl.u32 v31, $0x1;
	v31 =	vmul.f32 $5.000000000e-01, v31  }
0x1a3: {  	v56 =	vperm.xlane v29, v3;
	v30 =	vadd.f32 v45, v30;
	v41 =	vsub.s32 $0x5F3759DF, v44  }
0x1a4: {  	v37 =	vadd.f32 v49, v53;
	v48 =	vperm.xlane v36, v2;
	v46 =	vmul.f32 v41, v31  }
0x1a5: {  	v33 =	vadd.f32 v55, v33;
	v32 =	vadd.f32 v32, v58;
	v52 =	vperm.xlane v30, v2  }
0x1a6: {  	v59 =	vperm.xlane v37, v4;
	v36 =	vadd.f32 v36, v48;
	v34 =	vmul.f32 v41, v46  }
0x1a7: {  	v29 =	vadd.f32 v56, v29;
	v61 =	vperm.xlane v33, v4;
	v30 =	vadd.f32 v52, v30  }
0x1a8: {  	v63 =	vmul.f32 $1.562500000e-02, v32;
	v54 =	vperm.xlane v36, v3;
	v34 =	vsub.f32 $1.500000000e+00, v34  }
0x1a9: {  	v37 =	vadd.f32 v37, v59;
	v33 =	vadd.f32 v61, v33;
	v57 =	vperm.xlane v30, v3  }
0x1aa: {  	v62 =	vperm.xlane v29, v4;
	v36 =	vadd.f32 v36, v54;
	v34 =	vmul.f32 v41, v34  }
0x1ab: {  	v37 =	vmul.f32 $1.562500000e-02, v37;
	v33 =	vmul.f32 $1.562500000e-02, v33;
	v30 =	vadd.f32 v57, v30  }
0x1ac: {  	v38 =	vadd.f32 v62, v29;
	v60 =	vperm.xlane v36, v4;
	v31 =	vmul.f32 v34, v31  }
0x1ad: {  	v46 =	vmul.f32 v63, v63;
	v45 =	vperm.xlane v30, v4  }
0x1ae: {  	v47 =	vmul.f32 $1.562500000e-02, v38;
	v36 =	vadd.f32 v36, v60;
	v31 =	vmul.f32 v31, v34  }
0x1af: {  	v48 =	vmul.f32 v37, v37;
	v32 =	vsub.f32 v33, v46;
	v30 =	vadd.f32 v45, v30  }
0x1b0: {  	v29 =	vmul.f32 $1.562500000e-02, v36;
	v31 =	vsub.f32 $1.500000000e+00, v31  }
0x1b1: {  	v50 =	vsub.f32 v47, v48;
	v32 =	vadd.f32 $9.999999740e-06, v32;
	v30 =	vmul.f32 $1.562500000e-02, v30  }
0x1b2: {  	v49 =	vmul.f32 v29, v29;
	v31 =	vmul.f32 v31, v34  }
0x1b3: {  	v52 =	vshrl.u32 v32, $0x1;
	v34 =	vadd.f32 $9.999999740e-06, v50  }
0x1b4: {  	v32 =	vmul.f32 $5.000000000e-01, v32;
	v30 =	vsub.f32 v30, v49;
	v51 =	vmul.f32 v31, v35  }
0x1b5: {  	v35 =	vsub.s32 $0x5F3759DF, v52;
	v53 =	vshrl.u32 v34, $0x1;
	v34 =	vmul.f32 $5.000000000e-01, v34  }
0x1b6: {  	v30 =	vadd.f32 $9.999999740e-06, v30;
	v36 =	vsub.s32 $0x5F3759DF, v53;
	v55 =	vmul.f32 v35, v32  }
0x1b7: {  	v28 =	vmul.f32 v31, v28;
	v56 =	vmul.f32 v36, v34  }
0x1b8: {  	v54 =	vshrl.u32 v30, $0x1;
	v30 =	vmul.f32 $5.000000000e-01, v30;
	v40 =	vmul.f32 v35, v55  }
0x1b9: {  	v28 =	vsub.f32 v28, v51;
	v38 =	vsub.s32 $0x5F3759DF, v54;
	v41 =	vmul.f32 v36, v56  }
0x1ba: {  	v57 =	vmul.f32 v38, v30;
	v40 =	vsub.f32 $1.500000000e+00, v40  }
0x1bb: {  	v28 =	vmul.f32 v28, v8;
	v41 =	vsub.f32 $1.500000000e+00, v41  }
0x1bc: {  	v42 =	vmul.f32 v38, v57;
	v35 =	vmul.f32 v35, v40  }
0x1bd: {  	v26 =	vmul.f32 v31, v26;
	v28 =	vadd.f32 v28, v12;
	v36 =	vmul.f32 v36, v41  }
0x1be: {  	v23 =	vmul.f32 v31, v23;
	v42 =	vsub.f32 $1.500000000e+00, v42;
	v32 =	vmul.f32 v35, v32  }
0x1bf: {  	v22 =	vmul.f32 v31, v22;
	[tilespmem:s0+$0x12CF0] =	vst v28;
	v28 =	vmul.f32 v36, v34  }
0x1c0: {  	v38 =	vmul.f32 v38, v42;
	v32 =	vmul.f32 v32, v35  }
0x1c1: {  	v31 =	vsub.f32 v26, v51;
	v23 =	vsub.f32 v23, v51;
	v34 =	vmul.f32 v28, v36  }
0x1c2: {  	v22 =	vsub.f32 v22, v51;
	v30 =	vmul.f32 v38, v30;
	v32 =	vsub.f32 $1.500000000e+00, v32  }
0x1c3: {  	s12 =	simm.s32 $0x100;
	v58 =	vmul.f32 v31, v5;
	v23 =	vmul.f32 v23, v6;
	v34 =	vsub.f32 $1.500000000e+00, v34  }
0x1c4: {  	v26 =	vld [tilespmem:s12+$0xC8C0];
	v30 =	vmul.f32 v30, v38;
	v59 =	vmul.f32 v32, v35  }
0x1c5: {  	v22 =	vmul.f32 v22, v7;
	v31 =	vld [tilespmem:s12+$0xC8D0];
	v60 =	vmul.f32 v34, v36  }
0x1c6: {  	v33 =	vld [tilespmem:s12+$0xFAD0];
	v30 =	vsub.f32 $1.500000000e+00, v30;
	v17 =	vmul.f32 v59, v17;
	v61 =	vmul.f32 v59, v18  }
0x1c7: {  	v40 =	vadd.f32 v58, v9;
	v28 =	vld [tilespmem:s12+$0xFAC0];
	v62 =	vmul.f32 v59, v19;
	v34 =	vmul.f32 v59, v20  }
0x1c8: {  	v23 =	vadd.f32 v23, v10;
	v35 =	vld [tilespmem:s12+$0xC8E0];
	v32 =	vmul.f32 v30, v38;
	v30 =	vmul.f32 v59, v63  }
0x1c9: {  	v38 =	vld [tilespmem:s12+$0xFAE0];
	[tilespmem:s0+$0x12CC0] =	vst v40;
	v63 =	vadd.f32 v22, v11;
	v21 =	vmul.f32 v60, v21;
	v19 =	vmul.f32 v60, v24  }
0x1ca: {  	v22 =	vmul.f32 v60, v27;
	v18 =	vld [tilespmem:s12+$0xC8F0];
	[tilespmem:s0+$0x12CD0] =	vst v23;
	v23 =	vmul.f32 v60, v25;
	v36 =	vsub.f32 v17, v30  }
0x1cb: {  	s17 =	simm.s32 $0x800;
	v17 =	vmul.f32 v60, v37;
	v42 =	vsub.f32 v61, v30;
	v43 =	vld [tilespmem:s12+$0xFAF0];
	v20 =	vsub.f32 v62, v30;
	[tilespmem:s0+$0x12CE0] =	vst v63  }
.LBB2_7:
0x1cc: {  	p0 =	sne.s32 s17, $0xC400;
	v24 =	vld [tilespmem:s12+$0xC800];
	v44 =	vsub.f32 v34, v30;
	v40 =	vmul.f32 v32, v29;
	v13 =	vmul.f32 v32, v13  }
0x1cd: {  	v29 =	vsub.f32 v21, v17;
	v14 =	vmul.f32 v32, v14;
	v15 =	vmul.f32 v32, v15;
	v45 =	vld [tilespmem:s12+$0xFA00]  }
0x1ce: {  	v30 =	vsub.f32 v19, v17;
	v41 =	vmul.f32 v32, v16;
	v25 =	vsub.f32 v23, v17;
	v21 =	vld [tilespmem:s12+$0xC810]  }
0x1cf: {  	v34 =	vadd.f32 v28, v26;
	v33 =	vadd.f32 v33, v31;
	v37 =	vmul.f32 v36, v5;
	v16 =	vld [tilespmem:s12+$0xFA10]  }
0x1d0: {  	v32 =	vadd.f32 v38, v35;
	v38 =	vmul.f32 v42, v6;
	v19 =	vld [tilespmem:s12+$0xC820];
	v39 =	vadd.f32 v43, v18  }
0x1d1: {  	v27 =	vmul.f32 v20, v7;
	v26 =	vsub.f32 v22, v17;
	v28 =	vadd.f32 v33, v34;
	v23 =	vld [tilespmem:s12+$0xFA20]  }
0x1d2: {  	v31 =	vmul.f32 v34, v34;
	v35 =	vmul.f32 v33, v33;
	v20 =	vld [tilespmem:s12+$0xC830];
	v22 =	vadd.f32 v39, v32  }
0x1d3: {  	v36 =	vmul.f32 v32, v32;
	v17 =	vadd.f32 v45, v24;
	v42 =	vmul.f32 v39, v39;
	v24 =	vld [tilespmem:s12+$0xFA30]  }
0x1d4: {  	v18 =	vadd.f32 v16, v21;
	v16 =	vld [tilespmem:s12+$0xC840];
	v21 =	vadd.f32 v22, v28;
	v28 =	vmul.f32 v44, v8  }
0x1d5: {  	v31 =	vadd.f32 v35, v31;
	v22 =	vmul.f32 v17, v17;
	v35 =	vadd.f32 v42, v36;
	v43 =	vld [tilespmem:s12+$0xFA40]  }
0x1d6: {  	v19 =	vadd.f32 v23, v19;
	v23 =	vadd.f32 v18, v17;
	v36 =	vmul.f32 v18, v18;
	v42 =	vld [tilespmem:s12+$0xC850]  }
0x1d7: {  	v45 =	vadd.f32 v35, v31;
	v35 =	vperm.xlane v21, v1;
	v31 =	vsub.f32 v13, v40;
	v44 =	vld [tilespmem:s12+$0xFA50]  }
0x1d8: {  	v20 =	vadd.f32 v24, v20;
	v13 =	vadd.f32 v36, v22;
	v24 =	vmul.f32 v19, v19;
	v46 =	vld [tilespmem:s12+$0xC860]  }
0x1d9: {  	v48 =	vadd.f32 v21, v35;
	v22 =	vperm.xlane v45, v1;
	v35 =	vsub.f32 v14, v40;
	v47 =	vld [tilespmem:s12+$0xFA60]  }
0x1da: {  	v14 =	vadd.f32 v20, v19;
	v49 =	vmul.f32 v20, v20;
	v21 =	vadd.f32 v43, v16;
	v16 =	vld [tilespmem:s12+$0xC870]  }
0x1db: {  	v36 =	vsub.f32 v15, v40;
	v50 =	vperm.xlane v48, v2;
	v45 =	vadd.f32 v22, v45;
	v43 =	vld [tilespmem:s12+$0xFA70]  }
0x1dc: {  	v14 =	vadd.f32 v14, v23;
	v22 =	vadd.f32 v44, v42;
	v15 =	vmul.f32 v21, v21;
	v42 =	vld [tilespmem:s12+$0xC880]  }
0x1dd: {  	v24 =	vadd.f32 v49, v24;
	v48 =	vadd.f32 v48, v50;
	v49 =	vperm.xlane v45, v2;
	v44 =	vld [tilespmem:s12+$0xFA80]  }
0x1de: {  	v23 =	vadd.f32 v47, v46;
	v46 =	vadd.f32 v22, v21;
	v47 =	vmul.f32 v22, v22;
	v50 =	vld [tilespmem:s12+$0xC890]  }
0x1df: {  	v51 =	vadd.f32 v24, v13;
	v13 =	vperm.xlane v48, v3;
	v45 =	vadd.f32 v49, v45;
	v52 =	vld [tilespmem:s12+$0xFA90]  }
0x1e0: {  	v24 =	vadd.f32 v43, v16;
	v16 =	vadd.f32 v47, v15;
	v15 =	vmul.f32 v23, v23;
	v43 =	vld [tilespmem:s12+$0xC8A0]  }
0x1e1: {  	v47 =	vperm.xlane v14, v1;
	v48 =	vadd.f32 v48, v13;
	v53 =	vperm.xlane v45, v3;
	v49 =	vld [tilespmem:s12+$0xFAA0]  }
0x1e2: {  	v54 =	vadd.f32 v24, v23;
	v55 =	vmul.f32 v24, v24;
	v13 =	vadd.f32 v44, v42;
	v42 =	vld [tilespmem:s12+$0xC8B0]  }
0x1e3: {  	v44 =	vadd.f32 v14, v47;
	v56 =	vperm.xlane v48, v4;
	v45 =	vadd.f32 v53, v45;
	v47 =	vld [tilespmem:s12+$0xFAB0]  }
0x1e4: {  	v46 =	vadd.f32 v54, v46;
	v14 =	vadd.f32 v52, v50;
	v50 =	vmul.f32 v13, v13  }
0x1e5: {  	v52 =	vadd.f32 v55, v15;
	v48 =	vadd.f32 v48, v56;
	v53 =	vperm.xlane v45, v4  }
0x1e6: {  	v15 =	vadd.f32 v49, v43;
	v43 =	vadd.f32 v14, v13;
	v49 =	vmul.f32 v14, v14  }
0x1e7: {  	v52 =	vadd.f32 v52, v16;
	v48 =	vmul.f32 $1.562500000e-02, v48;
	v45 =	vadd.f32 v53, v45  }
0x1e8: {  	v16 =	vadd.f32 v47, v42;
	v42 =	vadd.f32 v49, v50;
	v47 =	vmul.f32 v15, v15  }
0x1e9: {  	v40 =	vsub.f32 v41, v40;
	v45 =	vmul.f32 $1.562500000e-02, v45;
	v49 =	vmul.f32 v48, v48  }
0x1ea: {  	v41 =	vperm.xlane v46, v1;
	v50 =	vadd.f32 v16, v15;
	v53 =	vmul.f32 v16, v16  }
0x1eb: {  	v54 =	vperm.xlane v51, v1;
	v55 =	vperm.xlane v52, v1;
	v45 =	vsub.f32 v45, v49  }
0x1ec: {  	v49 =	vperm.xlane v44, v2;
	v43 =	vadd.f32 v50, v43;
	v47 =	vadd.f32 v53, v47  }
0x1ed: {  	v46 =	vadd.f32 v46, v41;
	v41 =	vmul.f32 v29, v5;
	v45 =	vadd.f32 $9.999999740e-06, v45  }
0x1ee: {  	v29 =	vadd.f32 v54, v51;
	v42 =	vadd.f32 v47, v42;
	v47 =	vperm.xlane v43, v1  }
0x1ef: {  	v50 =	vperm.xlane v46, v2;
	v51 =	vshrl.u32 v45, $0x1;
	v45 =	vmul.f32 $5.000000000e-01, v45  }
0x1f0: {  	v51 =	vsub.s32 $0x5F3759DF, v51;
	v43 =	vadd.f32 v43, v47;
	v47 =	vperm.xlane v42, v1  }
0x1f1: {  	v44 =	vadd.f32 v44, v49;
	v49 =	vadd.f32 v55, v52;
	v52 =	vmul.f32 v51, v45  }
0x1f2: {  	v53 =	vperm.xlane v29, v2;
	v54 =	vperm.xlane v43, v2;
	v42 =	vadd.f32 v47, v42  }
0x1f3: {  	v46 =	vadd.f32 v46, v50;
	v47 =	vperm.xlane v49, v2;
	v50 =	vmul.f32 v51, v52  }
0x1f4: {  	v52 =	vperm.xlane v44, v3;
	v43 =	vadd.f32 v43, v54;
	v54 =	vperm.xlane v42, v2  }
0x1f5: {  	v29 =	vadd.f32 v53, v29;
	v53 =	vperm.xlane v46, v3;
	v50 =	vsub.f32 $1.500000000e+00, v50  }
0x1f6: {  	v47 =	vadd.f32 v47, v49;
	v49 =	vperm.xlane v43, v3;
	v42 =	vadd.f32 v54, v42  }
0x1f7: {  	v44 =	vadd.f32 v44, v52;
	v52 =	vperm.xlane v29, v3;
	v50 =	vmul.f32 v51, v50  }
0x1f8: {  	v46 =	vadd.f32 v46, v53;
	v51 =	vperm.xlane v47, v3;
	v43 =	vadd.f32 v43, v49  }
0x1f9: {  	v29 =	vadd.f32 v52, v29;
	v49 =	vperm.xlane v42, v3;
	v45 =	vmul.f32 v50, v45  }
0x1fa: {  	v53 =	vperm.xlane v46, v4;
	v52 =	vperm.xlane v44, v4;
	v47 =	vadd.f32 v51, v47  }
0x1fb: {  	v51 =	vperm.xlane v43, v4;
	v49 =	vadd.f32 v49, v42;
	v42 =	vmul.f32 v45, v50  }
0x1fc: {  	v46 =	vadd.f32 v46, v53;
	v44 =	vadd.f32 v44, v52;
	v45 =	vperm.xlane v29, v4  }
0x1fd: {  	v52 =	vperm.xlane v47, v4;
	v51 =	vadd.f32 v43, v51;
	v53 =	vsub.f32 $1.500000000e+00, v42  }
0x1fe: {  	v43 =	vmul.f32 $1.562500000e-02, v44;
	v29 =	vadd.f32 v45, v29;
	v44 =	vperm.xlane v49, v4  }
0x1ff: {  	v42 =	vmul.f32 $1.562500000e-02, v46;
	v45 =	vadd.f32 v52, v47;
	v46 =	vmul.f32 v53, v50  }
0x200: {  	v47 =	vmul.f32 $1.562500000e-02, v29;
	v29 =	vmul.f32 $1.562500000e-02, v51;
	v44 =	vadd.f32 v44, v49  }
0x201: {  	v37 =	vadd.f32 v37, v9;
	v48 =	vmul.f32 v46, v48;
	v39 =	vmul.f32 v46, v39  }
0x202: {  	v38 =	vadd.f32 v38, v10;
	v49 =	vmul.f32 v43, v43;
	v45 =	vmul.f32 $1.562500000e-02, v45  }
0x203: {  	v50 =	vmul.f32 v42, v42;
	v44 =	vmul.f32 $1.562500000e-02, v44;
	v39 =	vsub.f32 v39, v48;
	[tilespmem:s0+$0x12C00] =	vst v37  }
0x204: {  	v34 =	vmul.f32 v46, v34;
	v37 =	vsub.f32 v47, v49;
	v47 =	vmul.f32 v29, v29;
	[tilespmem:s0+$0x12C10] =	vst v38  }
0x205: {  	v33 =	vmul.f32 v46, v33;
	v38 =	vsub.f32 v45, v50;
	v39 =	vmul.f32 v39, v8  }
0x206: {  	v32 =	vmul.f32 v46, v32;
	v37 =	vadd.f32 $9.999999740e-06, v37;
	v44 =	vsub.f32 v44, v47  }
0x207: {  	v30 =	vmul.f32 v30, v6;
	v38 =	vadd.f32 $9.999999740e-06, v38;
	v39 =	vadd.f32 v39, v12  }
0x208: {  	v45 =	vshrl.u32 v37, $0x1;
	v37 =	vmul.f32 $5.000000000e-01, v37;
	v44 =	vadd.f32 $9.999999740e-06, v44  }
0x209: {  	v45 =	vsub.s32 $0x5F3759DF, v45;
	v46 =	vshrl.u32 v38, $0x1;
	v38 =	vmul.f32 $5.000000000e-01, v38;
	[tilespmem:s12+$0x12CF0] =	vst v39  }
0x20a: {  	v39 =	vsub.s32 $0x5F3759DF, v46;
	v46 =	vshrl.u32 v44, $0x1;
	v44 =	vmul.f32 $5.000000000e-01, v44  }
0x20b: {  	v47 =	vmul.f32 v45, v37;
	v49 =	vmul.f32 v39, v38;
	v46 =	vsub.s32 $0x5F3759DF, v46  }
0x20c: {  	v34 =	vsub.f32 v34, v48;
	v33 =	vsub.f32 v33, v48;
	v50 =	vmul.f32 v46, v44  }
0x20d: {  	v32 =	vsub.f32 v32, v48;
	v47 =	vmul.f32 v45, v47;
	v49 =	vmul.f32 v39, v49  }
0x20e: {  	v27 =	vadd.f32 v27, v11;
	v25 =	vmul.f32 v25, v7;
	v48 =	vmul.f32 v46, v50  }
0x20f: {  	v26 =	vmul.f32 v26, v8;
	v47 =	vsub.f32 $1.500000000e+00, v47;
	v49 =	vsub.f32 $1.500000000e+00, v49  }
0x210: {  	v48 =	vsub.f32 $1.500000000e+00, v48;
	[tilespmem:s0+$0x12C20] =	vst v27;
	v27 =	vmul.f32 v31, v5;
	v31 =	vmul.f32 v35, v6  }
0x211: {  	v28 =	vadd.f32 v28, v12;
	v35 =	vmul.f32 v45, v47;
	v39 =	vmul.f32 v39, v49  }
0x212: {  	v36 =	vmul.f32 v36, v7;
	v41 =	vadd.f32 v41, v9;
	v45 =	vmul.f32 v46, v48  }
0x213: {  	v37 =	vmul.f32 v35, v37;
	v38 =	vmul.f32 v39, v38;
	[tilespmem:s0+$0x12C30] =	vst v28;
	v28 =	vadd.f32 v30, v10  }
0x214: {  	v25 =	vadd.f32 v25, v11;
	v40 =	vmul.f32 v40, v8;
	v30 =	vmul.f32 v45, v44;
	[tilespmem:s0+$0x12C40] =	vst v41  }
0x215: {  	v26 =	vadd.f32 v26, v12;
	v37 =	vmul.f32 v37, v35;
	v38 =	vmul.f32 v38, v39;
	[tilespmem:s0+$0x12C50] =	vst v28  }
0x216: {  	v28 =	vmul.f32 v30, v45;
	v30 =	vmul.f32 v34, v5;
	[tilespmem:s0+$0x12C60] =	vst v25;
	v25 =	vadd.f32 v27, v9  }
0x217: {  	s14 =	sshra.s32 s17, $0x2;
	v27 =	vsub.f32 $1.500000000e+00, v37;
	v34 =	vsub.f32 $1.500000000e+00, v38;
	v37 =	vmul.f32 v33, v6;
	[tilespmem:s0+$0x12C70] =	vst v26  }
0x218: {  	v38 =	vmul.f32 v32, v7;
	v33 =	vsub.f32 $1.500000000e+00, v28;
	v26 =	vld [tilespmem:s14+$0xC8C0];
	[tilespmem:s0+$0x12C80] =	vst v25;
	v25 =	vadd.f32 v31, v10  }
0x219: {  	v27 =	vmul.f32 v27, v35;
	v39 =	vmul.f32 v34, v39;
	v34 =	vadd.f32 v36, v11;
	v28 =	vld [tilespmem:s14+$0xFAC0]  }
0x21a: {  	v41 =	vadd.f32 v30, v9;
	v32 =	vmul.f32 v33, v45;
	v31 =	vld [tilespmem:s14+$0xC8D0];
	[tilespmem:s0+$0x12C90] =	vst v25;
	v25 =	vadd.f32 v40, v12  }
.Ltmp2:
0x21b: {  	v37 =	vadd.f32 v37, v10;
	v30 =	vmul.f32 v27, v43;
	v17 =	vmul.f32 v27, v17;
	v33 =	vld [tilespmem:s14+$0xFAD0];
	[tilespmem:s0+$0x12CA0] =	vst v34;
	(pc) =	sbr.rel @p0 .LBB2_7-.Ltmp2, $4  }
0x21c: {  	v45 =	vadd.f32 v38, v11;
	v40 =	vmul.f32 v27, v18;
	v44 =	vmul.f32 v27, v19;
	v35 =	vld [tilespmem:s14+$0xC8E0];
	[tilespmem:s0+$0x12CB0] =	vst v25;
	s0 =	smov.u32 s12;
	s12 =	smov.u32 s14  }
0x21d: {  	v34 =	vmul.f32 v27, v20;
	v36 =	vsub.f32 v17, v30;
	v17 =	vmul.f32 v39, v42;
	v38 =	vld [tilespmem:s12+$0xFAE0];
	[tilespmem:s0+$0x12CC0] =	vst v41  }
0x21e: {  	v21 =	vmul.f32 v39, v21;
	v19 =	vmul.f32 v39, v22;
	v42 =	vsub.f32 v40, v30;
	v18 =	vld [tilespmem:s12+$0xC8F0];
	[tilespmem:s0+$0x12CD0] =	vst v37  }
0x21f: {  	s17 =	sadd.s32 $0x400, s17;
	v23 =	vmul.f32 v39, v23;
	v22 =	vmul.f32 v39, v24;
	v20 =	vsub.f32 v44, v30;
	v43 =	vld [tilespmem:s12+$0xFAF0];
	[tilespmem:s0+$0x12CE0] =	vst v45  }
0x220: {  	v24 =	vld [tilespmem:s12+$0xC800]  }
0x221: {  	v27 =	vsub.f32 v34, v30;
	v40 =	vmul.f32 v32, v13;
	v13 =	vld [tilespmem:s12+$0xFA00]  }
0x222: {  	v34 =	vmul.f32 v32, v29;
	v41 =	vsub.f32 v21, v17;
	v44 =	vmul.f32 v32, v14;
	v14 =	vld [tilespmem:s12+$0xC810]  }
0x223: {  	v45 =	vmul.f32 v32, v15;
	v21 =	vsub.f32 v19, v17;
	v39 =	vmul.f32 v32, v16;
	v15 =	vld [tilespmem:s12+$0xFA10]  }
0x224: {  	v32 =	vadd.f32 v28, v26;
	v29 =	vadd.f32 v33, v31;
	v36 =	vmul.f32 v36, v5;
	v48 =	vld [tilespmem:s12+$0xC820]  }
0x225: {  	v37 =	vmul.f32 v42, v6;
	v49 =	vld [tilespmem:s12+$0xFA20];
	v19 =	vsub.f32 v23, v17;
	v23 =	vsub.f32 v22, v17  }
0x226: {  	v50 =	vld [tilespmem:s12+$0xC830];
	v25 =	vmul.f32 v20, v7;
	v30 =	vadd.f32 v38, v35;
	v26 =	vadd.f32 v29, v32  }
0x227: {  	v52 =	vld [tilespmem:s12+$0xFA30];
	v28 =	vmul.f32 v32, v32;
	v33 =	vsub.f32 v44, v34;
	v35 =	vsub.f32 v45, v34  }
0x228: {  	v55 =	vld [tilespmem:s12+$0xC840];
	v31 =	vmul.f32 v29, v29;
	v36 =	vadd.f32 v36, v9;
	v37 =	vadd.f32 v37, v10  }
0x229: {  	v60 =	vld [tilespmem:s12+$0xFA40];
	v41 =	vmul.f32 v41, v5;
	v25 =	vadd.f32 v25, v11;
	v38 =	vadd.f32 v43, v18  }
0x22a: {  	v21 =	vmul.f32 v21, v6;
	v28 =	vadd.f32 v31, v28;
	v31 =	vsub.f32 v40, v34  }
0x22b: {  	v19 =	vmul.f32 v19, v7;
	v34 =	vsub.f32 v39, v34;
	v13 =	vadd.f32 v13, v24  }
0x22c: {  	v57 =	vld [tilespmem:s12+$0xC850];
	v53 =	vmul.f32 v30, v30;
	v14 =	vadd.f32 v15, v14;
	v15 =	vadd.f32 v49, v48  }
0x22d: {  	v46 =	vld [tilespmem:s12+$0xFA50];
	v16 =	vadd.f32 v52, v50;
	v51 =	vadd.f32 v38, v30;
	v54 =	vmul.f32 v38, v38  }
0x22e: {  	v47 =	vld [tilespmem:s12+$0xFA60];
	v17 =	vadd.f32 v60, v55;
	v59 =	vmul.f32 v13, v13;
	v63 =	vmul.f32 v15, v15  }
0x22f: {  	v52 =	vld [tilespmem:s12+$0xC860];
	v48 =	vmul.f32 v16, v16;
	v22 =	vadd.f32 v51, v26;
	v61 =	vadd.f32 v54, v53  }
0x230: {  	v55 =	vld [tilespmem:s12+$0xC870];
	v62 =	vadd.f32 v14, v13;
	v56 =	vmul.f32 v14, v14;
	v54 =	vadd.f32 v16, v15  }
0x231: {  	v26 =	vadd.f32 v48, v63;
	v63 =	vld [tilespmem:s12+$0xFA80];
	v28 =	vadd.f32 v61, v28;
	v58 =	vperm.xlane v22, v1  }
0x232: {  	v40 =	vmul.f32 v27, v8;
	v41 =	vadd.f32 v41, v9;
	v44 =	vadd.f32 v54, v62;
	v62 =	vld [tilespmem:s12+$0xC880]  }
0x233: {  	v49 =	vld [tilespmem:s12+$0xFA70];
	v59 =	vadd.f32 v56, v59;
	v22 =	vadd.f32 v22, v58;
	v53 =	vperm.xlane v28, v1  }
0x234: {  	v21 =	vadd.f32 v21, v10;
	v18 =	vadd.f32 v46, v57;
	v50 =	vld [tilespmem:s12+$0xC890];
	v61 =	vmul.f32 v17, v17  }
0x235: {  	v51 =	vadd.f32 v26, v59;
	v26 =	vld [tilespmem:s12+$0xFA90];
	v60 =	vperm.xlane v22, v2;
	v28 =	vadd.f32 v53, v28  }
0x236: {  	v20 =	vadd.f32 v47, v52;
	v47 =	vadd.f32 v18, v17;
	v52 =	vld [tilespmem:s12+$0xFAA0];
	v58 =	vmul.f32 v18, v18  }
0x237: {  	v24 =	vadd.f32 v63, v62;
	v62 =	vld [tilespmem:s12+$0xC8B0];
	v56 =	vadd.f32 v22, v60;
	v57 =	vperm.xlane v28, v2  }
0x238: {  	v42 =	vadd.f32 v58, v61;
	v61 =	vperm.xlane v44, v1;
	v63 =	vld [tilespmem:s12+$0xFAB0];
	v22 =	vadd.f32 v49, v55  }
0x239: {  	v60 =	vmul.f32 v20, v20;
	v49 =	vld [tilespmem:s12+$0xC8A0];
	v59 =	vperm.xlane v56, v3;
	v28 =	vadd.f32 v57, v28  }
0x23a: {  	v27 =	vadd.f32 v26, v50;
	v54 =	vadd.f32 v22, v20;
	v55 =	vmul.f32 v22, v22  }
0x23b: {  	v44 =	vadd.f32 v44, v61;
	v48 =	vadd.f32 v56, v59;
	v53 =	vperm.xlane v28, v3  }
0x23c: {  	v61 =	vmul.f32 v27, v27;
	v47 =	vadd.f32 v54, v47;
	v57 =	vadd.f32 v55, v60  }
0x23d: {  	v60 =	vmul.f32 v24, v24;
	v26 =	vadd.f32 v63, v62;
	v53 =	vadd.f32 v53, v28  }
0x23e: {  	v56 =	vperm.xlane v48, v4;
	v28 =	vadd.f32 v52, v49;
	v49 =	vadd.f32 v27, v24  }
0x23f: {  	v23 =	vmul.f32 v23, v8;
	v42 =	vadd.f32 v57, v42;
	v46 =	vadd.f32 v61, v60  }
0x240: {  	v63 =	vperm.xlane v47, v1;
	v61 =	vperm.xlane v44, v2;
	v58 =	vadd.f32 v48, v56  }
0x241: {  	v59 =	vperm.xlane v53, v4;
	v45 =	vmul.f32 v28, v28;
	v57 =	vadd.f32 v26, v28  }
0x242: {  	v60 =	vperm.xlane v42, v1;
	v47 =	vadd.f32 v47, v63;
	v44 =	vadd.f32 v44, v61  }
0x243: {  	v43 =	vmul.f32 $1.562500000e-02, v58;
	v48 =	vadd.f32 v59, v53;
	v58 =	vmul.f32 v26, v26  }
0x244: {  	v59 =	vperm.xlane v51, v1;
	v49 =	vadd.f32 v57, v49;
	v52 =	vperm.xlane v47, v2  }
0x245: {  	v42 =	vadd.f32 v60, v42;
	v48 =	vmul.f32 $1.562500000e-02, v48;
	v62 =	vmul.f32 v43, v43  }
0x246: {  	v33 =	vmul.f32 v33, v6;
	v45 =	vadd.f32 v58, v45;
	v51 =	vadd.f32 v59, v51  }
0x247: {  	v35 =	vmul.f32 v35, v7;
	v47 =	vadd.f32 v47, v52;
	v48 =	vsub.f32 v48, v62  }
0x248: {  	v61 =	vperm.xlane v42, v2;
	v45 =	vadd.f32 v45, v46;
	v62 =	vperm.xlane v49, v1  }
0x249: {  	v59 =	vperm.xlane v51, v2;
	v56 =	vperm.xlane v47, v3;
	v48 =	vadd.f32 $9.999999740e-06, v48  }
0x24a: {  	v42 =	vadd.f32 v61, v42;
	v46 =	vadd.f32 v49, v62;
	v57 =	vperm.xlane v45, v1  }
0x24b: {  	v62 =	vperm.xlane v44, v3;
	v51 =	vadd.f32 v59, v51;
	v63 =	vshrl.u32 v48, $0x1  }
0x24c: {  	v48 =	vmul.f32 $5.000000000e-01, v48;
	v60 =	vperm.xlane v46, v2;
	v45 =	vadd.f32 v57, v45  }
0x24d: {  	v59 =	vperm.xlane v42, v3;
	v44 =	vadd.f32 v44, v62;
	v54 =	vsub.s32 $0x5F3759DF, v63  }
0x24e: {  	v58 =	vmul.f32 v54, v48;
	v46 =	vadd.f32 v46, v60;
	v63 =	vperm.xlane v45, v2  }
0x24f: {  	v47 =	vadd.f32 v47, v56;
	v42 =	vadd.f32 v59, v42;
	v62 =	vperm.xlane v44, v4  }
0x250: {  	v50 =	vmul.f32 v54, v58;
	v57 =	vperm.xlane v46, v3;
	v45 =	vadd.f32 v63, v45  }
0x251: {  	v58 =	vperm.xlane v51, v3;
	v63 =	vperm.xlane v47, v4;
	v44 =	vadd.f32 v44, v62  }
0x252: {  	v59 =	vperm.xlane v42, v4;
	v50 =	vsub.f32 $1.500000000e+00, v50;
	v46 =	vadd.f32 v46, v57  }
0x253: {  	v60 =	vadd.f32 v58, v51;
	v61 =	vperm.xlane v45, v3;
	v47 =	vadd.f32 v47, v63  }
0x254: {  	v42 =	vadd.f32 v59, v42;
	v50 =	vmul.f32 v54, v50;
	v57 =	vperm.xlane v46, v4  }
0x255: {  	v45 =	vadd.f32 v61, v45;
	v58 =	vperm.xlane v60, v4;
	v39 =	vmul.f32 $1.562500000e-02, v47  }
0x256: {  	v42 =	vmul.f32 $1.562500000e-02, v42;
	v48 =	vmul.f32 v50, v48;
	v46 =	vadd.f32 v46, v57  }
0x257: {  	v49 =	vadd.f32 v58, v60;
	v60 =	vperm.xlane v45, v4;
	v52 =	vmul.f32 v39, v39  }
0x258: {  	v19 =	vadd.f32 v19, v11;
	v44 =	vmul.f32 $1.562500000e-02, v44;
	v48 =	vmul.f32 v48, v50  }
0x259: {  	v46 =	vmul.f32 $1.562500000e-02, v46;
	v45 =	vadd.f32 v60, v45;
	v42 =	vsub.f32 v42, v52  }
0x25a: {  	v63 =	vmul.f32 v44, v44;
	v62 =	vmul.f32 $1.562500000e-02, v49;
	v48 =	vsub.f32 $1.500000000e+00, v48  }
0x25b: {  	v45 =	vmul.f32 $1.562500000e-02, v45;
	v53 =	vmul.f32 v46, v46;
	v42 =	vadd.f32 $9.999999740e-06, v42  }
0x25c: {  	v31 =	vmul.f32 v31, v5;
	v61 =	vmul.f32 v48, v50;
	v48 =	vsub.f32 v62, v63  }
0x25d: {  	v45 =	vsub.f32 v45, v53;
	v55 =	vshrl.u32 v42, $0x1;
	v42 =	vmul.f32 $5.000000000e-01, v42  }
0x25e: {  	v49 =	vsub.s32 $0x5F3759DF, v55;
	v43 =	vmul.f32 v61, v43;
	v48 =	vadd.f32 $9.999999740e-06, v48  }
0x25f: {  	v23 =	vadd.f32 v23, v12;
	v38 =	vmul.f32 v61, v38;
	v58 =	vmul.f32 v49, v42  }
0x260: {  	v45 =	vadd.f32 $9.999999740e-06, v45;
	v54 =	vshrl.u32 v48, $0x1;
	v48 =	vmul.f32 $5.000000000e-01, v48  }
0x261: {  	v32 =	vmul.f32 v61, v32;
	v52 =	vmul.f32 v49, v58;
	v47 =	vsub.s32 $0x5F3759DF, v54  }
0x262: {  	v56 =	vshrl.u32 v45, $0x1;
	v45 =	vmul.f32 $5.000000000e-01, v45;
	v57 =	vmul.f32 v47, v48  }
0x263: {  	v29 =	vmul.f32 v61, v29;
	v50 =	vsub.s32 $0x5F3759DF, v56;
	v52 =	vsub.f32 $1.500000000e+00, v52  }
0x264: {  	v40 =	vadd.f32 v40, v12;
	v59 =	vmul.f32 v50, v45;
	v51 =	vmul.f32 v47, v57  }
0x265: {  	v30 =	vmul.f32 v61, v30;
	v38 =	vsub.f32 v38, v43;
	v49 =	vmul.f32 v49, v52  }
0x266: {  	v32 =	vsub.f32 v32, v43;
	v60 =	vmul.f32 v50, v59;
	v51 =	vsub.f32 $1.500000000e+00, v51  }
0x267: {  	v29 =	vsub.f32 v29, v43;
	v30 =	vsub.f32 v30, v43;
	v42 =	vmul.f32 v49, v42  }
0x268: {  	v38 =	vmul.f32 v38, v8;
	v43 =	vsub.f32 $1.500000000e+00, v60;
	v47 =	vmul.f32 v47, v51  }
0x269: {  	v34 =	vmul.f32 v34, v8;
	v33 =	vadd.f32 v33, v10;
	v42 =	vmul.f32 v42, v49  }
0x26a: {  	[tilespmem:s0+$0x12C00] =	vst v36;
	v38 =	vadd.f32 v38, v12;
	v43 =	vmul.f32 v50, v43;
	v48 =	vmul.f32 v47, v48  }
0x26b: {  	v35 =	vadd.f32 v35, v11;
	[tilespmem:s0+$0x12C10] =	vst v37;
	v32 =	vmul.f32 v32, v5;
	v63 =	vsub.f32 $1.500000000e+00, v42  }
0x26c: {  	v31 =	vadd.f32 v31, v9;
	[tilespmem:s12+$0x12CF0] =	vst v38;
	v45 =	vmul.f32 v43, v45;
	v61 =	vmul.f32 v48, v47  }
0x26d: {  	v30 =	vmul.f32 v30, v7;
	v32 =	vadd.f32 v32, v9;
	[tilespmem:s0+$0x12C20] =	vst v25;
	v48 =	vmul.f32 v63, v49  }
0x26e: {  	[tilespmem:s0+$0x12C30] =	vst v40;
	v42 =	vmul.f32 v29, v6;
	v62 =	vmul.f32 v45, v43;
	v36 =	vsub.f32 $1.500000000e+00, v61  }
0x26f: {  	v52 =	vadd.f32 v30, v11;
	[tilespmem:s0+$0x12C40] =	vst v41;
	v53 =	vmul.f32 v48, v39;
	v17 =	vmul.f32 v48, v17  }
0x270: {  	[tilespmem:s0+$0x12C50] =	vst v21;
	v49 =	vadd.f32 v34, v12;
	v18 =	vmul.f32 v48, v18;
	v36 =	vmul.f32 v36, v47  }
0x271: {  	[tilespmem:s0+$0x12C60] =	vst v19;
	v45 =	vsub.f32 $1.500000000e+00, v62;
	v20 =	vmul.f32 v48, v20;
	v22 =	vmul.f32 v48, v22  }
0x272: {  	[tilespmem:s0+$0x12C70] =	vst v23;
	v51 =	vadd.f32 v42, v10;
	v50 =	vmul.f32 v36, v44;
	v13 =	vmul.f32 v36, v13  }
0x273: {  	[tilespmem:s0+$0x12C80] =	vst v31;
	v29 =	vmul.f32 v45, v43;
	v17 =	vsub.f32 v17, v53;
	v14 =	vmul.f32 v36, v14  }
0x274: {  	[tilespmem:s0+$0x12C90] =	vst v33;
	v18 =	vsub.f32 v18, v53;
	v15 =	vmul.f32 v36, v15;
	v13 =	vsub.f32 v13, v50  }
0x275: {  	[tilespmem:s0+$0x12CA0] =	vst v35;
	v57 =	vsub.f32 v20, v53;
	v16 =	vmul.f32 v36, v16;
	v14 =	vsub.f32 v14, v50  }
0x276: {  	[tilespmem:s0+$0x12CB0] =	vst v49;
	v54 =	vmul.f32 v29, v46;
	v15 =	vsub.f32 v15, v50;
	v13 =	vmul.f32 v13, v5  }
0x277: {  	[tilespmem:s12+$0x12CC0] =	vst v32;
	v24 =	vmul.f32 v29, v24;
	v16 =	vsub.f32 v16, v50;
	v14 =	vmul.f32 v14, v6  }
0x278: {  	[tilespmem:s12+$0x12CD0] =	vst v51;
	v55 =	vmul.f32 v29, v27;
	v15 =	vmul.f32 v15, v7;
	v13 =	vadd.f32 v13, v9  }
0x279: {  	[tilespmem:s12+$0x12CE0] =	vst v52;
	v56 =	vmul.f32 v29, v28;
	v16 =	vmul.f32 v16, v8;
	v14 =	vadd.f32 v14, v10  }
0x27a: {  	v58 =	vmul.f32 v29, v26;
	v17 =	vmul.f32 v17, v5;
	[tilespmem:s12+$0x12C00] =	vst v13;
	v13 =	vadd.f32 v15, v11  }
0x27b: {  	v16 =	vadd.f32 v16, v12;
	v15 =	vsub.f32 v22, v53;
	[tilespmem:s12+$0x12C10] =	vst v14;
	v14 =	vmul.f32 v18, v6  }
0x27c: {  	v19 =	vmul.f32 v57, v7;
	v59 =	vsub.f32 v24, v54;
	[tilespmem:s12+$0x12C20] =	vst v13;
	v13 =	vadd.f32 v17, v9  }
0x27d: {  	v60 =	vsub.f32 v55, v54;
	[tilespmem:s12+$0x12C30] =	vst v16;
	v15 =	vmul.f32 v15, v8;
	v14 =	vadd.f32 v14, v10  }
0x27e: {  	v61 =	vsub.f32 v56, v54;
	v18 =	vmul.f32 v59, v5;
	[tilespmem:s12+$0x12C40] =	vst v13;
	v13 =	vadd.f32 v19, v11  }
0x27f: {  	v62 =	vsub.f32 v58, v54;
	v17 =	vmul.f32 v60, v6;
	[tilespmem:s12+$0x12C50] =	vst v14;
	v14 =	vadd.f32 v15, v12  }
0x280: {  	s30 =	sadd.s32 $0x1, s30;
	v15 =	vmul.f32 v61, v7;
	[tilespmem:s12+$0x12C60] =	vst v13;
	v13 =	vadd.f32 v18, v9  }
0x281: {  	p0 =	sne.s32 s30, $0x10;
	v63 =	vmul.f32 v62, v8;
	[tilespmem:s12+$0x12C70] =	vst v14;
	v14 =	vadd.f32 v17, v10  }
.Ltmp3:
0x282: {  	[tilespmem:s12+$0x12C80] =	vst v13;
	v13 =	vadd.f32 v15, v11;
	(pc) =	sbr.rel @p0 .LBB2_4-.Ltmp3, $4  }
0x283: {  	[tilespmem:s12+$0x12C90] =	vst v14;
	v14 =	vadd.f32 v63, v12  }
0x284: {  	[tilespmem:s12+$0x12CA0] =	vst v13  }
0x285: {  	s31 =	sadd.s32 s1, s2;
	[tilespmem:s12+$0x12CB0] =	vst v14  }
0x286: {  	[hbm4b:s31+s4] =	stream.linear.scatter [tilespmem:s23], [sflag:$0x6], $0x3200, $0x38;
	[tilespmem:$0x15E80] =	vst v63  }
0x287: {  	_ =	swait.ge [sflag:s24], $0x3200  }
0x288: {  	[sflag:s24] =	ssyncset.done $0x0  }
0x289: {  	[sflag:s24] =	ssyncadd.s32 $0xFFFFCE00  }
0x28a: {  	_ =	swait.ge [sflag:s25], $0x3200  }
0x28b: {  	[sflag:s25] =	ssyncset.done $0x0  }
0x28c: {  	s29 =	sadd.s32 $0x1, s29;
	[sflag:s25] =	ssyncadd.s32 $0xFFFFCE00  }
0x28d: {  	p0 =	sne.s32 s29, s11;
	_ =	swait.ge [sflag:s26], $0x3200  }
.Ltmp4:
0x28e: {  	[sflag:s26] =	ssyncset.done $0x0;
	(pc) =	sbr.rel @p0 .LBB2_1-.Ltmp4, $4  }
0x28f: {  	[sflag:s26] =	ssyncadd.s32 $0xFFFFCE00  }
0x290: {  	_ =	swait.ge [sflag:s28], $0x3200  }
0x291: {  	[sflag:s28] =	ssyncset.done $0x0  }
0x292: {  	s12 =	simm.s32 $0x1900;
	[sflag:s28] =	ssyncadd.s32 $0xFFFFCE00  }
0x293: {  	_ =	sfence.sel $0x180000  }
0x294: {  	[bflag:$0x0] =	sbarrier.arrive $0xFFFF  }
0x295: {  	_ =	strace $0x90000047  }
0x296: {  	s0 =	stileid.u32;
	[bflag:$0x2] =	sbarrier.arrive $0xFFFF  }
0x297: {  	p0 =	sne.s32 s0, $0x0;
	s0 =	rddreg [dreg:$0x3]  }
0x298: {  	s0 =	sadd.s32 @!p0 $0x100000, s0  }
0x299: {  	[sflag:s0] =	ssyncadd.tile.s32 @!p0 $0x1;
	_ =	shalt  }
.Lfunc_end2:
_tile_overlayer_lowered:
.L_overlay_start_2:
0x29a: {  	(tag) =	ssettag $0x2  }
0x29b: {  	s0 =	rddreg [dreg:$0x0];
	s2 =	stileid.u32  }
0x29c: {  	s1 =	rddreg [dreg:$0x1];
	p0 =	sne.s32 s2, $0x0  }
0x29d: {  	s3 =	rddreg [dreg:$0x2];
	[bflag:$0x3] =	sbarrier.arrive $0xFFFF;
	s2 =	simm.s32 @!p0 $0x1C07  }
0x29e: {  	[timem:s3], [sflag:s2] =	dma.local @!p0 [hbm:s0], s1  }
0x29f: {  	s0 =	simm.s32 @!p0 $0x7  }
0x2a0: {  	_ =	swait.ge @!p0 [sflag:s0], s1  }
0x2a1: {  	s1 =	ssub.s32 @!p0 $0x0, s1;
	[sflag:s0] =	ssyncset.done @!p0 $0x0  }
0x2a2: {  	[sflag:s0] =	ssyncadd.s32 @!p0 s1  }
0x2a3: {  	[bflag:$0x3] =	sbarrier.arrive $0xFFFF  }
0x2a4: {  	_ =	shalt  }

// kernel: sparse-core-data-format-call.1.cloned.1.call-start
scs
called_computation.1_lowered:
.L_overlay_start_0:
0x0: {  	s2 =	sld [smem:$0x3FD9]  }
0x1: {  	s3 =	sld [smem:$0x3FFE];
	_ =	sdelay $0x1  }
0x2: {  	s1 =	srdreg.scid  }
0x3: {  	s0 =	sand.u32 $0x1, s1  }
0x4: {  	s15 =	sshll.u32 s0, $0xA;
	s2 =	sadd.s32 s3, s2  }
0x5: {  	s2 =	sadd.s32 s2, s15  }
0x6: {  	[smem:$0x3FC2] =	sst s2  }
0x7: {  	_ = 	snop  }
0x8: {  	s2 =	sld [smem:$0x3FD0];
	_ =	sdelay $0x2  }
0x9: {  	s16 =	simm.s32 $0xB;
	s4 =	simm.s32 $0x10  }
0xa: {  	[smem:s4], [sflag:s16] =	dma.local [hbm:s2], $0x1  }
0xb: {  	_ =	swait.eq [sflag:s16], $0x1  }
0xc: {  	[sflag:s16] =	ssyncset.done $0x0  }
0xd: {  	[sflag:s16] =	ssyncadd.s32 $0xFFFFFFFF  }
0xe: {  	s17 =	sld [smem:$0x10];
	(tm) =	ssettm $0x1  }
0xf: {  	s18 =	sld [smem:$0x3FFB];
	_ =	sdelay $0x3  }
0x10: {  	_ =	strace s18  }
0x11: {  	s3 =	sld [smem:$0x3FFC];
	_ =	sdelay $0x3  }
0x12: {  	_ =	strace s3  }
0x13: {  	s3 =	sld [smem:$0x3FFD];
	_ =	sdelay $0x3  }
0x14: {  	_ =	strace s3  }
0x15: {  	_ =	strace $0x8FFFFFFF  }
0x16: {  	s19 =	sld [smem:$0x3FDB];
	_ =	sdelay $0x1  }
0x17: {  	s20 =	simm.s32 $_scs_section_size  }
0x18: {  	s5 =	simm.s32 $_size__tile_overlayer_lowered;
	s6 =	simm.s32 $_tile_overlayer_lowered  }
0x19: {  	s23 =	simm.s32 $0x1BFF;
	s22 =	sshll.u32 s6, $0x1;
	s3 =	sadd.s32 s20, s19  }
0x1a: {  	s7 =	simm.s32 $0x0;
	s21 =	sshll.u32 s5, $0x1;
	s5 =	sadd.s32 s22, s3  }
0x1b: {  	[timem:s7], [sflag:s23] =	dma.local [hbm:s5], s21  }
0x1c: {  	_ =	swait.ge [sflag:s23], s21  }
0x1d: {  	s4 =	ssub.s32 $0x0, s21;
	[sflag:s23] =	ssyncset.done $0x0  }
0x1e: {  	[sflag:s23] =	ssyncadd.s32 s4;
	_ =	sdelay $0x1  }
0x1f: {  	s24 =	simm.s32 $0x1B8B  }
0x20: {  	_ =	swait.ge [sflag:s24], $0x1  }
0x21: {  	[sflag:s24] =	ssyncset.done $0x0  }
0x22: {  	s26 =	simm.s32 $0x1B8E;
	s25 =	sld [smem:$0x3FFE];
	[sflag:s24] =	ssyncadd.s32 $0xFFFFFFFF  }
0x23: {  	s27 =	simm.s32 $execute0_lowered;
	[smem:$0x3FD2] =	sst s26  }
0x24: {  	s5 =	sshll.u32 s27, $0x1;
	_ =	strace $0x80000049;
	[dreg:$0x1] =	wrdreg $0xFFFFFFFF  }
0x25: {  	s28 =	simm.s32 $_size_execute0_lowered;
	s3 =	sadd.s32 s3, s5;
	[dreg:$0x0] =	wrdreg $0x0  }
0x26: {  	s5 =	sshll.u32 s28, $0x1;
	[dreg:$0x2] =	wrdreg s3  }
0x27: {  	[dreg:$0x3] =	wrdreg s5  }
0x28: {  	[dreg:$0x4] =	wrdreg $0xC0  }
0x29: {  	_ =	task [dreg:s7], $0x5FFFF  }
0x2a: {  	[dreg:$0x1] =	wrdreg $0xFFFFFFFF  }
0x2b: {  	[dreg:$0x0] =	wrdreg $0x60  }
0x2c: {  	[dreg:$0x2] =	wrdreg s25  }
0x2d: {  	[dreg:$0x3] =	wrdreg s17  }
0x2e: {  	[dreg:$0x4] =	wrdreg $0xA  }
0x2f: {  	_ =	task.clear_ibuf [dreg:s7], $0x5FFFF;
	_ =	strace $0x90000049  }
0x30: {  	s29 =	simm.s32 $0xA;
	_ =	strace $0x8000004B  }
0x31: {  	_ =	swait.ge [sflag:s29], $0x1  }
0x32: {  	[sflag:s29] =	ssyncadd.s32 $0xFFFFFFFF  }
0x33: {  	_ =	strace $0x9000004B  }
0x34: {  	_ =	sfence  }
0x35: {  	s30 =	sld [smem:$0x0];
	_ =	sdelay $0x2  }
0x36: {  	s31 =	sshll.u32 s1, $0xD;
	s1 =	sshrl.u32 s1, $0x2  }
0x37: {  	s3 =	sand.u32 $0x4000, s31;
	s1 =	sadd.s32 s1, s30  }
0x38: {  	s0 =	sor.u32 s3, s0;
	s1 =	sshll.u32 s1, $0x11  }
0x39: {  	s0 =	sor.u32 s1, s0  }
0x3a: {  	s0 =	sadd.s32 $0x8F2B, s0  }
0x3b: {  	[sflag:s0] =	ssyncadd.remote.s32 $0x1  }
0x3c: {  	_ =	sfence.sel $0xFFFF  }
0x3d: {  	[dreg:$0x0] =	wrdreg $0xFFFFFFFF;
	(pc) =	sbr.abs _section_cstart, $3  }
0x3e: {  	[dreg:$0x1] =	wrdreg $0xFFFFFFFF  }
0x3f: {  	_ =	task.clear_ibuf [dreg:s7], $0x2FFFF;
	_ =	strace $0x9FFFFFFF  }
0x40: {  	(tm) =	ssettm $0x7FFFFFFF  }
0x41: {  	_ =	shalt  }
tec
execute0_lowered:
.L_overlay_start_1:
0x0: {  	(tag) =	ssettag $0x1  }
0x1: {  	s0 =	stileid.u32;
	s6 =	rddreg [dreg:$0x0]  }
0x2: {  	s2 =	rddreg [dreg:$0x1];
	s5 =	srdreg.scid  }
0x3: {  	s31 =	simm.s32 $0x2;
	s13 =	simm.s32 $0x0;
	s1 =	sshll.u32 s0, $0x7  }
0x4: {  	s14 =	simm.s32 $0x0;
	s12 =	simm.s32 $0x0;
	s3 =	sand.u32 $0x380, s1  }
0x5: {  	s5 =	sshll.u32 s5, $0x4;
	s6 =	sadd.s32 $0x3400, s6;
	s4 =	ssub.s32 $0x400, s3  }
0x6: {  	s1 =	rddreg [dreg:$0x2];
	_ =	strace $0x8000004A;
	s7 =	sand.u32 $0x380, s4  }
0x7: {  	s5 =	sand.u32 $0x10, s5;
	p0 =	sne.s32 s7, $0x0;
	s7 =	simm.s32 $0x1  }
.Ltmp0:
0x8: {  	s8 =	sshrl.u32 s4, $0xA;
	s7 =	simm.s32 @!p0 $0x0;
	(pc) =	sbr.rel .LBB1_1-.Ltmp0, $4  }
0x9: {  	s9 =	sor.u32 s0, s5;
	s4 =	simm.s32 $0x1;
	s30 =	sadd.s32 s7, s8  }
0xa: {  	s11 =	smov.u32 s3;
	[sflag:s4] =	ssyncpa.u1 $0x0;
	s5 =	smul.u32 $0x32, s30  }
0xb: {  	[sflag:s31] =	ssyncpa.u1 $0x0;
	p0 =	por $0x0, $0x0;
	s7 =	sshrl.u32 s9, $0x3  }
0xc: {  	s9 =	simm.s32 $0x2000;
	s10 =	smov.u32 s7;
	s8 =	sor.u32 $0x1, s5  }
.LBB1_4:
0xd: {  	s17 =	sand.u32 $0x1F80, s14;
	s13 =	sshll.u32 s13, $0xD  }
0xe: {  	[tilespmem:s16+$0x810 ss:$0x81] =	vst.msk $0xffff, v2;
	s18 =	sshrl.u32 s14, $0x3;
	s31 =	sand.u32 $0x7, s14;
	s17 =	sadd.s32 s2, s17  }
0xf: {  	[tilespmem:s16+$0x1020 ss:$0x81] =	vst.msk $0xffff, v0;
	s18 =	sand.u32 $0xF, s18;
	s14 =	sshll.u32 s31, $0x12;
	s13 =	sadd.s32 s13, s17  }
0x10: {  	[tilespmem:s16+$0x0 ss:$0x81] =	vst.msk $0xffff, v1;
	s14 =	sor.u32 $0x400, s14;
	s13 =	sadd.s32 s18, s13  }
0x11: {  	[hbm4b:s13+s14] =	stream.strided.scatter [tilespmem:s15], [sflag:$0x2], $0x2000, s9, s14, $0x20;
	[tilespmem:$0x8080] =	vst v63  }
.LBB1_5:
0x12: {  	s15 =	sadd.s32 $0x4, s10  }
0x13: {  	s13 =	sadd.s32 $0x400, s11;
	s17 =	smov.u32 s11;
	p2 =	sgt.s32 s15, $0xC7  }
0x14: {  	s17 =	smov.u32 @p2 s13  }
0x15: {  	s15 =	smov.u32 @p2 s7;
	p2 =	sgt.s32 s17, $0x3FF  }
0x16: {  	s17 =	smov.u32 @p2 s3;
	p2 =	sne.s32 s12, s8  }
.Ltmp1:
0x17: {  	p1 =	slt.u32 s12, $0x2;
	(pc) =	sbr.rel @!p2 .LBB1_6-.Ltmp1, $4  }
0x18: {  	s16 =	simm.s32 @!p1 $0x2  }
0x19: {  	s14 =	smov.u32 s11;
	p0 =	por !p0, !p0;
	_ =	swait.ge @!p1 [sflag:s16], $0x2000  }
0x1a: {  	s13 =	smov.u32 s10;
	[sflag:s16] =	ssyncset.done @!p1 $0x0;
	s10 =	smov.u32 s15  }
0x1b: {  	s12 =	sadd.s32 $0x1, s12;
	[sflag:s16] =	ssyncadd.s32 @!p1 $0xFFFFE000;
	s11 =	smov.u32 s17  }
.LBB1_1:
0x1c: {  	p1 =	sge.u32 s12, s5  }
0x1d: {  	s15 =	sand.u32 @!p1 $0x1FFFFFF, s10  }
0x1e: {  	s16 =	smulhi.u32 @!p1 $0x147AE15, s15;
	_ =	sdelay $0x1  }
0x1f: {  	s16 =	smul.u32 @!p1 $0xC8, s16  }
0x20: {  	s17 =	sxor.u32 @!p1 $0xFFFFFFFF, s12;
	s18 =	smul.u32 @!p1 $0xC80, s11  }
0x21: {  	s31 =	sadd.s32 $0xFFFFFFFF, s12;
	s17 =	sshll.u32 @!p1 s17, $0xD;
	s15 =	ssub.s32 @!p1 s15, s16  }
0x22: {  	s16 =	sand.u32 @!p1 $0x2000, s17;
	s17 =	sadd.s32 @!p1 s6, s18;
	s15 =	sshll.u32 @!p1 s15, $0x4  }
0x23: {  	s18 =	simm.s32 @!p1 $0x6400;
	s15 =	sadd.s32 @!p1 s15, s17;
	s17 =	simm.s32 @!p1 $0x40  }
0x24: {  	[tilespmem:s16], [sflag:$0x1] =	stream.strided.gather @!p1 [hbm4b:s15+s17], $0x2000, s18, s17, $0x38;
	[tilespmem:$0x8080] =	vst v63  }
0x25: {  	p1 =	sge.u32 s31, s5  }
.Ltmp2:
0x26: {  	_ = 	snop;
	(pc) =	sbr.rel @p1 .LBB1_5-.Ltmp2, $1  }
0x27: {  	_ =	sdelay $0x3  }
0x28: {  	s15 =	simm.s32 $0x1  }
0x29: {  	_ =	swait.ge [sflag:s4], $0x2000;
	s15 =	simm.s32 @!p0 $0x0  }
0x2a: {  	[sflag:s4] =	ssyncset.done $0x0;
	s16 =	sshll.u32 s15, $0xD  }
0x2b: {  	[sflag:s4] =	ssyncadd.s32 $0xFFFFE000;
	s19 =	sor.u32 $0x20, s16  }
0x2c: {  	s15 =	smul.u32 $0x8100, s15;
	v3 =	vld [tilespmem:s19+$0x10]  }
0x2d: {  	s30 =	sand.u32 $0x1, s12;
	v2 =	vld [tilespmem:s19+$0xFFFFFFF0]  }
0x2e: {  	s16 =	smul.u32 $0x8100, s30;
	s15 =	sshrl.u32 s15, $0x2;
	v0 =	vld [tilespmem:s19+$0x0]  }
0x2f: {  	v1 =	vld [tilespmem:s19+$0xFFFFFFE0];
	s17 =	sor.u32 $0x4000, s15  }
0x30: {  	s31 =	sshrl.u32 s16, $0x2;
	s16 =	sadd.s32 $0x0, s17  }
0x31: {  	s18 =	simm.s32 $0x4;
	s19 =	sadd.s32 $0x40, s19;
	s15 =	sor.u32 $0x4000, s31;
	[tilespmem:s16+$0x1830 ss:$0x81] =	vst.msk $0xffff, v3  }
.LBB1_3:
0x32: {  	v3 =	vld [tilespmem:s19+$0x10];
	p1 =	sne.s32 s18, $0x1FC;
	[tilespmem:s16+$0x810 ss:$0x81] =	vst.msk $0xffff, v2;
	s20 =	smov.u32 s18;
	s18 =	sadd.s32 $0x4, s18  }
.Ltmp3:
0x33: {  	v2 =	vld [tilespmem:s19+$0xFFFFFFF0];
	[tilespmem:s16+$0x1020 ss:$0x81] =	vst.msk $0xffff, v0;
	(pc) =	sbr.rel @p1 .LBB1_3-.Ltmp3, $4  }
0x34: {  	v0 =	vld [tilespmem:s19+$0x0];
	[tilespmem:s16+$0x0 ss:$0x81] =	vst.msk $0xffff, v1  }
0x35: {  	s16 =	sshra.s32 s20, $0x2;
	v1 =	vld [tilespmem:s19+$0xFFFFFFE0]  }
0x36: {  	s16 =	sadd.s32 s16, s17  }
0x37: {  	s19 =	sadd.s32 $0x40, s19;
	[tilespmem:s16+$0x1830 ss:$0x81] =	vst.msk $0xffff, v3  }
.Ltmp4:
0x38: {  	_ = 	snop;
	(pc) =	sbr.rel .LBB1_4-.Ltmp4, $1  }
0x39: {  	_ =	sdelay $0x3  }
.LBB1_6:
0x3a: {  	_ =	sfence.sel $0x180000  }
0x3b: {  	s2 =	simm.s32 $0x1;
	[bflag:$0x0] =	sbarrier.arrive $0xFFFF  }
0x3c: {  	s31 =	simm.s32 $0x2;
	[sflag:s2] =	ssyncpa.u1 $0x1  }
0x3d: {  	[sflag:s31] =	ssyncpa.u1 $0x1  }
0x3e: {  	p0 =	sne.s32 s0, $0x0;
	_ =	strace $0x9000004A  }
0x3f: {  	s0 =	sadd.s32 @!p0 $0x100000, s1;
	[bflag:$0x2] =	sbarrier.arrive $0xFFFF  }
0x40: {  	[sflag:s0] =	ssyncadd.tile.s32 @!p0 $0x1;
	_ =	shalt  }
.Lfunc_end1:
_tile_overlayer_lowered:
.L_overlay_start_2:
0x41: {  	(tag) =	ssettag $0x2  }
0x42: {  	s0 =	rddreg [dreg:$0x0];
	s2 =	stileid.u32  }
0x43: {  	s1 =	rddreg [dreg:$0x1];
	p0 =	sne.s32 s2, $0x0  }
0x44: {  	s3 =	rddreg [dreg:$0x2];
	[bflag:$0x3] =	sbarrier.arrive $0xFFFF;
	s2 =	simm.s32 @!p0 $0x1C01  }
0x45: {  	[timem:s3], [sflag:s2] =	dma.local @!p0 [hbm:s0], s1  }
0x46: {  	s0 =	simm.s32 @!p0 $0x1  }
0x47: {  	_ =	swait.ge @!p0 [sflag:s0], s1  }
0x48: {  	s1 =	ssub.s32 @!p0 $0x0, s1;
	[sflag:s0] =	ssyncset.done @!p0 $0x0  }
0x49: {  	[sflag:s0] =	ssyncadd.s32 @!p0 s1  }
0x4a: {  	[bflag:$0x3] =	sbarrier.arrive $0xFFFF  }
0x4b: {  	_ =	shalt  }

// kernel: sparse-core-data-format-call.cloned.1.call-start
scs
called_computation_lowered:
.L_overlay_start_0:
0x0: {  	s2 =	sld [smem:$0x3FD9]  }
0x1: {  	s3 =	sld [smem:$0x3FFE];
	_ =	sdelay $0x1  }
0x2: {  	s1 =	srdreg.scid  }
0x3: {  	s0 =	sand.u32 $0x1, s1  }
0x4: {  	s16 =	sshll.u32 s0, $0xA;
	s2 =	sadd.s32 s3, s2  }
0x5: {  	s2 =	sadd.s32 s2, s16  }
0x6: {  	[smem:$0x3FC2] =	sst s2  }
0x7: {  	_ = 	snop  }
0x8: {  	s2 =	sld [smem:$0x3FD0];
	_ =	sdelay $0x2  }
0x9: {  	s17 =	simm.s32 $0xB;
	s4 =	simm.s32 $0x10  }
0xa: {  	[smem:s4], [sflag:s17] =	dma.local [hbm:s2], $0x1  }
0xb: {  	_ =	swait.eq [sflag:s17], $0x1  }
0xc: {  	[sflag:s17] =	ssyncset.done $0x0  }
0xd: {  	[sflag:s17] =	ssyncadd.s32 $0xFFFFFFFF  }
0xe: {  	s18 =	sld [smem:$0x11];
	(tm) =	ssettm $0x1  }
0xf: {  	s19 =	sld [smem:$0x3FFB];
	_ =	sdelay $0x3  }
0x10: {  	_ =	strace s19  }
0x11: {  	s2 =	sld [smem:$0x3FFC];
	_ =	sdelay $0x3  }
0x12: {  	_ =	strace s2  }
0x13: {  	s2 =	sld [smem:$0x3FFD];
	_ =	sdelay $0x3  }
0x14: {  	_ =	strace s2  }
0x15: {  	_ =	strace $0x8FFFFFFF  }
0x16: {  	s20 =	sld [smem:$0x3FDB];
	_ =	sdelay $0x1  }
0x17: {  	s21 =	simm.s32 $_scs_section_size  }
0x18: {  	s5 =	simm.s32 $_size__tile_overlayer_lowered;
	s6 =	simm.s32 $_tile_overlayer_lowered  }
0x19: {  	s7 =	simm.s32 $0x1BFF;
	s22 =	sshll.u32 s6, $0x1;
	s4 =	sadd.s32 s21, s20  }
0x1a: {  	s23 =	simm.s32 $0x0;
	s5 =	sshll.u32 s5, $0x1;
	s6 =	sadd.s32 s22, s4  }
0x1b: {  	[timem:s23], [sflag:s7] =	dma.local [hbm:s6], s5  }
0x1c: {  	_ =	swait.ge [sflag:s7], s5  }
0x1d: {  	s5 =	ssub.s32 $0x0, s5;
	[sflag:s7] =	ssyncset.done $0x0  }
0x1e: {  	[sflag:s7] =	ssyncadd.s32 s5;
	_ =	sdelay $0x1  }
0x1f: {  	s24 =	simm.s32 $0x1B8B  }
0x20: {  	_ =	swait.ge [sflag:s24], $0x1  }
0x21: {  	[sflag:s24] =	ssyncset.done $0x0  }
0x22: {  	[sflag:s24] =	ssyncadd.s32 $0xFFFFFFFF  }
0x23: {  	s5 =	sld [smem:$0x0]  }
0x24: {  	s6 =	sand.u32 $0xFFFFFFFE, s1  }
0x25: {  	p0 =	sne.s32 s1, s6  }
0x26: {  	s6 =	sshll.u32 @p0 s6, $0xE  }
0x27: {  	s6 =	sadd.s32 @p0 $0x11B8D, s6;
	s7 =	sshll.u32 @p0 s5, $0x11  }
0x28: {  	s6 =	sor.u32 @p0 s7, s6  }
0x29: {  	[sflag:s6] =	ssyncadd.remote.s32 @p0 $0x1;
	_ =	sdelay $0x1  }
0x2a: {  	s6 =	simm.s32 @p0 $0x1B8D  }
0x2b: {  	_ =	swait.eq @p0 [sflag:s6], $0x1  }
0x2c: {  	[sflag:s6] =	ssyncadd.s32 @p0 $0xFFFFFFFF  }
0x2d: {  	s7 =	sshll.u32 @!p0 s1, $0xE  }
0x2e: {  	s7 =	sor.u32 @!p0 $0x4000, s7;
	s6 =	simm.s32 @!p0 $0x1B8D  }
0x2f: {  	s5 =	sshll.u32 @!p0 s5, $0x11;
	s7 =	sadd.s32 @!p0 $0x11B8D, s7;
	_ =	swait.eq @!p0 [sflag:s6], $0x1  }
0x30: {  	s5 =	sor.u32 @!p0 s5, s7;
	[sflag:s6] =	ssyncadd.s32 @!p0 $0xFFFFFFFF  }
0x31: {  	s26 =	simm.s32 $0x1B8E;
	s25 =	sld [smem:$0x3FFE];
	[sflag:s5] =	ssyncadd.remote.s32 @!p0 $0x1  }
0x32: {  	s27 =	simm.s32 $execute0_lowered;
	[smem:$0x3FD2] =	sst s26  }
0x33: {  	s6 =	sshll.u32 s27, $0x1;
	_ =	strace $0x8000004C;
	[dreg:$0x1] =	wrdreg $0xFFFFFFFF  }
0x34: {  	s28 =	simm.s32 $_size_execute0_lowered;
	s4 =	sadd.s32 s4, s6;
	[dreg:$0x0] =	wrdreg $0x0  }
0x35: {  	s6 =	sshll.u32 s28, $0x1;
	[dreg:$0x2] =	wrdreg s4  }
0x36: {  	[dreg:$0x3] =	wrdreg s6  }
0x37: {  	[dreg:$0x4] =	wrdreg $0xC0  }
0x38: {  	_ =	task [dreg:s23], $0x5FFFF  }
0x39: {  	[dreg:$0x1] =	wrdreg $0xFFFFFFFF  }
0x3a: {  	[dreg:$0x0] =	wrdreg $0x60  }
0x3b: {  	[dreg:$0x2] =	wrdreg s25  }
0x3c: {  	[dreg:$0x3] =	wrdreg s18  }
0x3d: {  	[dreg:$0x4] =	wrdreg $0x9  }
0x3e: {  	_ =	task.clear_ibuf [dreg:s23], $0x5FFFF;
	_ =	strace $0x9000004C  }
0x3f: {  	s29 =	simm.s32 $0x9;
	_ =	strace $0x8000004E  }
0x40: {  	_ =	swait.ge [sflag:s29], $0x1  }
0x41: {  	[sflag:s29] =	ssyncadd.s32 $0xFFFFFFFF  }
0x42: {  	_ =	strace $0x9000004E  }
0x43: {  	_ =	sfence  }
0x44: {  	s30 =	sld [smem:$0x0];
	_ =	sdelay $0x2  }
0x45: {  	s31 =	sshll.u32 s1, $0xD;
	s1 =	sshrl.u32 s1, $0x2  }
0x46: {  	s4 =	sand.u32 $0x4000, s31;
	s1 =	sadd.s32 s1, s30  }
0x47: {  	s0 =	sor.u32 s4, s0;
	s1 =	sshll.u32 s1, $0x11  }
0x48: {  	s0 =	sor.u32 s1, s0  }
0x49: {  	s0 =	sadd.s32 $0x8F2B, s0  }
0x4a: {  	[sflag:s0] =	ssyncadd.remote.s32 $0x1  }
0x4b: {  	_ =	sfence.sel $0xFFFF  }
0x4c: {  	[dreg:$0x0] =	wrdreg $0xFFFFFFFF;
	(pc) =	sbr.abs _section_cstart, $3  }
0x4d: {  	[dreg:$0x1] =	wrdreg $0xFFFFFFFF  }
0x4e: {  	_ =	task.clear_ibuf [dreg:s23], $0x2FFFF;
	_ =	strace $0x9FFFFFFF  }
0x4f: {  	(tm) =	ssettm $0x7FFFFFFF  }
tec
execute0_lowered:
.L_overlay_start_1:
0x0: {  	(tag) =	ssettag $0x1  }
0x1: {  	s0 =	stileid.u32;
	s6 =	rddreg [dreg:$0x0]  }
0x2: {  	s2 =	rddreg [dreg:$0x1];
	s5 =	srdreg.scid  }
0x3: {  	s31 =	simm.s32 $0x2;
	s13 =	simm.s32 $0x0;
	s1 =	sshll.u32 s0, $0x7  }
0x4: {  	s14 =	simm.s32 $0x0;
	s12 =	simm.s32 $0x0;
	s3 =	sand.u32 $0x380, s1  }
0x5: {  	s5 =	sshll.u32 s5, $0x4;
	s6 =	sadd.s32 $0x323400, s6;
	s4 =	ssub.s32 $0x400, s3  }
0x6: {  	s1 =	rddreg [dreg:$0x2];
	_ =	strace $0x8000004D;
	s7 =	sand.u32 $0x380, s4  }
0x7: {  	s5 =	sand.u32 $0x10, s5;
	p0 =	sne.s32 s7, $0x0;
	s7 =	simm.s32 $0x1  }
.Ltmp0:
0x8: {  	s8 =	sshrl.u32 s4, $0xA;
	s7 =	simm.s32 @!p0 $0x0;
	(pc) =	sbr.rel .LBB1_1-.Ltmp0, $4  }
0x9: {  	s9 =	sor.u32 s0, s5;
	s4 =	simm.s32 $0x1;
	s30 =	sadd.s32 s7, s8  }
0xa: {  	s11 =	smov.u32 s3;
	[sflag:s4] =	ssyncpa.u1 $0x0;
	s5 =	smul.u32 $0x32, s30  }
0xb: {  	[sflag:s31] =	ssyncpa.u1 $0x0;
	p0 =	por $0x0, $0x0;
	s7 =	sshrl.u32 s9, $0x3  }
0xc: {  	s9 =	simm.s32 $0x2000;
	s10 =	smov.u32 s7;
	s8 =	sor.u32 $0x1, s5  }
.LBB1_4:
0xd: {  	s17 =	sand.u32 $0x1F80, s14;
	s13 =	sshll.u32 s13, $0xD  }
0xe: {  	[tilespmem:s16+$0x810 ss:$0x81] =	vst.msk $0xffff, v2;
	s18 =	sshrl.u32 s14, $0x3;
	s31 =	sand.u32 $0x7, s14;
	s17 =	sadd.s32 s2, s17  }
0xf: {  	[tilespmem:s16+$0x1020 ss:$0x81] =	vst.msk $0xffff, v0;
	s18 =	sand.u32 $0xF, s18;
	s14 =	sshll.u32 s31, $0x12;
	s13 =	sadd.s32 s13, s17  }
0x10: {  	[tilespmem:s16+$0x0 ss:$0x81] =	vst.msk $0xffff, v1;
	s14 =	sor.u32 $0x400, s14;
	s13 =	sadd.s32 s18, s13  }
0x11: {  	[hbm4b:s13+s14] =	stream.strided.scatter [tilespmem:s15], [sflag:$0x2], $0x2000, s9, s14, $0x20;
	[tilespmem:$0x8080] =	vst v63  }
.LBB1_5:
0x12: {  	s15 =	sadd.s32 $0x4, s10  }
0x13: {  	s13 =	sadd.s32 $0x400, s11;
	s17 =	smov.u32 s11;
	p2 =	sgt.s32 s15, $0xC7  }
0x14: {  	s17 =	smov.u32 @p2 s13  }
0x15: {  	s15 =	smov.u32 @p2 s7;
	p2 =	sgt.s32 s17, $0x3FF  }
0x16: {  	s17 =	smov.u32 @p2 s3;
	p2 =	sne.s32 s12, s8  }
.Ltmp1:
0x17: {  	p1 =	slt.u32 s12, $0x2;
	(pc) =	sbr.rel @!p2 .LBB1_6-.Ltmp1, $4  }
0x18: {  	s16 =	simm.s32 @!p1 $0x2  }
0x19: {  	s14 =	smov.u32 s11;
	p0 =	por !p0, !p0;
	_ =	swait.ge @!p1 [sflag:s16], $0x2000  }
0x1a: {  	s13 =	smov.u32 s10;
	[sflag:s16] =	ssyncset.done @!p1 $0x0;
	s10 =	smov.u32 s15  }
0x1b: {  	s12 =	sadd.s32 $0x1, s12;
	[sflag:s16] =	ssyncadd.s32 @!p1 $0xFFFFE000;
	s11 =	smov.u32 s17  }
.LBB1_1:
0x1c: {  	p1 =	sge.u32 s12, s5  }
0x1d: {  	s15 =	sand.u32 @!p1 $0x1FFFFFF, s10  }
0x1e: {  	s16 =	smulhi.u32 @!p1 $0x147AE15, s15;
	_ =	sdelay $0x1  }
0x1f: {  	s16 =	smul.u32 @!p1 $0xC8, s16  }
0x20: {  	s17 =	sxor.u32 @!p1 $0xFFFFFFFF, s12;
	s18 =	smul.u32 @!p1 $0xC80, s11  }
0x21: {  	s31 =	sadd.s32 $0xFFFFFFFF, s12;
	s17 =	sshll.u32 @!p1 s17, $0xD;
	s15 =	ssub.s32 @!p1 s15, s16  }
0x22: {  	s16 =	sand.u32 @!p1 $0x2000, s17;
	s17 =	sadd.s32 @!p1 s6, s18;
	s15 =	sshll.u32 @!p1 s15, $0x4  }
0x23: {  	s18 =	simm.s32 @!p1 $0x6400;
	s15 =	sadd.s32 @!p1 s15, s17;
	s17 =	simm.s32 @!p1 $0x40  }
0x24: {  	[tilespmem:s16], [sflag:$0x1] =	stream.strided.gather @!p1 [hbm4b:s15+s17], $0x2000, s18, s17, $0x38;
	[tilespmem:$0x8080] =	vst v63  }
0x25: {  	p1 =	sge.u32 s31, s5  }
.Ltmp2:
0x26: {  	_ = 	snop;
	(pc) =	sbr.rel @p1 .LBB1_5-.Ltmp2, $1  }
0x27: {  	_ =	sdelay $0x3  }
0x28: {  	s15 =	simm.s32 $0x1  }
0x29: {  	_ =	swait.ge [sflag:s4], $0x2000;
	s15 =	simm.s32 @!p0 $0x0  }
0x2a: {  	[sflag:s4] =	ssyncset.done $0x0;
	s16 =	sshll.u32 s15, $0xD  }
0x2b: {  	[sflag:s4] =	ssyncadd.s32 $0xFFFFE000;
	s19 =	sor.u32 $0x20, s16  }
0x2c: {  	s15 =	smul.u32 $0x8100, s15;
	v3 =	vld [tilespmem:s19+$0x10]  }
0x2d: {  	s30 =	sand.u32 $0x1, s12;
	v2 =	vld [tilespmem:s19+$0xFFFFFFF0]  }
0x2e: {  	s16 =	smul.u32 $0x8100, s30;
	s15 =	sshrl.u32 s15, $0x2;
	v0 =	vld [tilespmem:s19+$0x0]  }
0x2f: {  	v1 =	vld [tilespmem:s19+$0xFFFFFFE0];
	s17 =	sor.u32 $0x4000, s15  }
0x30: {  	s31 =	sshrl.u32 s16, $0x2;
	s16 =	sadd.s32 $0x0, s17  }
0x31: {  	s18 =	simm.s32 $0x4;
	s19 =	sadd.s32 $0x40, s19;
	s15 =	sor.u32 $0x4000, s31;
	[tilespmem:s16+$0x1830 ss:$0x81] =	vst.msk $0xffff, v3  }
.LBB1_3:
0x32: {  	v3 =	vld [tilespmem:s19+$0x10];
	p1 =	sne.s32 s18, $0x1FC;
	[tilespmem:s16+$0x810 ss:$0x81] =	vst.msk $0xffff, v2;
	s20 =	smov.u32 s18;
	s18 =	sadd.s32 $0x4, s18  }
.Ltmp3:
0x33: {  	v2 =	vld [tilespmem:s19+$0xFFFFFFF0];
	[tilespmem:s16+$0x1020 ss:$0x81] =	vst.msk $0xffff, v0;
	(pc) =	sbr.rel @p1 .LBB1_3-.Ltmp3, $4  }
0x34: {  	v0 =	vld [tilespmem:s19+$0x0];
	[tilespmem:s16+$0x0 ss:$0x81] =	vst.msk $0xffff, v1  }
0x35: {  	s16 =	sshra.s32 s20, $0x2;
	v1 =	vld [tilespmem:s19+$0xFFFFFFE0]  }
0x36: {  	s16 =	sadd.s32 s16, s17  }
0x37: {  	s19 =	sadd.s32 $0x40, s19;
	[tilespmem:s16+$0x1830 ss:$0x81] =	vst.msk $0xffff, v3  }
.Ltmp4:
0x38: {  	_ = 	snop;
	(pc) =	sbr.rel .LBB1_4-.Ltmp4, $1  }
0x39: {  	_ =	sdelay $0x3  }
.LBB1_6:
0x3a: {  	_ =	sfence.sel $0x180000  }
0x3b: {  	s2 =	simm.s32 $0x1;
	[bflag:$0x0] =	sbarrier.arrive $0xFFFF  }
0x3c: {  	s31 =	simm.s32 $0x2;
	[sflag:s2] =	ssyncpa.u1 $0x1  }
0x3d: {  	[sflag:s31] =	ssyncpa.u1 $0x1  }
0x3e: {  	p0 =	sne.s32 s0, $0x0;
	_ =	strace $0x9000004D  }
0x3f: {  	s0 =	sadd.s32 @!p0 $0x100000, s1;
	[bflag:$0x2] =	sbarrier.arrive $0xFFFF  }
0x40: {  	[sflag:s0] =	ssyncadd.tile.s32 @!p0 $0x1;
	_ =	shalt  }
.Lfunc_end1:
_tile_overlayer_lowered:
.L_overlay_start_2:
0x41: {  	(tag) =	ssettag $0x2  }
0x42: {  	s0 =	rddreg [dreg:$0x0];
	s2 =	stileid.u32  }
0x43: {  	s1 =	rddreg [dreg:$0x1];
	p0 =	sne.s32 s2, $0x0  }
0x44: {  	s3 =	rddreg [dreg:$0x2];
	[bflag:$0x3] =	sbarrier.arrive $0xFFFF;
	s2 =	simm.s32 @!p0 $0x1C01  }
0x45: {  	[timem:s3], [sflag:s2] =	dma.local @!p0 [hbm:s0], s1  }
0x46: {  	s0 =	simm.s32 @!p0 $0x1  }
0x47: {  	_ =	swait.ge @!p0 [sflag:s0], s1  }
0x48: {  	s1 =	ssub.s32 @!p0 $0x0, s1;
	[sflag:s0] =	ssyncset.done @!p0 $0x0  }
0x49: {  	[sflag:s0] =	ssyncadd.s32 @!p0 s1  }
0x4a: {  	[bflag:$0x3] =	sbarrier.arrive $0xFFFF  }
0x4b: {  	_ =	shalt  }

</sc_bundles>
